<compile_context>
chip_gen: v7x
topology: tpu7x:2x2x1
jax: 0.10.2.dev20260603
libtpu: 0.0.44.dev20260713+nightly
codegen_flags: <defaults>
</compile_context>

<pallas_src>
import jax
import jax.numpy as jnp
from jax import lax
from jax.experimental import pallas as pl
from jax.experimental.pallas import tpu as pltpu
from jax.experimental.pallas import tpu_sc as plsc

N_NODES = 10000
N_EDGES = 320000
D_IN = 128
D_HID = 32

NC, NS = 2, 16
NW = NC * NS
CHUNK = 125
EPW = N_EDGES // NW
NCHUNK = EPW // CHUNK
ACC_N = N_NODES
NPACKA = ACC_N * 32 // 128
NBUF = 10
AHEAD = 5

def _sc_mesh():
    return plsc.VectorSubcoreMesh(core_axis_name="c", subcore_axis_name="s",
                                  num_cores=NC, num_subcores=NS)


def _seg_sum_sc(table, src3, dst3, z32):
    scratch = [
        pltpu.VMEM((NCHUNK, CHUNK), jnp.int32),
        pltpu.VMEM((NCHUNK, CHUNK), jnp.int32),
        [pltpu.VMEM((CHUNK, 32), jnp.float32)] * NBUF,
        [pltpu.SemaphoreType.DMA] * NBUF,
        [pltpu.SemaphoreType.DMA] * NBUF,
        pltpu.VMEM_SHARED((ACC_N, 32), jnp.float32),
    ]

    def body(table_hbm, src_hbm, dst_hbm, z32_hbm, sums_hbm,
             sidx, didx, rows, gsem, ssem, acc):
        cid = lax.axis_index("c")
        sid = lax.axis_index("s")
        wid = sid * NC + cid

        @pl.when(sid == 0)
        def _():
            pltpu.sync_copy(z32_hbm, acc)

        pltpu.sync_copy(src_hbm.at[wid], sidx)
        pltpu.sync_copy(dst_hbm.at[wid], didx)
        plsc.subcore_barrier()

        for k in range(AHEAD):
            pltpu.async_copy(table_hbm.at[sidx.at[k]], rows[k], gsem[k])

        @pl.loop(0, NCHUNK, step=NBUF)
        def _(t):
            for k in range(NBUF):
                tt = t + k
                nb = (k + AHEAD) % NBUF
                pltpu.make_async_copy(
                    table_hbm.at[sidx.at[tt]], rows[k], gsem[k]).wait()
                pltpu.async_copy(rows[k], acc.at[didx.at[tt]], ssem[k],
                                 add=True)

                @pl.when(tt + AHEAD < NCHUNK)
                def _():
                    @pl.when(tt >= NBUF - AHEAD)
                    def _():
                        pltpu.make_async_copy(
                            rows[nb], acc.at[didx.at[tt - AHEAD]],
                            ssem[nb]).wait()
                    pltpu.async_copy(
                        table_hbm.at[sidx.at[tt + AHEAD]], rows[nb], gsem[nb])

        for k in range(NBUF):
            tt = NCHUNK - NBUF + k
            pltpu.make_async_copy(
                rows[k], acc.at[didx.at[tt]], ssem[k]).wait()

        plsc.subcore_barrier()

        @pl.when(sid == 0)
        def _():
            pltpu.sync_copy(acc, sums_hbm.at[cid])

    kern = pl.kernel(
        body, out_type=jax.ShapeDtypeStruct((NC, ACC_N, 32), jnp.float32),
        mesh=_sc_mesh(), scratch_types=scratch,
        compiler_params=pltpu.CompilerParams(use_tc_tiling_on_sc=False))
    return kern(table, src3, dst3, z32)


def _sc_counts(dst3, z32):
    scratch = [
        pltpu.VMEM((NCHUNK, CHUNK), jnp.int32),
        pltpu.VMEM((CHUNK, 32), jnp.float32),
        pltpu.VMEM_SHARED((ACC_N, 32), jnp.float32),
        pltpu.SemaphoreType.DMA,
    ]

    def body(dst_hbm, z32_hbm, cnts_hbm, didx, ones_v, cacc, csem):
        cid = lax.axis_index("c")
        sid = lax.axis_index("s")
        wid = sid * NC + cid

        @pl.when(sid == 0)
        def _():
            pltpu.sync_copy(z32_hbm, cacc)

        @pl.loop(0, CHUNK)
        def _(j):
            ones_v[j, 0:16] = jnp.full((16,), 1.0, jnp.float32)
            ones_v[j, 16:32] = jnp.full((16,), 1.0, jnp.float32)

        pltpu.sync_copy(dst_hbm.at[wid], didx)
        plsc.subcore_barrier()

        @pl.loop(0, NCHUNK)
        def _(t):
            pltpu.async_copy(ones_v, cacc.at[didx.at[t]], csem, add=True)

            @pl.when(t >= NBUF)
            def _():
                pltpu.make_async_copy(
                    ones_v, cacc.at[didx.at[t - NBUF]], csem).wait()

        for k in range(NBUF):
            tt = NCHUNK - NBUF + k
            pltpu.make_async_copy(ones_v, cacc.at[didx.at[tt]], csem).wait()

        plsc.subcore_barrier()

        @pl.when(sid == 0)
        def _():
            pltpu.sync_copy(cacc, cnts_hbm.at[cid])

    kern = pl.kernel(
        body, out_type=jax.ShapeDtypeStruct((NC, ACC_N, 32), jnp.float32),
        mesh=_sc_mesh(), scratch_types=scratch,
        compiler_params=pltpu.CompilerParams(use_tc_tiling_on_sc=False))
    return kern(dst3, z32)


def _tc_project(x, wcat):
    n, dout = x.shape[0], wcat.shape[1] // 2

    def body(x_ref, w_ref, p_ref, r_ref):
        xw = jnp.dot(x_ref[...], w_ref[...], preferred_element_type=jnp.float32)
        p_ref[...] = xw[:, :dout]
        r_ref[...] = xw[:, dout:]

    return pl.pallas_call(
        body,
        out_shape=(jax.ShapeDtypeStruct((n, dout), jnp.float32),
                   jax.ShapeDtypeStruct((n, dout), jnp.float32)),
    )(x, wcat)


NPACK = N_NODES // 4


def _tc_combine1(sums, cnts, r1p, b1p, w2blk):

    def body(s_ref, c_ref, r_ref, b_ref, w_ref, p_ref, q_ref, rc_ref):
        rinv = 1.0 / jnp.maximum(c_ref[0, :NPACK] + c_ref[1, :NPACK], 1.0)
        rc_ref[...] = rinv
        h = jnp.maximum(
            (s_ref[0, :NPACK] + s_ref[1, :NPACK]) * rinv + r_ref[...]
            + b_ref[...], 0.0)
        hw = jnp.dot(h, w_ref[...], preferred_element_type=jnp.float32)
        p_ref[...] = hw[:, :128]
        q_ref[...] = hw[:, 128:]

    return pl.pallas_call(
        body,
        out_shape=(jax.ShapeDtypeStruct((NPACK, 128), jnp.float32),
                   jax.ShapeDtypeStruct((NPACK, 128), jnp.float32),
                   jax.ShapeDtypeStruct((NPACK, 128), jnp.float32)),
    )(sums, cnts, r1p, b1p, w2blk)


def _tc_combine2(sums, rcp, r2p, b2p):

    def body(s_ref, rc_ref, r_ref, b_ref, out_ref):
        out_ref[...] = ((s_ref[0, :NPACK] + s_ref[1, :NPACK]) * rc_ref[...]
                        + r_ref[...] + b_ref[...])

    return pl.pallas_call(
        body,
        out_shape=jax.ShapeDtypeStruct((NPACK, 128), jnp.float32),
    )(sums, rcp, r2p, b2p)


def kernel(x, edge_index, W1_l, W1_r, b1, W2_l, W2_r, b2):
    src3 = edge_index[0].astype(jnp.int32).reshape(NW, NCHUNK, CHUNK)
    dst3 = edge_index[1].astype(jnp.int32).reshape(NW, NCHUNK, CHUNK)
    z32 = jnp.zeros((ACC_N, 32), jnp.float32)
    w1cat = jnp.concatenate([W1_l, W1_r], axis=1)
    eye4 = jnp.eye(4, dtype=jnp.float32)
    w2blk = jnp.concatenate([jnp.kron(eye4, W2_l),
                             jnp.kron(eye4, W2_r)], axis=1)
    b1p = jnp.tile(b1, 4).reshape(1, 128)
    b2p = jnp.tile(b2, 4).reshape(1, 128)

    cnts = _sc_counts(dst3, z32)
    p1, r1 = _tc_project(x, w1cat)
    src3b, cnts = lax.optimization_barrier((src3, cnts))
    sums1 = _seg_sum_sc(p1, src3b, dst3, z32)
    p2p, r2p, rcp = _tc_combine1(sums1.reshape(NC, NPACKA, 128),
                                 cnts.reshape(NC, NPACKA, 128),
                                 r1.reshape(NPACK, 128), b1p, w2blk)
    sums2 = _seg_sum_sc(p2p.reshape(N_NODES, D_HID), src3, dst3, z32)
    outp = _tc_combine2(sums2.reshape(NC, NPACKA, 128), rcp, r2p, b2p)
    return outp.reshape(N_NODES, D_HID)

# --- scband reference (transcript-rebuilt; emitter-appended) ---
"""Pipeline reference for scband-graph-sage-1520418422795 (READ-ONLY COPY).

The authoritative reference and input builder live on the scoring server;
editing this copy changes nothing except your own understanding.
"""

import jax, jax.numpy as jnp
import numpy as np

N_NODES = 10000
N_EDGES = 320000
D_IN = 128
D_HID = 32
D_OUT = 32


def setup_inputs(seed: int = 0) -> dict:
    key = jax.random.key(seed)
    ks = jax.random.split(key, 8)
    x = jax.random.normal(ks[0], (N_NODES, D_IN), dtype=jnp.float32)
    edge_index = jax.random.randint(ks[1], (2, N_EDGES), 0, N_NODES, dtype=jnp.int64)
    # SAGEConv params: lin_l applied to aggregated neighbors, lin_r to root.
    s1 = 1.0 / np.sqrt(D_IN)
    s2 = 1.0 / np.sqrt(D_HID)
    W1_l = jax.random.uniform(ks[2], (D_IN, D_HID), minval=-s1, maxval=s1, dtype=jnp.float32)
    W1_r = jax.random.uniform(ks[3], (D_IN, D_HID), minval=-s1, maxval=s1, dtype=jnp.float32)
    b1 = jnp.zeros((D_HID,), dtype=jnp.float32)
    W2_l = jax.random.uniform(ks[4], (D_HID, D_OUT), minval=-s2, maxval=s2, dtype=jnp.float32)
    W2_r = jax.random.uniform(ks[5], (D_HID, D_OUT), minval=-s2, maxval=s2, dtype=jnp.float32)
    b2 = jnp.zeros((D_OUT,), dtype=jnp.float32)
    return {"x": x, "edge_index": edge_index, "W1_l": W1_l, "W1_r": W1_r, "b1": b1,
            "W2_l": W2_l, "W2_r": W2_r, "b2": b2}


def _sage_conv(x, edge_index, W_l, W_r, b):
    # PyG SAGEConv with aggr='mean', root_weight=True:
    #   out = lin_l(mean_{j in N(i)} x_j) + lin_r(x_i) + bias
    src = edge_index[0]
    dst = edge_index[1]
    msgs = jnp.take(x, src, axis=0)                      # gather neighbor feats [E, d]
    agg = jax.ops.segment_sum(msgs, dst, num_segments=x.shape[0])
    cnt = jax.ops.segment_sum(jnp.ones((src.shape[0], 1), dtype=x.dtype), dst,
                              num_segments=x.shape[0])
    agg = agg / jnp.clip(cnt, 1.0, None)                 # mean aggregation
    return agg @ W_l + x @ W_r + b


def reference(x, edge_index, W1_l, W1_r, b1, W2_l, W2_r, b2):
    h = jax.nn.relu(_sage_conv(x, edge_index, W1_l, W1_r, b1))
    out = _sage_conv(h, edge_index, W2_l, W2_r, b2)
    return out

if __name__ == "__main__":
    import jax
    _d = setup_inputs()
    print(jax.jit(kernel)(*tuple(_d.values())))

</pallas_src>

<mosaic_0001>
#map = affine_map<(d0, d1) -> (0, 0)>
#map1 = affine_map<(d0, d1) -> (0, 0, 0)>
module attributes {stable_mosaic.version = 14 : i64} {
  func.func @body(%arg0: i32, %arg1: i32, %arg2: memref<10000x32xf32, #tpu.memory_space<hbm>>, %arg3: memref<32x80x125xi32, #tpu.memory_space<hbm>>, %arg4: memref<32x80x125xi32, #tpu.memory_space<hbm>>, %arg5: memref<10000x32xf32, #tpu.memory_space<hbm>>, %arg6: memref<2x10000x32xf32, #tpu.memory_space<hbm>>, %arg7: memref<80x125xi32, #tpu.memory_space<vmem>>, %arg8: memref<80x125xi32, #tpu.memory_space<vmem>>, %arg9: memref<125x32xf32, #tpu.memory_space<vmem>>, %arg10: memref<125x32xf32, #tpu.memory_space<vmem>>, %arg11: memref<125x32xf32, #tpu.memory_space<vmem>>, %arg12: memref<125x32xf32, #tpu.memory_space<vmem>>, %arg13: memref<125x32xf32, #tpu.memory_space<vmem>>, %arg14: memref<125x32xf32, #tpu.memory_space<vmem>>, %arg15: memref<125x32xf32, #tpu.memory_space<vmem>>, %arg16: memref<125x32xf32, #tpu.memory_space<vmem>>, %arg17: memref<125x32xf32, #tpu.memory_space<vmem>>, %arg18: memref<125x32xf32, #tpu.memory_space<vmem>>, %arg19: memref<!tpu.dma_semaphore, #tpu.memory_space<semaphore_mem>>, %arg20: memref<!tpu.dma_semaphore, #tpu.memory_space<semaphore_mem>>, %arg21: memref<!tpu.dma_semaphore, #tpu.memory_space<semaphore_mem>>, %arg22: memref<!tpu.dma_semaphore, #tpu.memory_space<semaphore_mem>>, %arg23: memref<!tpu.dma_semaphore, #tpu.memory_space<semaphore_mem>>, %arg24: memref<!tpu.dma_semaphore, #tpu.memory_space<semaphore_mem>>, %arg25: memref<!tpu.dma_semaphore, #tpu.memory_space<semaphore_mem>>, %arg26: memref<!tpu.dma_semaphore, #tpu.memory_space<semaphore_mem>>, %arg27: memref<!tpu.dma_semaphore, #tpu.memory_space<semaphore_mem>>, %arg28: memref<!tpu.dma_semaphore, #tpu.memory_space<semaphore_mem>>, %arg29: memref<!tpu.dma_semaphore, #tpu.memory_space<semaphore_mem>>, %arg30: memref<!tpu.dma_semaphore, #tpu.memory_space<semaphore_mem>>, %arg31: memref<!tpu.dma_semaphore, #tpu.memory_space<semaphore_mem>>, %arg32: memref<!tpu.dma_semaphore, #tpu.memory_space<semaphore_mem>>, %arg33: memref<!tpu.dma_semaphore, #tpu.memory_space<semaphore_mem>>, %arg34: memref<!tpu.dma_semaphore, #tpu.memory_space<semaphore_mem>>, %arg35: memref<!tpu.dma_semaphore, #tpu.memory_space<semaphore_mem>>, %arg36: memref<!tpu.dma_semaphore, #tpu.memory_space<semaphore_mem>>, %arg37: memref<!tpu.dma_semaphore, #tpu.memory_space<semaphore_mem>>, %arg38: memref<!tpu.dma_semaphore, #tpu.memory_space<semaphore_mem>>, %arg39: memref<10000x32xf32, #tpu.memory_space<vmem_shared>>) attributes {dimension_semantics = [#tpu.dimension_semantics<core_parallel>, #tpu.dimension_semantics<subcore_parallel>], iteration_bounds = array<i64: 2, 16>, scalar_prefetch = 0 : i64, scratch_operands = 33 : i64, tpu.core_type = #tpu.core_type<sc_vector_subcore>, window_params = [{transform_indices = #map}, {transform_indices = #map1}, {transform_indices = #map1}, {transform_indices = #map}, {transform_indices = #map1}]} {
    %mul3A = arith.constant 2 : i32
    %mul3A_0 = arith.muli %arg1, %mul3A : i32
    %add3A = arith.addi %mul3A_0, %arg0 : i32
    %eq3A = arith.constant 0 : i32
    %eq3A_1 = arith.cmpi eq, %arg1, %eq3A : i32
    %convert_element_type3A = arith.extui %eq3A_1 : i1 to i32
    %cond3A = arith.constant 0 : i32
    %cond3A_2 = arith.cmpi ne, %convert_element_type3A, %cond3A : i32
    scf.if %cond3A_2 {
      "tpu.region"() ({
        %run_scoped3A = tpu.sem_alloc : memref<!tpu.dma_semaphore, #tpu.memory_space<semaphore_mem>>
        tpu.enqueue_dma source(%arg5 : memref<10000x32xf32, #tpu.memory_space<hbm>>) target(%arg39 : memref<10000x32xf32, #tpu.memory_space<vmem_shared>>) target_semaphore(%run_scoped3A : memref<!tpu.dma_semaphore, #tpu.memory_space<semaphore_mem>>)
        tpu.wait_dma2 semaphore(%run_scoped3A : memref<!tpu.dma_semaphore, #tpu.memory_space<semaphore_mem>>) src(%arg5 : memref<10000x32xf32, #tpu.memory_space<hbm>>) dst(%arg39 : memref<10000x32xf32, #tpu.memory_space<vmem_shared>>)
        tpu.yield
      }) : () -> ()
    } else {
    }
    "tpu.region"() ({
      %run_scoped3A = tpu.sem_alloc : memref<!tpu.dma_semaphore, #tpu.memory_space<semaphore_mem>>
      %dma_start3A_116 = arith.constant 0 : i32
      %dma_start3A_117 = arith.constant 0 : i32
      %dma_start3A_118 = tpu.memref_slice %arg3[%add3A, %dma_start3A_116, %dma_start3A_117] : memref<32x80x125xi32, #tpu.memory_space<hbm>> -> memref<1x80x125xi32, #tpu.memory_space<hbm>>
      %dma_start3A_119 = tpu.memref_squeeze %dma_start3A_118 : memref<1x80x125xi32, #tpu.memory_space<hbm>> -> memref<80x125xi32, #tpu.memory_space<hbm>>
      %dma_start3A_120 = arith.constant 0 : i32
      %dma_start3A_121 = arith.constant 0 : i32
      %dma_start3A_122 = tpu.memref_slice %arg3[%add3A, %dma_start3A_120, %dma_start3A_121] : memref<32x80x125xi32, #tpu.memory_space<hbm>> -> memref<1x80x125xi32, #tpu.memory_space<hbm>>
      %dma_start3A_123 = tpu.memref_squeeze %dma_start3A_122 : memref<1x80x125xi32, #tpu.memory_space<hbm>> -> memref<80x125xi32, #tpu.memory_space<hbm>>
      tpu.enqueue_dma source(%dma_start3A_123 : memref<80x125xi32, #tpu.memory_space<hbm>>) target(%arg7 : memref<80x125xi32, #tpu.memory_space<vmem>>) target_semaphore(%run_scoped3A : memref<!tpu.dma_semaphore, #tpu.memory_space<semaphore_mem>>)
      %dma_wait3A_124 = arith.constant 0 : i32
      %dma_wait3A_125 = arith.constant 0 : i32
      %dma_wait3A_126 = tpu.memref_slice %arg3[%add3A, %dma_wait3A_124, %dma_wait3A_125] : memref<32x80x125xi32, #tpu.memory_space<hbm>> -> memref<1x80x125xi32, #tpu.memory_space<hbm>>
      %dma_wait3A_127 = tpu.memref_squeeze %dma_wait3A_126 : memref<1x80x125xi32, #tpu.memory_space<hbm>> -> memref<80x125xi32, #tpu.memory_space<hbm>>
      %dma_wait3A_128 = arith.constant 0 : i32
      %dma_wait3A_129 = arith.constant 0 : i32
      %dma_wait3A_130 = tpu.memref_slice %arg3[%add3A, %dma_wait3A_128, %dma_wait3A_129] : memref<32x80x125xi32, #tpu.memory_space<hbm>> -> memref<1x80x125xi32, #tpu.memory_space<hbm>>
      %dma_wait3A_131 = tpu.memref_squeeze %dma_wait3A_130 : memref<1x80x125xi32, #tpu.memory_space<hbm>> -> memref<80x125xi32, #tpu.memory_space<hbm>>
      tpu.wait_dma2 semaphore(%run_scoped3A : memref<!tpu.dma_semaphore, #tpu.memory_space<semaphore_mem>>) src(%dma_wait3A_131 : memref<80x125xi32, #tpu.memory_space<hbm>>) dst(%arg7 : memref<80x125xi32, #tpu.memory_space<vmem>>)
      tpu.yield
    }) : () -> ()
    "tpu.region"() ({
      %run_scoped3A = tpu.sem_alloc : memref<!tpu.dma_semaphore, #tpu.memory_space<semaphore_mem>>
      %dma_start3A_116 = arith.constant 0 : i32
      %dma_start3A_117 = arith.constant 0 : i32
      %dma_start3A_118 = tpu.memref_slice %arg4[%add3A, %dma_start3A_116, %dma_start3A_117] : memref<32x80x125xi32, #tpu.memory_space<hbm>> -> memref<1x80x125xi32, #tpu.memory_space<hbm>>
      %dma_start3A_119 = tpu.memref_squeeze %dma_start3A_118 : memref<1x80x125xi32, #tpu.memory_space<hbm>> -> memref<80x125xi32, #tpu.memory_space<hbm>>
      %dma_start3A_120 = arith.constant 0 : i32
      %dma_start3A_121 = arith.constant 0 : i32
      %dma_start3A_122 = tpu.memref_slice %arg4[%add3A, %dma_start3A_120, %dma_start3A_121] : memref<32x80x125xi32, #tpu.memory_space<hbm>> -> memref<1x80x125xi32, #tpu.memory_space<hbm>>
      %dma_start3A_123 = tpu.memref_squeeze %dma_start3A_122 : memref<1x80x125xi32, #tpu.memory_space<hbm>> -> memref<80x125xi32, #tpu.memory_space<hbm>>
      tpu.enqueue_dma source(%dma_start3A_123 : memref<80x125xi32, #tpu.memory_space<hbm>>) target(%arg8 : memref<80x125xi32, #tpu.memory_space<vmem>>) target_semaphore(%run_scoped3A : memref<!tpu.dma_semaphore, #tpu.memory_space<semaphore_mem>>)
      %dma_wait3A_124 = arith.constant 0 : i32
      %dma_wait3A_125 = arith.constant 0 : i32
      %dma_wait3A_126 = tpu.memref_slice %arg4[%add3A, %dma_wait3A_124, %dma_wait3A_125] : memref<32x80x125xi32, #tpu.memory_space<hbm>> -> memref<1x80x125xi32, #tpu.memory_space<hbm>>
      %dma_wait3A_127 = tpu.memref_squeeze %dma_wait3A_126 : memref<1x80x125xi32, #tpu.memory_space<hbm>> -> memref<80x125xi32, #tpu.memory_space<hbm>>
      %dma_wait3A_128 = arith.constant 0 : i32
      %dma_wait3A_129 = arith.constant 0 : i32
      %dma_wait3A_130 = tpu.memref_slice %arg4[%add3A, %dma_wait3A_128, %dma_wait3A_129] : memref<32x80x125xi32, #tpu.memory_space<hbm>> -> memref<1x80x125xi32, #tpu.memory_space<hbm>>
      %dma_wait3A_131 = tpu.memref_squeeze %dma_wait3A_130 : memref<1x80x125xi32, #tpu.memory_space<hbm>> -> memref<80x125xi32, #tpu.memory_space<hbm>>
      tpu.wait_dma2 semaphore(%run_scoped3A : memref<!tpu.dma_semaphore, #tpu.memory_space<semaphore_mem>>) src(%dma_wait3A_131 : memref<80x125xi32, #tpu.memory_space<hbm>>) dst(%arg8 : memref<80x125xi32, #tpu.memory_space<vmem>>)
      tpu.yield
    }) : () -> ()
    %barrier3A = arith.constant 0 : index
    tpu.barrier barrier_id(%barrier3A)
    %dma_start3A = arith.constant 0 : i32
    %dma_start3A_3 = arith.constant 0 : i32
    %dma_start3A_4 = tpu.memref_slice %arg7[%dma_start3A, %dma_start3A_3] : memref<80x125xi32, #tpu.memory_space<vmem>> -> memref<1x125xi32, #tpu.memory_space<vmem>>
    %dma_start3A_5 = tpu.memref_squeeze %dma_start3A_4 : memref<1x125xi32, #tpu.memory_space<vmem>> -> memref<125xi32, #tpu.memory_space<vmem>>
    %dma_start3A_6 = arith.constant 0 : i32
    %dma_start3A_7 = arith.constant 0 : i32
    %dma_start3A_8 = tpu.memref_slice %arg2[%dma_start3A_6, %dma_start3A_7] : memref<10000x32xf32, #tpu.memory_space<hbm>> -> memref<10000x32xf32, #tpu.memory_space<hbm>>
    tpu.enqueue_indirect_dma source(%dma_start3A_8 : memref<10000x32xf32, #tpu.memory_space<hbm>>) target(%arg9 : memref<125x32xf32, #tpu.memory_space<vmem>>) offsets(%dma_start3A_5 : memref<125xi32, #tpu.memory_space<vmem>>) semaphore(%arg19 : memref<!tpu.dma_semaphore, #tpu.memory_space<semaphore_mem>>)
    %dma_start3A_9 = arith.constant 1 : i32
    %dma_start3A_10 = arith.constant 0 : i32
    %dma_start3A_11 = tpu.memref_slice %arg7[%dma_start3A_9, %dma_start3A_10] : memref<80x125xi32, #tpu.memory_space<vmem>> -> memref<1x125xi32, #tpu.memory_space<vmem>>
    %dma_start3A_12 = tpu.memref_squeeze %dma_start3A_11 : memref<1x125xi32, #tpu.memory_space<vmem>> -> memref<125xi32, #tpu.memory_space<vmem>>
    %dma_start3A_13 = arith.constant 0 : i32
    %dma_start3A_14 = arith.constant 0 : i32
    %dma_start3A_15 = tpu.memref_slice %arg2[%dma_start3A_13, %dma_start3A_14] : memref<10000x32xf32, #tpu.memory_space<hbm>> -> memref<10000x32xf32, #tpu.memory_space<hbm>>
    tpu.enqueue_indirect_dma source(%dma_start3A_15 : memref<10000x32xf32, #tpu.memory_space<hbm>>) target(%arg10 : memref<125x32xf32, #tpu.memory_space<vmem>>) offsets(%dma_start3A_12 : memref<125xi32, #tpu.memory_space<vmem>>) semaphore(%arg20 : memref<!tpu.dma_semaphore, #tpu.memory_space<semaphore_mem>>)
    %dma_start3A_16 = arith.constant 2 : i32
    %dma_start3A_17 = arith.constant 0 : i32
    %dma_start3A_18 = tpu.memref_slice %arg7[%dma_start3A_16, %dma_start3A_17] : memref<80x125xi32, #tpu.memory_space<vmem>> -> memref<1x125xi32, #tpu.memory_space<vmem>>
    %dma_start3A_19 = tpu.memref_squeeze %dma_start3A_18 : memref<1x125xi32, #tpu.memory_space<vmem>> -> memref<125xi32, #tpu.memory_space<vmem>>
    %dma_start3A_20 = arith.constant 0 : i32
    %dma_start3A_21 = arith.constant 0 : i32
    %dma_start3A_22 = tpu.memref_slice %arg2[%dma_start3A_20, %dma_start3A_21] : memref<10000x32xf32, #tpu.memory_space<hbm>> -> memref<10000x32xf32, #tpu.memory_space<hbm>>
    tpu.enqueue_indirect_dma source(%dma_start3A_22 : memref<10000x32xf32, #tpu.memory_space<hbm>>) target(%arg11 : memref<125x32xf32, #tpu.memory_space<vmem>>) offsets(%dma_start3A_19 : memref<125xi32, #tpu.memory_space<vmem>>) semaphore(%arg21 : memref<!tpu.dma_semaphore, #tpu.memory_space<semaphore_mem>>)
    %dma_start3A_23 = arith.constant 3 : i32
    %dma_start3A_24 = arith.constant 0 : i32
    %dma_start3A_25 = tpu.memref_slice %arg7[%dma_start3A_23, %dma_start3A_24] : memref<80x125xi32, #tpu.memory_space<vmem>> -> memref<1x125xi32, #tpu.memory_space<vmem>>
    %dma_start3A_26 = tpu.memref_squeeze %dma_start3A_25 : memref<1x125xi32, #tpu.memory_space<vmem>> -> memref<125xi32, #tpu.memory_space<vmem>>
    %dma_start3A_27 = arith.constant 0 : i32
    %dma_start3A_28 = arith.constant 0 : i32
    %dma_start3A_29 = tpu.memref_slice %arg2[%dma_start3A_27, %dma_start3A_28] : memref<10000x32xf32, #tpu.memory_space<hbm>> -> memref<10000x32xf32, #tpu.memory_space<hbm>>
    tpu.enqueue_indirect_dma source(%dma_start3A_29 : memref<10000x32xf32, #tpu.memory_space<hbm>>) target(%arg12 : memref<125x32xf32, #tpu.memory_space<vmem>>) offsets(%dma_start3A_26 : memref<125xi32, #tpu.memory_space<vmem>>) semaphore(%arg22 : memref<!tpu.dma_semaphore, #tpu.memory_space<semaphore_mem>>)
    %dma_start3A_30 = arith.constant 4 : i32
    %dma_start3A_31 = arith.constant 0 : i32
    %dma_start3A_32 = tpu.memref_slice %arg7[%dma_start3A_30, %dma_start3A_31] : memref<80x125xi32, #tpu.memory_space<vmem>> -> memref<1x125xi32, #tpu.memory_space<vmem>>
    %dma_start3A_33 = tpu.memref_squeeze %dma_start3A_32 : memref<1x125xi32, #tpu.memory_space<vmem>> -> memref<125xi32, #tpu.memory_space<vmem>>
    %dma_start3A_34 = arith.constant 0 : i32
    %dma_start3A_35 = arith.constant 0 : i32
    %dma_start3A_36 = tpu.memref_slice %arg2[%dma_start3A_34, %dma_start3A_35] : memref<10000x32xf32, #tpu.memory_space<hbm>> -> memref<10000x32xf32, #tpu.memory_space<hbm>>
    tpu.enqueue_indirect_dma source(%dma_start3A_36 : memref<10000x32xf32, #tpu.memory_space<hbm>>) target(%arg13 : memref<125x32xf32, #tpu.memory_space<vmem>>) offsets(%dma_start3A_33 : memref<125xi32, #tpu.memory_space<vmem>>) semaphore(%arg23 : memref<!tpu.dma_semaphore, #tpu.memory_space<semaphore_mem>>)
    %scan3A = arith.constant 0 : i32
    %scan3A_37 = arith.constant 8 : i32
    %scan3A_38 = arith.addi %scan3A, %scan3A_37 : i32
    %scan3A_39 = arith.constant 1 : i32
    scf.for %scan3A_116 = %scan3A to %scan3A_38 step %scan3A_39  : i32 {
      %mul3A_117 = arith.constant 10 : i32
      %mul3A_118 = arith.muli %scan3A_116, %mul3A_117 : i32
      %add3A_119 = arith.constant 0 : i32
      %add3A_120 = arith.addi %add3A_119, %mul3A_118 : i32
      %add3A_121 = arith.constant 0 : i32
      %add3A_122 = arith.addi %add3A_120, %add3A_121 : i32
      %dma_wait3A_123 = arith.constant 0 : i32
      %dma_wait3A_124 = tpu.memref_slice %arg7[%add3A_122, %dma_wait3A_123] : memref<80x125xi32, #tpu.memory_space<vmem>> -> memref<1x125xi32, #tpu.memory_space<vmem>>
      %dma_wait3A_125 = tpu.memref_squeeze %dma_wait3A_124 : memref<1x125xi32, #tpu.memory_space<vmem>> -> memref<125xi32, #tpu.memory_space<vmem>>
      %dma_wait3A_126 = arith.constant 0 : i32
      %dma_wait3A_127 = arith.constant 0 : i32
      %dma_wait3A_128 = tpu.memref_slice %arg2[%dma_wait3A_126, %dma_wait3A_127] : memref<10000x32xf32, #tpu.memory_space<hbm>> -> memref<10000x32xf32, #tpu.memory_space<hbm>>
      tpu.wait_indirect_dma semaphore(%arg19 : memref<!tpu.dma_semaphore, #tpu.memory_space<semaphore_mem>>) src(%dma_wait3A_128 : memref<10000x32xf32, #tpu.memory_space<hbm>>) dst(%arg9 : memref<125x32xf32, #tpu.memory_space<vmem>>)
      %dma_start3A_129 = arith.constant 0 : i32
      %dma_start3A_130 = tpu.memref_slice %arg8[%add3A_122, %dma_start3A_129] : memref<80x125xi32, #tpu.memory_space<vmem>> -> memref<1x125xi32, #tpu.memory_space<vmem>>
      %dma_start3A_131 = tpu.memref_squeeze %dma_start3A_130 : memref<1x125xi32, #tpu.memory_space<vmem>> -> memref<125xi32, #tpu.memory_space<vmem>>
      %dma_start3A_132 = arith.constant 0 : i32
      %dma_start3A_133 = arith.constant 0 : i32
      %dma_start3A_134 = tpu.memref_slice %arg39[%dma_start3A_132, %dma_start3A_133] : memref<10000x32xf32, #tpu.memory_space<vmem_shared>> -> memref<10000x32xf32, #tpu.memory_space<vmem_shared>>
      tpu.enqueue_indirect_dma source(%arg9 : memref<125x32xf32, #tpu.memory_space<vmem>>) target(%dma_start3A_134 : memref<10000x32xf32, #tpu.memory_space<vmem_shared>>) offsets(%dma_start3A_131 : memref<125xi32, #tpu.memory_space<vmem>>) semaphore(%arg29 : memref<!tpu.dma_semaphore, #tpu.memory_space<semaphore_mem>>) {add = true}
      %add3A_135 = arith.constant 5 : i32
      %add3A_136 = arith.addi %add3A_122, %add3A_135 : i32
      %lt3A = arith.constant 80 : i32
      %lt3A_137 = arith.cmpi slt, %add3A_136, %lt3A : i32
      %convert_element_type3A_138 = arith.extui %lt3A_137 : i1 to i32
      %cond3A_139 = arith.constant 0 : i32
      %cond3A_140 = arith.cmpi ne, %convert_element_type3A_138, %cond3A_139 : i32
      scf.if %cond3A_140 {
        %ge3A = arith.constant 5 : i32
        %ge3A_330 = arith.cmpi sge, %add3A_122, %ge3A : i32
        %convert_element_type3A_331 = arith.extui %ge3A_330 : i1 to i32
        %cond3A_332 = arith.constant 0 : i32
        %cond3A_333 = arith.cmpi ne, %convert_element_type3A_331, %cond3A_332 : i32
        scf.if %cond3A_333 {
          %sub3A = arith.constant 5 : i32
          %sub3A_342 = arith.subi %add3A_122, %sub3A : i32
          %dma_wait3A_343 = arith.constant 0 : i32
          %dma_wait3A_344 = tpu.memref_slice %arg8[%sub3A_342, %dma_wait3A_343] : memref<80x125xi32, #tpu.memory_space<vmem>> -> memref<1x125xi32, #tpu.memory_space<vmem>>
          %dma_wait3A_345 = tpu.memref_squeeze %dma_wait3A_344 : memref<1x125xi32, #tpu.memory_space<vmem>> -> memref<125xi32, #tpu.memory_space<vmem>>
          %dma_wait3A_346 = arith.constant 0 : i32
          %dma_wait3A_347 = arith.constant 0 : i32
          %dma_wait3A_348 = tpu.memref_slice %arg39[%dma_wait3A_346, %dma_wait3A_347] : memref<10000x32xf32, #tpu.memory_space<vmem_shared>> -> memref<10000x32xf32, #tpu.memory_space<vmem_shared>>
          tpu.wait_indirect_dma semaphore(%arg34 : memref<!tpu.dma_semaphore, #tpu.memory_space<semaphore_mem>>) src(%arg14 : memref<125x32xf32, #tpu.memory_space<vmem>>) dst(%dma_wait3A_348 : memref<10000x32xf32, #tpu.memory_space<vmem_shared>>)
        } else {
        }
        %add3A_334 = arith.constant 5 : i32
        %add3A_335 = arith.addi %add3A_122, %add3A_334 : i32
        %dma_start3A_336 = arith.constant 0 : i32
        %dma_start3A_337 = tpu.memref_slice %arg7[%add3A_335, %dma_start3A_336] : memref<80x125xi32, #tpu.memory_space<vmem>> -> memref<1x125xi32, #tpu.memory_space<vmem>>
        %dma_start3A_338 = tpu.memref_squeeze %dma_start3A_337 : memref<1x125xi32, #tpu.memory_space<vmem>> -> memref<125xi32, #tpu.memory_space<vmem>>
        %dma_start3A_339 = arith.constant 0 : i32
        %dma_start3A_340 = arith.constant 0 : i32
        %dma_start3A_341 = tpu.memref_slice %arg2[%dma_start3A_339, %dma_start3A_340] : memref<10000x32xf32, #tpu.memory_space<hbm>> -> memref<10000x32xf32, #tpu.memory_space<hbm>>
        tpu.enqueue_indirect_dma source(%dma_start3A_341 : memref<10000x32xf32, #tpu.memory_space<hbm>>) target(%arg14 : memref<125x32xf32, #tpu.memory_space<vmem>>) offsets(%dma_start3A_338 : memref<125xi32, #tpu.memory_space<vmem>>) semaphore(%arg24 : memref<!tpu.dma_semaphore, #tpu.memory_space<semaphore_mem>>)
      } else {
      }
      %add3A_141 = arith.constant 1 : i32
      %add3A_142 = arith.addi %add3A_120, %add3A_141 : i32
      %dma_wait3A_143 = arith.constant 0 : i32
      %dma_wait3A_144 = tpu.memref_slice %arg7[%add3A_142, %dma_wait3A_143] : memref<80x125xi32, #tpu.memory_space<vmem>> -> memref<1x125xi32, #tpu.memory_space<vmem>>
      %dma_wait3A_145 = tpu.memref_squeeze %dma_wait3A_144 : memref<1x125xi32, #tpu.memory_space<vmem>> -> memref<125xi32, #tpu.memory_space<vmem>>
      %dma_wait3A_146 = arith.constant 0 : i32
      %dma_wait3A_147 = arith.constant 0 : i32
      %dma_wait3A_148 = tpu.memref_slice %arg2[%dma_wait3A_146, %dma_wait3A_147] : memref<10000x32xf32, #tpu.memory_space<hbm>> -> memref<10000x32xf32, #tpu.memory_space<hbm>>
      tpu.wait_indirect_dma semaphore(%arg20 : memref<!tpu.dma_semaphore, #tpu.memory_space<semaphore_mem>>) src(%dma_wait3A_148 : memref<10000x32xf32, #tpu.memory_space<hbm>>) dst(%arg10 : memref<125x32xf32, #tpu.memory_space<vmem>>)
      %dma_start3A_149 = arith.constant 0 : i32
      %dma_start3A_150 = tpu.memref_slice %arg8[%add3A_142, %dma_start3A_149] : memref<80x125xi32, #tpu.memory_space<vmem>> -> memref<1x125xi32, #tpu.memory_space<vmem>>
      %dma_start3A_151 = tpu.memref_squeeze %dma_start3A_150 : memref<1x125xi32, #tpu.memory_space<vmem>> -> memref<125xi32, #tpu.memory_space<vmem>>
      %dma_start3A_152 = arith.constant 0 : i32
      %dma_start3A_153 = arith.constant 0 : i32
      %dma_start3A_154 = tpu.memref_slice %arg39[%dma_start3A_152, %dma_start3A_153] : memref<10000x32xf32, #tpu.memory_space<vmem_shared>> -> memref<10000x32xf32, #tpu.memory_space<vmem_shared>>
      tpu.enqueue_indirect_dma source(%arg10 : memref<125x32xf32, #tpu.memory_space<vmem>>) target(%dma_start3A_154 : memref<10000x32xf32, #tpu.memory_space<vmem_shared>>) offsets(%dma_start3A_151 : memref<125xi32, #tpu.memory_space<vmem>>) semaphore(%arg30 : memref<!tpu.dma_semaphore, #tpu.memory_space<semaphore_mem>>) {add = true}
      %add3A_155 = arith.constant 5 : i32
      %add3A_156 = arith.addi %add3A_142, %add3A_155 : i32
      %lt3A_157 = arith.constant 80 : i32
      %lt3A_158 = arith.cmpi slt, %add3A_156, %lt3A_157 : i32
      %convert_element_type3A_159 = arith.extui %lt3A_158 : i1 to i32
      %cond3A_160 = arith.constant 0 : i32
      %cond3A_161 = arith.cmpi ne, %convert_element_type3A_159, %cond3A_160 : i32
      scf.if %cond3A_161 {
        %ge3A = arith.constant 5 : i32
        %ge3A_330 = arith.cmpi sge, %add3A_142, %ge3A : i32
        %convert_element_type3A_331 = arith.extui %ge3A_330 : i1 to i32
        %cond3A_332 = arith.constant 0 : i32
        %cond3A_333 = arith.cmpi ne, %convert_element_type3A_331, %cond3A_332 : i32
        scf.if %cond3A_333 {
          %sub3A = arith.constant 5 : i32
          %sub3A_342 = arith.subi %add3A_142, %sub3A : i32
          %dma_wait3A_343 = arith.constant 0 : i32
          %dma_wait3A_344 = tpu.memref_slice %arg8[%sub3A_342, %dma_wait3A_343] : memref<80x125xi32, #tpu.memory_space<vmem>> -> memref<1x125xi32, #tpu.memory_space<vmem>>
          %dma_wait3A_345 = tpu.memref_squeeze %dma_wait3A_344 : memref<1x125xi32, #tpu.memory_space<vmem>> -> memref<125xi32, #tpu.memory_space<vmem>>
          %dma_wait3A_346 = arith.constant 0 : i32
          %dma_wait3A_347 = arith.constant 0 : i32
          %dma_wait3A_348 = tpu.memref_slice %arg39[%dma_wait3A_346, %dma_wait3A_347] : memref<10000x32xf32, #tpu.memory_space<vmem_shared>> -> memref<10000x32xf32, #tpu.memory_space<vmem_shared>>
          tpu.wait_indirect_dma semaphore(%arg35 : memref<!tpu.dma_semaphore, #tpu.memory_space<semaphore_mem>>) src(%arg15 : memref<125x32xf32, #tpu.memory_space<vmem>>) dst(%dma_wait3A_348 : memref<10000x32xf32, #tpu.memory_space<vmem_shared>>)
        } else {
        }
        %add3A_334 = arith.constant 5 : i32
        %add3A_335 = arith.addi %add3A_142, %add3A_334 : i32
        %dma_start3A_336 = arith.constant 0 : i32
        %dma_start3A_337 = tpu.memref_slice %arg7[%add3A_335, %dma_start3A_336] : memref<80x125xi32, #tpu.memory_space<vmem>> -> memref<1x125xi32, #tpu.memory_space<vmem>>
        %dma_start3A_338 = tpu.memref_squeeze %dma_start3A_337 : memref<1x125xi32, #tpu.memory_space<vmem>> -> memref<125xi32, #tpu.memory_space<vmem>>
        %dma_start3A_339 = arith.constant 0 : i32
        %dma_start3A_340 = arith.constant 0 : i32
        %dma_start3A_341 = tpu.memref_slice %arg2[%dma_start3A_339, %dma_start3A_340] : memref<10000x32xf32, #tpu.memory_space<hbm>> -> memref<10000x32xf32, #tpu.memory_space<hbm>>
        tpu.enqueue_indirect_dma source(%dma_start3A_341 : memref<10000x32xf32, #tpu.memory_space<hbm>>) target(%arg15 : memref<125x32xf32, #tpu.memory_space<vmem>>) offsets(%dma_start3A_338 : memref<125xi32, #tpu.memory_space<vmem>>) semaphore(%arg25 : memref<!tpu.dma_semaphore, #tpu.memory_space<semaphore_mem>>)
      } else {
      }
      %add3A_162 = arith.constant 2 : i32
      %add3A_163 = arith.addi %add3A_120, %add3A_162 : i32
      %dma_wait3A_164 = arith.constant 0 : i32
      %dma_wait3A_165 = tpu.memref_slice %arg7[%add3A_163, %dma_wait3A_164] : memref<80x125xi32, #tpu.memory_space<vmem>> -> memref<1x125xi32, #tpu.memory_space<vmem>>
      %dma_wait3A_166 = tpu.memref_squeeze %dma_wait3A_165 : memref<1x125xi32, #tpu.memory_space<vmem>> -> memref<125xi32, #tpu.memory_space<vmem>>
      %dma_wait3A_167 = arith.constant 0 : i32
      %dma_wait3A_168 = arith.constant 0 : i32
      %dma_wait3A_169 = tpu.memref_slice %arg2[%dma_wait3A_167, %dma_wait3A_168] : memref<10000x32xf32, #tpu.memory_space<hbm>> -> memref<10000x32xf32, #tpu.memory_space<hbm>>
      tpu.wait_indirect_dma semaphore(%arg21 : memref<!tpu.dma_semaphore, #tpu.memory_space<semaphore_mem>>) src(%dma_wait3A_169 : memref<10000x32xf32, #tpu.memory_space<hbm>>) dst(%arg11 : memref<125x32xf32, #tpu.memory_space<vmem>>)
      %dma_start3A_170 = arith.constant 0 : i32
      %dma_start3A_171 = tpu.memref_slice %arg8[%add3A_163, %dma_start3A_170] : memref<80x125xi32, #tpu.memory_space<vmem>> -> memref<1x125xi32, #tpu.memory_space<vmem>>
      %dma_start3A_172 = tpu.memref_squeeze %dma_start3A_171 : memref<1x125xi32, #tpu.memory_space<vmem>> -> memref<125xi32, #tpu.memory_space<vmem>>
      %dma_start3A_173 = arith.constant 0 : i32
      %dma_start3A_174 = arith.constant 0 : i32
      %dma_start3A_175 = tpu.memref_slice %arg39[%dma_start3A_173, %dma_start3A_174] : memref<10000x32xf32, #tpu.memory_space<vmem_shared>> -> memref<10000x32xf32, #tpu.memory_space<vmem_shared>>
      tpu.enqueue_indirect_dma source(%arg11 : memref<125x32xf32, #tpu.memory_space<vmem>>) target(%dma_start3A_175 : memref<10000x32xf32, #tpu.memory_space<vmem_shared>>) offsets(%dma_start3A_172 : memref<125xi32, #tpu.memory_space<vmem>>) semaphore(%arg31 : memref<!tpu.dma_semaphore, #tpu.memory_space<semaphore_mem>>) {add = true}
      %add3A_176 = arith.constant 5 : i32
      %add3A_177 = arith.addi %add3A_163, %add3A_176 : i32
      %lt3A_178 = arith.constant 80 : i32
      %lt3A_179 = arith.cmpi slt, %add3A_177, %lt3A_178 : i32
      %convert_element_type3A_180 = arith.extui %lt3A_179 : i1 to i32
      %cond3A_181 = arith.constant 0 : i32
      %cond3A_182 = arith.cmpi ne, %convert_element_type3A_180, %cond3A_181 : i32
      scf.if %cond3A_182 {
        %ge3A = arith.constant 5 : i32
        %ge3A_330 = arith.cmpi sge, %add3A_163, %ge3A : i32
        %convert_element_type3A_331 = arith.extui %ge3A_330 : i1 to i32
        %cond3A_332 = arith.constant 0 : i32
        %cond3A_333 = arith.cmpi ne, %convert_element_type3A_331, %cond3A_332 : i32
        scf.if %cond3A_333 {
          %sub3A = arith.constant 5 : i32
          %sub3A_342 = arith.subi %add3A_163, %sub3A : i32
          %dma_wait3A_343 = arith.constant 0 : i32
          %dma_wait3A_344 = tpu.memref_slice %arg8[%sub3A_342, %dma_wait3A_343] : memref<80x125xi32, #tpu.memory_space<vmem>> -> memref<1x125xi32, #tpu.memory_space<vmem>>
          %dma_wait3A_345 = tpu.memref_squeeze %dma_wait3A_344 : memref<1x125xi32, #tpu.memory_space<vmem>> -> memref<125xi32, #tpu.memory_space<vmem>>
          %dma_wait3A_346 = arith.constant 0 : i32
          %dma_wait3A_347 = arith.constant 0 : i32
          %dma_wait3A_348 = tpu.memref_slice %arg39[%dma_wait3A_346, %dma_wait3A_347] : memref<10000x32xf32, #tpu.memory_space<vmem_shared>> -> memref<10000x32xf32, #tpu.memory_space<vmem_shared>>
          tpu.wait_indirect_dma semaphore(%arg36 : memref<!tpu.dma_semaphore, #tpu.memory_space<semaphore_mem>>) src(%arg16 : memref<125x32xf32, #tpu.memory_space<vmem>>) dst(%dma_wait3A_348 : memref<10000x32xf32, #tpu.memory_space<vmem_shared>>)
        } else {
        }
        %add3A_334 = arith.constant 5 : i32
        %add3A_335 = arith.addi %add3A_163, %add3A_334 : i32
        %dma_start3A_336 = arith.constant 0 : i32
        %dma_start3A_337 = tpu.memref_slice %arg7[%add3A_335, %dma_start3A_336] : memref<80x125xi32, #tpu.memory_space<vmem>> -> memref<1x125xi32, #tpu.memory_space<vmem>>
        %dma_start3A_338 = tpu.memref_squeeze %dma_start3A_337 : memref<1x125xi32, #tpu.memory_space<vmem>> -> memref<125xi32, #tpu.memory_space<vmem>>
        %dma_start3A_339 = arith.constant 0 : i32
        %dma_start3A_340 = arith.constant 0 : i32
        %dma_start3A_341 = tpu.memref_slice %arg2[%dma_start3A_339, %dma_start3A_340] : memref<10000x32xf32, #tpu.memory_space<hbm>> -> memref<10000x32xf32, #tpu.memory_space<hbm>>
        tpu.enqueue_indirect_dma source(%dma_start3A_341 : memref<10000x32xf32, #tpu.memory_space<hbm>>) target(%arg16 : memref<125x32xf32, #tpu.memory_space<vmem>>) offsets(%dma_start3A_338 : memref<125xi32, #tpu.memory_space<vmem>>) semaphore(%arg26 : memref<!tpu.dma_semaphore, #tpu.memory_space<semaphore_mem>>)
      } else {
      }
      %add3A_183 = arith.constant 3 : i32
      %add3A_184 = arith.addi %add3A_120, %add3A_183 : i32
      %dma_wait3A_185 = arith.constant 0 : i32
      %dma_wait3A_186 = tpu.memref_slice %arg7[%add3A_184, %dma_wait3A_185] : memref<80x125xi32, #tpu.memory_space<vmem>> -> memref<1x125xi32, #tpu.memory_space<vmem>>
      %dma_wait3A_187 = tpu.memref_squeeze %dma_wait3A_186 : memref<1x125xi32, #tpu.memory_space<vmem>> -> memref<125xi32, #tpu.memory_space<vmem>>
      %dma_wait3A_188 = arith.constant 0 : i32
      %dma_wait3A_189 = arith.constant 0 : i32
      %dma_wait3A_190 = tpu.memref_slice %arg2[%dma_wait3A_188, %dma_wait3A_189] : memref<10000x32xf32, #tpu.memory_space<hbm>> -> memref<10000x32xf32, #tpu.memory_space<hbm>>
      tpu.wait_indirect_dma semaphore(%arg22 : memref<!tpu.dma_semaphore, #tpu.memory_space<semaphore_mem>>) src(%dma_wait3A_190 : memref<10000x32xf32, #tpu.memory_space<hbm>>) dst(%arg12 : memref<125x32xf32, #tpu.memory_space<vmem>>)
      %dma_start3A_191 = arith.constant 0 : i32
      %dma_start3A_192 = tpu.memref_slice %arg8[%add3A_184, %dma_start3A_191] : memref<80x125xi32, #tpu.memory_space<vmem>> -> memref<1x125xi32, #tpu.memory_space<vmem>>
      %dma_start3A_193 = tpu.memref_squeeze %dma_start3A_192 : memref<1x125xi32, #tpu.memory_space<vmem>> -> memref<125xi32, #tpu.memory_space<vmem>>
      %dma_start3A_194 = arith.constant 0 : i32
      %dma_start3A_195 = arith.constant 0 : i32
      %dma_start3A_196 = tpu.memref_slice %arg39[%dma_start3A_194, %dma_start3A_195] : memref<10000x32xf32, #tpu.memory_space<vmem_shared>> -> memref<10000x32xf32, #tpu.memory_space<vmem_shared>>
      tpu.enqueue_indirect_dma source(%arg12 : memref<125x32xf32, #tpu.memory_space<vmem>>) target(%dma_start3A_196 : memref<10000x32xf32, #tpu.memory_space<vmem_shared>>) offsets(%dma_start3A_193 : memref<125xi32, #tpu.memory_space<vmem>>) semaphore(%arg32 : memref<!tpu.dma_semaphore, #tpu.memory_space<semaphore_mem>>) {add = true}
      %add3A_197 = arith.constant 5 : i32
      %add3A_198 = arith.addi %add3A_184, %add3A_197 : i32
      %lt3A_199 = arith.constant 80 : i32
      %lt3A_200 = arith.cmpi slt, %add3A_198, %lt3A_199 : i32
      %convert_element_type3A_201 = arith.extui %lt3A_200 : i1 to i32
      %cond3A_202 = arith.constant 0 : i32
      %cond3A_203 = arith.cmpi ne, %convert_element_type3A_201, %cond3A_202 : i32
      scf.if %cond3A_203 {
        %ge3A = arith.constant 5 : i32
        %ge3A_330 = arith.cmpi sge, %add3A_184, %ge3A : i32
        %convert_element_type3A_331 = arith.extui %ge3A_330 : i1 to i32
        %cond3A_332 = arith.constant 0 : i32
        %cond3A_333 = arith.cmpi ne, %convert_element_type3A_331, %cond3A_332 : i32
        scf.if %cond3A_333 {
          %sub3A = arith.constant 5 : i32
          %sub3A_342 = arith.subi %add3A_184, %sub3A : i32
          %dma_wait3A_343 = arith.constant 0 : i32
          %dma_wait3A_344 = tpu.memref_slice %arg8[%sub3A_342, %dma_wait3A_343] : memref<80x125xi32, #tpu.memory_space<vmem>> -> memref<1x125xi32, #tpu.memory_space<vmem>>
          %dma_wait3A_345 = tpu.memref_squeeze %dma_wait3A_344 : memref<1x125xi32, #tpu.memory_space<vmem>> -> memref<125xi32, #tpu.memory_space<vmem>>
          %dma_wait3A_346 = arith.constant 0 : i32
          %dma_wait3A_347 = arith.constant 0 : i32
          %dma_wait3A_348 = tpu.memref_slice %arg39[%dma_wait3A_346, %dma_wait3A_347] : memref<10000x32xf32, #tpu.memory_space<vmem_shared>> -> memref<10000x32xf32, #tpu.memory_space<vmem_shared>>
          tpu.wait_indirect_dma semaphore(%arg37 : memref<!tpu.dma_semaphore, #tpu.memory_space<semaphore_mem>>) src(%arg17 : memref<125x32xf32, #tpu.memory_space<vmem>>) dst(%dma_wait3A_348 : memref<10000x32xf32, #tpu.memory_space<vmem_shared>>)
        } else {
        }
        %add3A_334 = arith.constant 5 : i32
        %add3A_335 = arith.addi %add3A_184, %add3A_334 : i32
        %dma_start3A_336 = arith.constant 0 : i32
        %dma_start3A_337 = tpu.memref_slice %arg7[%add3A_335, %dma_start3A_336] : memref<80x125xi32, #tpu.memory_space<vmem>> -> memref<1x125xi32, #tpu.memory_space<vmem>>
        %dma_start3A_338 = tpu.memref_squeeze %dma_start3A_337 : memref<1x125xi32, #tpu.memory_space<vmem>> -> memref<125xi32, #tpu.memory_space<vmem>>
        %dma_start3A_339 = arith.constant 0 : i32
        %dma_start3A_340 = arith.constant 0 : i32
        %dma_start3A_341 = tpu.memref_slice %arg2[%dma_start3A_339, %dma_start3A_340] : memref<10000x32xf32, #tpu.memory_space<hbm>> -> memref<10000x32xf32, #tpu.memory_space<hbm>>
        tpu.enqueue_indirect_dma source(%dma_start3A_341 : memref<10000x32xf32, #tpu.memory_space<hbm>>) target(%arg17 : memref<125x32xf32, #tpu.memory_space<vmem>>) offsets(%dma_start3A_338 : memref<125xi32, #tpu.memory_space<vmem>>) semaphore(%arg27 : memref<!tpu.dma_semaphore, #tpu.memory_space<semaphore_mem>>)
      } else {
      }
      %add3A_204 = arith.constant 4 : i32
      %add3A_205 = arith.addi %add3A_120, %add3A_204 : i32
      %dma_wait3A_206 = arith.constant 0 : i32
      %dma_wait3A_207 = tpu.memref_slice %arg7[%add3A_205, %dma_wait3A_206] : memref<80x125xi32, #tpu.memory_space<vmem>> -> memref<1x125xi32, #tpu.memory_space<vmem>>
      %dma_wait3A_208 = tpu.memref_squeeze %dma_wait3A_207 : memref<1x125xi32, #tpu.memory_space<vmem>> -> memref<125xi32, #tpu.memory_space<vmem>>
      %dma_wait3A_209 = arith.constant 0 : i32
      %dma_wait3A_210 = arith.constant 0 : i32
      %dma_wait3A_211 = tpu.memref_slice %arg2[%dma_wait3A_209, %dma_wait3A_210] : memref<10000x32xf32, #tpu.memory_space<hbm>> -> memref<10000x32xf32, #tpu.memory_space<hbm>>
      tpu.wait_indirect_dma semaphore(%arg23 : memref<!tpu.dma_semaphore, #tpu.memory_space<semaphore_mem>>) src(%dma_wait3A_211 : memref<10000x32xf32, #tpu.memory_space<hbm>>) dst(%arg13 : memref<125x32xf32, #tpu.memory_space<vmem>>)
      %dma_start3A_212 = arith.constant 0 : i32
      %dma_start3A_213 = tpu.memref_slice %arg8[%add3A_205, %dma_start3A_212] : memref<80x125xi32, #tpu.memory_space<vmem>> -> memref<1x125xi32, #tpu.memory_space<vmem>>
      %dma_start3A_214 = tpu.memref_squeeze %dma_start3A_213 : memref<1x125xi32, #tpu.memory_space<vmem>> -> memref<125xi32, #tpu.memory_space<vmem>>
      %dma_start3A_215 = arith.constant 0 : i32
      %dma_start3A_216 = arith.constant 0 : i32
      %dma_start3A_217 = tpu.memref_slice %arg39[%dma_start3A_215, %dma_start3A_216] : memref<10000x32xf32, #tpu.memory_space<vmem_shared>> -> memref<10000x32xf32, #tpu.memory_space<vmem_shared>>
      tpu.enqueue_indirect_dma source(%arg13 : memref<125x32xf32, #tpu.memory_space<vmem>>) target(%dma_start3A_217 : memref<10000x32xf32, #tpu.memory_space<vmem_shared>>) offsets(%dma_start3A_214 : memref<125xi32, #tpu.memory_space<vmem>>) semaphore(%arg33 : memref<!tpu.dma_semaphore, #tpu.memory_space<semaphore_mem>>) {add = true}
      %add3A_218 = arith.constant 5 : i32
      %add3A_219 = arith.addi %add3A_205, %add3A_218 : i32
      %lt3A_220 = arith.constant 80 : i32
      %lt3A_221 = arith.cmpi slt, %add3A_219, %lt3A_220 : i32
      %convert_element_type3A_222 = arith.extui %lt3A_221 : i1 to i32
      %cond3A_223 = arith.constant 0 : i32
      %cond3A_224 = arith.cmpi ne, %convert_element_type3A_222, %cond3A_223 : i32
      scf.if %cond3A_224 {
        %ge3A = arith.constant 5 : i32
        %ge3A_330 = arith.cmpi sge, %add3A_205, %ge3A : i32
        %convert_element_type3A_331 = arith.extui %ge3A_330 : i1 to i32
        %cond3A_332 = arith.constant 0 : i32
        %cond3A_333 = arith.cmpi ne, %convert_element_type3A_331, %cond3A_332 : i32
        scf.if %cond3A_333 {
          %sub3A = arith.constant 5 : i32
          %sub3A_342 = arith.subi %add3A_205, %sub3A : i32
          %dma_wait3A_343 = arith.constant 0 : i32
          %dma_wait3A_344 = tpu.memref_slice %arg8[%sub3A_342, %dma_wait3A_343] : memref<80x125xi32, #tpu.memory_space<vmem>> -> memref<1x125xi32, #tpu.memory_space<vmem>>
          %dma_wait3A_345 = tpu.memref_squeeze %dma_wait3A_344 : memref<1x125xi32, #tpu.memory_space<vmem>> -> memref<125xi32, #tpu.memory_space<vmem>>
          %dma_wait3A_346 = arith.constant 0 : i32
          %dma_wait3A_347 = arith.constant 0 : i32
          %dma_wait3A_348 = tpu.memref_slice %arg39[%dma_wait3A_346, %dma_wait3A_347] : memref<10000x32xf32, #tpu.memory_space<vmem_shared>> -> memref<10000x32xf32, #tpu.memory_space<vmem_shared>>
          tpu.wait_indirect_dma semaphore(%arg38 : memref<!tpu.dma_semaphore, #tpu.memory_space<semaphore_mem>>) src(%arg18 : memref<125x32xf32, #tpu.memory_space<vmem>>) dst(%dma_wait3A_348 : memref<10000x32xf32, #tpu.memory_space<vmem_shared>>)
        } else {
        }
        %add3A_334 = arith.constant 5 : i32
        %add3A_335 = arith.addi %add3A_205, %add3A_334 : i32
        %dma_start3A_336 = arith.constant 0 : i32
        %dma_start3A_337 = tpu.memref_slice %arg7[%add3A_335, %dma_start3A_336] : memref<80x125xi32, #tpu.memory_space<vmem>> -> memref<1x125xi32, #tpu.memory_space<vmem>>
        %dma_start3A_338 = tpu.memref_squeeze %dma_start3A_337 : memref<1x125xi32, #tpu.memory_space<vmem>> -> memref<125xi32, #tpu.memory_space<vmem>>
        %dma_start3A_339 = arith.constant 0 : i32
        %dma_start3A_340 = arith.constant 0 : i32
        %dma_start3A_341 = tpu.memref_slice %arg2[%dma_start3A_339, %dma_start3A_340] : memref<10000x32xf32, #tpu.memory_space<hbm>> -> memref<10000x32xf32, #tpu.memory_space<hbm>>
        tpu.enqueue_indirect_dma source(%dma_start3A_341 : memref<10000x32xf32, #tpu.memory_space<hbm>>) target(%arg18 : memref<125x32xf32, #tpu.memory_space<vmem>>) offsets(%dma_start3A_338 : memref<125xi32, #tpu.memory_space<vmem>>) semaphore(%arg28 : memref<!tpu.dma_semaphore, #tpu.memory_space<semaphore_mem>>)
      } else {
      }
      %add3A_225 = arith.constant 5 : i32
      %add3A_226 = arith.addi %add3A_120, %add3A_225 : i32
      %dma_wait3A_227 = arith.constant 0 : i32
      %dma_wait3A_228 = tpu.memref_slice %arg7[%add3A_226, %dma_wait3A_227] : memref<80x125xi32, #tpu.memory_space<vmem>> -> memref<1x125xi32, #tpu.memory_space<vmem>>
      %dma_wait3A_229 = tpu.memref_squeeze %dma_wait3A_228 : memref<1x125xi32, #tpu.memory_space<vmem>> -> memref<125xi32, #tpu.memory_space<vmem>>
      %dma_wait3A_230 = arith.constant 0 : i32
      %dma_wait3A_231 = arith.constant 0 : i32
      %dma_wait3A_232 = tpu.memref_slice %arg2[%dma_wait3A_230, %dma_wait3A_231] : memref<10000x32xf32, #tpu.memory_space<hbm>> -> memref<10000x32xf32, #tpu.memory_space<hbm>>
      tpu.wait_indirect_dma semaphore(%arg24 : memref<!tpu.dma_semaphore, #tpu.memory_space<semaphore_mem>>) src(%dma_wait3A_232 : memref<10000x32xf32, #tpu.memory_space<hbm>>) dst(%arg14 : memref<125x32xf32, #tpu.memory_space<vmem>>)
      %dma_start3A_233 = arith.constant 0 : i32
      %dma_start3A_234 = tpu.memref_slice %arg8[%add3A_226, %dma_start3A_233] : memref<80x125xi32, #tpu.memory_space<vmem>> -> memref<1x125xi32, #tpu.memory_space<vmem>>
      %dma_start3A_235 = tpu.memref_squeeze %dma_start3A_234 : memref<1x125xi32, #tpu.memory_space<vmem>> -> memref<125xi32, #tpu.memory_space<vmem>>
      %dma_start3A_236 = arith.constant 0 : i32
      %dma_start3A_237 = arith.constant 0 : i32
      %dma_start3A_238 = tpu.memref_slice %arg39[%dma_start3A_236, %dma_start3A_237] : memref<10000x32xf32, #tpu.memory_space<vmem_shared>> -> memref<10000x32xf32, #tpu.memory_space<vmem_shared>>
      tpu.enqueue_indirect_dma source(%arg14 : memref<125x32xf32, #tpu.memory_space<vmem>>) target(%dma_start3A_238 : memref<10000x32xf32, #tpu.memory_space<vmem_shared>>) offsets(%dma_start3A_235 : memref<125xi32, #tpu.memory_space<vmem>>) semaphore(%arg34 : memref<!tpu.dma_semaphore, #tpu.memory_space<semaphore_mem>>) {add = true}
      %add3A_239 = arith.constant 5 : i32
      %add3A_240 = arith.addi %add3A_226, %add3A_239 : i32
      %lt3A_241 = arith.constant 80 : i32
      %lt3A_242 = arith.cmpi slt, %add3A_240, %lt3A_241 : i32
      %convert_element_type3A_243 = arith.extui %lt3A_242 : i1 to i32
      %cond3A_244 = arith.constant 0 : i32
      %cond3A_245 = arith.cmpi ne, %convert_element_type3A_243, %cond3A_244 : i32
      scf.if %cond3A_245 {
        %ge3A = arith.constant 5 : i32
        %ge3A_330 = arith.cmpi sge, %add3A_226, %ge3A : i32
        %convert_element_type3A_331 = arith.extui %ge3A_330 : i1 to i32
        %cond3A_332 = arith.constant 0 : i32
        %cond3A_333 = arith.cmpi ne, %convert_element_type3A_331, %cond3A_332 : i32
        scf.if %cond3A_333 {
          %sub3A = arith.constant 5 : i32
          %sub3A_342 = arith.subi %add3A_226, %sub3A : i32
          %dma_wait3A_343 = arith.constant 0 : i32
          %dma_wait3A_344 = tpu.memref_slice %arg8[%sub3A_342, %dma_wait3A_343] : memref<80x125xi32, #tpu.memory_space<vmem>> -> memref<1x125xi32, #tpu.memory_space<vmem>>
          %dma_wait3A_345 = tpu.memref_squeeze %dma_wait3A_344 : memref<1x125xi32, #tpu.memory_space<vmem>> -> memref<125xi32, #tpu.memory_space<vmem>>
          %dma_wait3A_346 = arith.constant 0 : i32
          %dma_wait3A_347 = arith.constant 0 : i32
          %dma_wait3A_348 = tpu.memref_slice %arg39[%dma_wait3A_346, %dma_wait3A_347] : memref<10000x32xf32, #tpu.memory_space<vmem_shared>> -> memref<10000x32xf32, #tpu.memory_space<vmem_shared>>
          tpu.wait_indirect_dma semaphore(%arg29 : memref<!tpu.dma_semaphore, #tpu.memory_space<semaphore_mem>>) src(%arg9 : memref<125x32xf32, #tpu.memory_space<vmem>>) dst(%dma_wait3A_348 : memref<10000x32xf32, #tpu.memory_space<vmem_shared>>)
        } else {
        }
        %add3A_334 = arith.constant 5 : i32
        %add3A_335 = arith.addi %add3A_226, %add3A_334 : i32
        %dma_start3A_336 = arith.constant 0 : i32
        %dma_start3A_337 = tpu.memref_slice %arg7[%add3A_335, %dma_start3A_336] : memref<80x125xi32, #tpu.memory_space<vmem>> -> memref<1x125xi32, #tpu.memory_space<vmem>>
        %dma_start3A_338 = tpu.memref_squeeze %dma_start3A_337 : memref<1x125xi32, #tpu.memory_space<vmem>> -> memref<125xi32, #tpu.memory_space<vmem>>
        %dma_start3A_339 = arith.constant 0 : i32
        %dma_start3A_340 = arith.constant 0 : i32
        %dma_start3A_341 = tpu.memref_slice %arg2[%dma_start3A_339, %dma_start3A_340] : memref<10000x32xf32, #tpu.memory_space<hbm>> -> memref<10000x32xf32, #tpu.memory_space<hbm>>
        tpu.enqueue_indirect_dma source(%dma_start3A_341 : memref<10000x32xf32, #tpu.memory_space<hbm>>) target(%arg9 : memref<125x32xf32, #tpu.memory_space<vmem>>) offsets(%dma_start3A_338 : memref<125xi32, #tpu.memory_space<vmem>>) semaphore(%arg19 : memref<!tpu.dma_semaphore, #tpu.memory_space<semaphore_mem>>)
      } else {
      }
      %add3A_246 = arith.constant 6 : i32
      %add3A_247 = arith.addi %add3A_120, %add3A_246 : i32
      %dma_wait3A_248 = arith.constant 0 : i32
      %dma_wait3A_249 = tpu.memref_slice %arg7[%add3A_247, %dma_wait3A_248] : memref<80x125xi32, #tpu.memory_space<vmem>> -> memref<1x125xi32, #tpu.memory_space<vmem>>
      %dma_wait3A_250 = tpu.memref_squeeze %dma_wait3A_249 : memref<1x125xi32, #tpu.memory_space<vmem>> -> memref<125xi32, #tpu.memory_space<vmem>>
      %dma_wait3A_251 = arith.constant 0 : i32
      %dma_wait3A_252 = arith.constant 0 : i32
      %dma_wait3A_253 = tpu.memref_slice %arg2[%dma_wait3A_251, %dma_wait3A_252] : memref<10000x32xf32, #tpu.memory_space<hbm>> -> memref<10000x32xf32, #tpu.memory_space<hbm>>
      tpu.wait_indirect_dma semaphore(%arg25 : memref<!tpu.dma_semaphore, #tpu.memory_space<semaphore_mem>>) src(%dma_wait3A_253 : memref<10000x32xf32, #tpu.memory_space<hbm>>) dst(%arg15 : memref<125x32xf32, #tpu.memory_space<vmem>>)
      %dma_start3A_254 = arith.constant 0 : i32
      %dma_start3A_255 = tpu.memref_slice %arg8[%add3A_247, %dma_start3A_254] : memref<80x125xi32, #tpu.memory_space<vmem>> -> memref<1x125xi32, #tpu.memory_space<vmem>>
      %dma_start3A_256 = tpu.memref_squeeze %dma_start3A_255 : memref<1x125xi32, #tpu.memory_space<vmem>> -> memref<125xi32, #tpu.memory_space<vmem>>
      %dma_start3A_257 = arith.constant 0 : i32
      %dma_start3A_258 = arith.constant 0 : i32
      %dma_start3A_259 = tpu.memref_slice %arg39[%dma_start3A_257, %dma_start3A_258] : memref<10000x32xf32, #tpu.memory_space<vmem_shared>> -> memref<10000x32xf32, #tpu.memory_space<vmem_shared>>
      tpu.enqueue_indirect_dma source(%arg15 : memref<125x32xf32, #tpu.memory_space<vmem>>) target(%dma_start3A_259 : memref<10000x32xf32, #tpu.memory_space<vmem_shared>>) offsets(%dma_start3A_256 : memref<125xi32, #tpu.memory_space<vmem>>) semaphore(%arg35 : memref<!tpu.dma_semaphore, #tpu.memory_space<semaphore_mem>>) {add = true}
      %add3A_260 = arith.constant 5 : i32
      %add3A_261 = arith.addi %add3A_247, %add3A_260 : i32
      %lt3A_262 = arith.constant 80 : i32
      %lt3A_263 = arith.cmpi slt, %add3A_261, %lt3A_262 : i32
      %convert_element_type3A_264 = arith.extui %lt3A_263 : i1 to i32
      %cond3A_265 = arith.constant 0 : i32
      %cond3A_266 = arith.cmpi ne, %convert_element_type3A_264, %cond3A_265 : i32
      scf.if %cond3A_266 {
        %ge3A = arith.constant 5 : i32
        %ge3A_330 = arith.cmpi sge, %add3A_247, %ge3A : i32
        %convert_element_type3A_331 = arith.extui %ge3A_330 : i1 to i32
        %cond3A_332 = arith.constant 0 : i32
        %cond3A_333 = arith.cmpi ne, %convert_element_type3A_331, %cond3A_332 : i32
        scf.if %cond3A_333 {
          %sub3A = arith.constant 5 : i32
          %sub3A_342 = arith.subi %add3A_247, %sub3A : i32
          %dma_wait3A_343 = arith.constant 0 : i32
          %dma_wait3A_344 = tpu.memref_slice %arg8[%sub3A_342, %dma_wait3A_343] : memref<80x125xi32, #tpu.memory_space<vmem>> -> memref<1x125xi32, #tpu.memory_space<vmem>>
          %dma_wait3A_345 = tpu.memref_squeeze %dma_wait3A_344 : memref<1x125xi32, #tpu.memory_space<vmem>> -> memref<125xi32, #tpu.memory_space<vmem>>
          %dma_wait3A_346 = arith.constant 0 : i32
          %dma_wait3A_347 = arith.constant 0 : i32
          %dma_wait3A_348 = tpu.memref_slice %arg39[%dma_wait3A_346, %dma_wait3A_347] : memref<10000x32xf32, #tpu.memory_space<vmem_shared>> -> memref<10000x32xf32, #tpu.memory_space<vmem_shared>>
          tpu.wait_indirect_dma semaphore(%arg30 : memref<!tpu.dma_semaphore, #tpu.memory_space<semaphore_mem>>) src(%arg10 : memref<125x32xf32, #tpu.memory_space<vmem>>) dst(%dma_wait3A_348 : memref<10000x32xf32, #tpu.memory_space<vmem_shared>>)
        } else {
        }
        %add3A_334 = arith.constant 5 : i32
        %add3A_335 = arith.addi %add3A_247, %add3A_334 : i32
        %dma_start3A_336 = arith.constant 0 : i32
        %dma_start3A_337 = tpu.memref_slice %arg7[%add3A_335, %dma_start3A_336] : memref<80x125xi32, #tpu.memory_space<vmem>> -> memref<1x125xi32, #tpu.memory_space<vmem>>
        %dma_start3A_338 = tpu.memref_squeeze %dma_start3A_337 : memref<1x125xi32, #tpu.memory_space<vmem>> -> memref<125xi32, #tpu.memory_space<vmem>>
        %dma_start3A_339 = arith.constant 0 : i32
        %dma_start3A_340 = arith.constant 0 : i32
        %dma_start3A_341 = tpu.memref_slice %arg2[%dma_start3A_339, %dma_start3A_340] : memref<10000x32xf32, #tpu.memory_space<hbm>> -> memref<10000x32xf32, #tpu.memory_space<hbm>>
        tpu.enqueue_indirect_dma source(%dma_start3A_341 : memref<10000x32xf32, #tpu.memory_space<hbm>>) target(%arg10 : memref<125x32xf32, #tpu.memory_space<vmem>>) offsets(%dma_start3A_338 : memref<125xi32, #tpu.memory_space<vmem>>) semaphore(%arg20 : memref<!tpu.dma_semaphore, #tpu.memory_space<semaphore_mem>>)
      } else {
      }
      %add3A_267 = arith.constant 7 : i32
      %add3A_268 = arith.addi %add3A_120, %add3A_267 : i32
      %dma_wait3A_269 = arith.constant 0 : i32
      %dma_wait3A_270 = tpu.memref_slice %arg7[%add3A_268, %dma_wait3A_269] : memref<80x125xi32, #tpu.memory_space<vmem>> -> memref<1x125xi32, #tpu.memory_space<vmem>>
      %dma_wait3A_271 = tpu.memref_squeeze %dma_wait3A_270 : memref<1x125xi32, #tpu.memory_space<vmem>> -> memref<125xi32, #tpu.memory_space<vmem>>
      %dma_wait3A_272 = arith.constant 0 : i32
      %dma_wait3A_273 = arith.constant 0 : i32
      %dma_wait3A_274 = tpu.memref_slice %arg2[%dma_wait3A_272, %dma_wait3A_273] : memref<10000x32xf32, #tpu.memory_space<hbm>> -> memref<10000x32xf32, #tpu.memory_space<hbm>>
      tpu.wait_indirect_dma semaphore(%arg26 : memref<!tpu.dma_semaphore, #tpu.memory_space<semaphore_mem>>) src(%dma_wait3A_274 : memref<10000x32xf32, #tpu.memory_space<hbm>>) dst(%arg16 : memref<125x32xf32, #tpu.memory_space<vmem>>)
      %dma_start3A_275 = arith.constant 0 : i32
      %dma_start3A_276 = tpu.memref_slice %arg8[%add3A_268, %dma_start3A_275] : memref<80x125xi32, #tpu.memory_space<vmem>> -> memref<1x125xi32, #tpu.memory_space<vmem>>
      %dma_start3A_277 = tpu.memref_squeeze %dma_start3A_276 : memref<1x125xi32, #tpu.memory_space<vmem>> -> memref<125xi32, #tpu.memory_space<vmem>>
      %dma_start3A_278 = arith.constant 0 : i32
      %dma_start3A_279 = arith.constant 0 : i32
      %dma_start3A_280 = tpu.memref_slice %arg39[%dma_start3A_278, %dma_start3A_279] : memref<10000x32xf32, #tpu.memory_space<vmem_shared>> -> memref<10000x32xf32, #tpu.memory_space<vmem_shared>>
      tpu.enqueue_indirect_dma source(%arg16 : memref<125x32xf32, #tpu.memory_space<vmem>>) target(%dma_start3A_280 : memref<10000x32xf32, #tpu.memory_space<vmem_shared>>) offsets(%dma_start3A_277 : memref<125xi32, #tpu.memory_space<vmem>>) semaphore(%arg36 : memref<!tpu.dma_semaphore, #tpu.memory_space<semaphore_mem>>) {add = true}
      %add3A_281 = arith.constant 5 : i32
      %add3A_282 = arith.addi %add3A_268, %add3A_281 : i32
      %lt3A_283 = arith.constant 80 : i32
      %lt3A_284 = arith.cmpi slt, %add3A_282, %lt3A_283 : i32
      %convert_element_type3A_285 = arith.extui %lt3A_284 : i1 to i32
      %cond3A_286 = arith.constant 0 : i32
      %cond3A_287 = arith.cmpi ne, %convert_element_type3A_285, %cond3A_286 : i32
      scf.if %cond3A_287 {
        %ge3A = arith.constant 5 : i32
        %ge3A_330 = arith.cmpi sge, %add3A_268, %ge3A : i32
        %convert_element_type3A_331 = arith.extui %ge3A_330 : i1 to i32
        %cond3A_332 = arith.constant 0 : i32
        %cond3A_333 = arith.cmpi ne, %convert_element_type3A_331, %cond3A_332 : i32
        scf.if %cond3A_333 {
          %sub3A = arith.constant 5 : i32
          %sub3A_342 = arith.subi %add3A_268, %sub3A : i32
          %dma_wait3A_343 = arith.constant 0 : i32
          %dma_wait3A_344 = tpu.memref_slice %arg8[%sub3A_342, %dma_wait3A_343] : memref<80x125xi32, #tpu.memory_space<vmem>> -> memref<1x125xi32, #tpu.memory_space<vmem>>
          %dma_wait3A_345 = tpu.memref_squeeze %dma_wait3A_344 : memref<1x125xi32, #tpu.memory_space<vmem>> -> memref<125xi32, #tpu.memory_space<vmem>>
          %dma_wait3A_346 = arith.constant 0 : i32
          %dma_wait3A_347 = arith.constant 0 : i32
          %dma_wait3A_348 = tpu.memref_slice %arg39[%dma_wait3A_346, %dma_wait3A_347] : memref<10000x32xf32, #tpu.memory_space<vmem_shared>> -> memref<10000x32xf32, #tpu.memory_space<vmem_shared>>
          tpu.wait_indirect_dma semaphore(%arg31 : memref<!tpu.dma_semaphore, #tpu.memory_space<semaphore_mem>>) src(%arg11 : memref<125x32xf32, #tpu.memory_space<vmem>>) dst(%dma_wait3A_348 : memref<10000x32xf32, #tpu.memory_space<vmem_shared>>)
        } else {
        }
        %add3A_334 = arith.constant 5 : i32
        %add3A_335 = arith.addi %add3A_268, %add3A_334 : i32
        %dma_start3A_336 = arith.constant 0 : i32
        %dma_start3A_337 = tpu.memref_slice %arg7[%add3A_335, %dma_start3A_336] : memref<80x125xi32, #tpu.memory_space<vmem>> -> memref<1x125xi32, #tpu.memory_space<vmem>>
        %dma_start3A_338 = tpu.memref_squeeze %dma_start3A_337 : memref<1x125xi32, #tpu.memory_space<vmem>> -> memref<125xi32, #tpu.memory_space<vmem>>
        %dma_start3A_339 = arith.constant 0 : i32
        %dma_start3A_340 = arith.constant 0 : i32
        %dma_start3A_341 = tpu.memref_slice %arg2[%dma_start3A_339, %dma_start3A_340] : memref<10000x32xf32, #tpu.memory_space<hbm>> -> memref<10000x32xf32, #tpu.memory_space<hbm>>
        tpu.enqueue_indirect_dma source(%dma_start3A_341 : memref<10000x32xf32, #tpu.memory_space<hbm>>) target(%arg11 : memref<125x32xf32, #tpu.memory_space<vmem>>) offsets(%dma_start3A_338 : memref<125xi32, #tpu.memory_space<vmem>>) semaphore(%arg21 : memref<!tpu.dma_semaphore, #tpu.memory_space<semaphore_mem>>)
      } else {
      }
      %add3A_288 = arith.constant 8 : i32
      %add3A_289 = arith.addi %add3A_120, %add3A_288 : i32
      %dma_wait3A_290 = arith.constant 0 : i32
      %dma_wait3A_291 = tpu.memref_slice %arg7[%add3A_289, %dma_wait3A_290] : memref<80x125xi32, #tpu.memory_space<vmem>> -> memref<1x125xi32, #tpu.memory_space<vmem>>
      %dma_wait3A_292 = tpu.memref_squeeze %dma_wait3A_291 : memref<1x125xi32, #tpu.memory_space<vmem>> -> memref<125xi32, #tpu.memory_space<vmem>>
      %dma_wait3A_293 = arith.constant 0 : i32
      %dma_wait3A_294 = arith.constant 0 : i32
      %dma_wait3A_295 = tpu.memref_slice %arg2[%dma_wait3A_293, %dma_wait3A_294] : memref<10000x32xf32, #tpu.memory_space<hbm>> -> memref<10000x32xf32, #tpu.memory_space<hbm>>
      tpu.wait_indirect_dma semaphore(%arg27 : memref<!tpu.dma_semaphore, #tpu.memory_space<semaphore_mem>>) src(%dma_wait3A_295 : memref<10000x32xf32, #tpu.memory_space<hbm>>) dst(%arg17 : memref<125x32xf32, #tpu.memory_space<vmem>>)
      %dma_start3A_296 = arith.constant 0 : i32
      %dma_start3A_297 = tpu.memref_slice %arg8[%add3A_289, %dma_start3A_296] : memref<80x125xi32, #tpu.memory_space<vmem>> -> memref<1x125xi32, #tpu.memory_space<vmem>>
      %dma_start3A_298 = tpu.memref_squeeze %dma_start3A_297 : memref<1x125xi32, #tpu.memory_space<vmem>> -> memref<125xi32, #tpu.memory_space<vmem>>
      %dma_start3A_299 = arith.constant 0 : i32
      %dma_start3A_300 = arith.constant 0 : i32
      %dma_start3A_301 = tpu.memref_slice %arg39[%dma_start3A_299, %dma_start3A_300] : memref<10000x32xf32, #tpu.memory_space<vmem_shared>> -> memref<10000x32xf32, #tpu.memory_space<vmem_shared>>
      tpu.enqueue_indirect_dma source(%arg17 : memref<125x32xf32, #tpu.memory_space<vmem>>) target(%dma_start3A_301 : memref<10000x32xf32, #tpu.memory_space<vmem_shared>>) offsets(%dma_start3A_298 : memref<125xi32, #tpu.memory_space<vmem>>) semaphore(%arg37 : memref<!tpu.dma_semaphore, #tpu.memory_space<semaphore_mem>>) {add = true}
      %add3A_302 = arith.constant 5 : i32
      %add3A_303 = arith.addi %add3A_289, %add3A_302 : i32
      %lt3A_304 = arith.constant 80 : i32
      %lt3A_305 = arith.cmpi slt, %add3A_303, %lt3A_304 : i32
      %convert_element_type3A_306 = arith.extui %lt3A_305 : i1 to i32
      %cond3A_307 = arith.constant 0 : i32
      %cond3A_308 = arith.cmpi ne, %convert_element_type3A_306, %cond3A_307 : i32
      scf.if %cond3A_308 {
        %ge3A = arith.constant 5 : i32
        %ge3A_330 = arith.cmpi sge, %add3A_289, %ge3A : i32
        %convert_element_type3A_331 = arith.extui %ge3A_330 : i1 to i32
        %cond3A_332 = arith.constant 0 : i32
        %cond3A_333 = arith.cmpi ne, %convert_element_type3A_331, %cond3A_332 : i32
        scf.if %cond3A_333 {
          %sub3A = arith.constant 5 : i32
          %sub3A_342 = arith.subi %add3A_289, %sub3A : i32
          %dma_wait3A_343 = arith.constant 0 : i32
          %dma_wait3A_344 = tpu.memref_slice %arg8[%sub3A_342, %dma_wait3A_343] : memref<80x125xi32, #tpu.memory_space<vmem>> -> memref<1x125xi32, #tpu.memory_space<vmem>>
          %dma_wait3A_345 = tpu.memref_squeeze %dma_wait3A_344 : memref<1x125xi32, #tpu.memory_space<vmem>> -> memref<125xi32, #tpu.memory_space<vmem>>
          %dma_wait3A_346 = arith.constant 0 : i32
          %dma_wait3A_347 = arith.constant 0 : i32
          %dma_wait3A_348 = tpu.memref_slice %arg39[%dma_wait3A_346, %dma_wait3A_347] : memref<10000x32xf32, #tpu.memory_space<vmem_shared>> -> memref<10000x32xf32, #tpu.memory_space<vmem_shared>>
          tpu.wait_indirect_dma semaphore(%arg32 : memref<!tpu.dma_semaphore, #tpu.memory_space<semaphore_mem>>) src(%arg12 : memref<125x32xf32, #tpu.memory_space<vmem>>) dst(%dma_wait3A_348 : memref<10000x32xf32, #tpu.memory_space<vmem_shared>>)
        } else {
        }
        %add3A_334 = arith.constant 5 : i32
        %add3A_335 = arith.addi %add3A_289, %add3A_334 : i32
        %dma_start3A_336 = arith.constant 0 : i32
        %dma_start3A_337 = tpu.memref_slice %arg7[%add3A_335, %dma_start3A_336] : memref<80x125xi32, #tpu.memory_space<vmem>> -> memref<1x125xi32, #tpu.memory_space<vmem>>
        %dma_start3A_338 = tpu.memref_squeeze %dma_start3A_337 : memref<1x125xi32, #tpu.memory_space<vmem>> -> memref<125xi32, #tpu.memory_space<vmem>>
        %dma_start3A_339 = arith.constant 0 : i32
        %dma_start3A_340 = arith.constant 0 : i32
        %dma_start3A_341 = tpu.memref_slice %arg2[%dma_start3A_339, %dma_start3A_340] : memref<10000x32xf32, #tpu.memory_space<hbm>> -> memref<10000x32xf32, #tpu.memory_space<hbm>>
        tpu.enqueue_indirect_dma source(%dma_start3A_341 : memref<10000x32xf32, #tpu.memory_space<hbm>>) target(%arg12 : memref<125x32xf32, #tpu.memory_space<vmem>>) offsets(%dma_start3A_338 : memref<125xi32, #tpu.memory_space<vmem>>) semaphore(%arg22 : memref<!tpu.dma_semaphore, #tpu.memory_space<semaphore_mem>>)
      } else {
      }
      %add3A_309 = arith.constant 9 : i32
      %add3A_310 = arith.addi %add3A_120, %add3A_309 : i32
      %dma_wait3A_311 = arith.constant 0 : i32
      %dma_wait3A_312 = tpu.memref_slice %arg7[%add3A_310, %dma_wait3A_311] : memref<80x125xi32, #tpu.memory_space<vmem>> -> memref<1x125xi32, #tpu.memory_space<vmem>>
      %dma_wait3A_313 = tpu.memref_squeeze %dma_wait3A_312 : memref<1x125xi32, #tpu.memory_space<vmem>> -> memref<125xi32, #tpu.memory_space<vmem>>
      %dma_wait3A_314 = arith.constant 0 : i32
      %dma_wait3A_315 = arith.constant 0 : i32
      %dma_wait3A_316 = tpu.memref_slice %arg2[%dma_wait3A_314, %dma_wait3A_315] : memref<10000x32xf32, #tpu.memory_space<hbm>> -> memref<10000x32xf32, #tpu.memory_space<hbm>>
      tpu.wait_indirect_dma semaphore(%arg28 : memref<!tpu.dma_semaphore, #tpu.memory_space<semaphore_mem>>) src(%dma_wait3A_316 : memref<10000x32xf32, #tpu.memory_space<hbm>>) dst(%arg18 : memref<125x32xf32, #tpu.memory_space<vmem>>)
      %dma_start3A_317 = arith.constant 0 : i32
      %dma_start3A_318 = tpu.memref_slice %arg8[%add3A_310, %dma_start3A_317] : memref<80x125xi32, #tpu.memory_space<vmem>> -> memref<1x125xi32, #tpu.memory_space<vmem>>
      %dma_start3A_319 = tpu.memref_squeeze %dma_start3A_318 : memref<1x125xi32, #tpu.memory_space<vmem>> -> memref<125xi32, #tpu.memory_space<vmem>>
      %dma_start3A_320 = arith.constant 0 : i32
      %dma_start3A_321 = arith.constant 0 : i32
      %dma_start3A_322 = tpu.memref_slice %arg39[%dma_start3A_320, %dma_start3A_321] : memref<10000x32xf32, #tpu.memory_space<vmem_shared>> -> memref<10000x32xf32, #tpu.memory_space<vmem_shared>>
      tpu.enqueue_indirect_dma source(%arg18 : memref<125x32xf32, #tpu.memory_space<vmem>>) target(%dma_start3A_322 : memref<10000x32xf32, #tpu.memory_space<vmem_shared>>) offsets(%dma_start3A_319 : memref<125xi32, #tpu.memory_space<vmem>>) semaphore(%arg38 : memref<!tpu.dma_semaphore, #tpu.memory_space<semaphore_mem>>) {add = true}
      %add3A_323 = arith.constant 5 : i32
      %add3A_324 = arith.addi %add3A_310, %add3A_323 : i32
      %lt3A_325 = arith.constant 80 : i32
      %lt3A_326 = arith.cmpi slt, %add3A_324, %lt3A_325 : i32
      %convert_element_type3A_327 = arith.extui %lt3A_326 : i1 to i32
      %cond3A_328 = arith.constant 0 : i32
      %cond3A_329 = arith.cmpi ne, %convert_element_type3A_327, %cond3A_328 : i32
      scf.if %cond3A_329 {
        %ge3A = arith.constant 5 : i32
        %ge3A_330 = arith.cmpi sge, %add3A_310, %ge3A : i32
        %convert_element_type3A_331 = arith.extui %ge3A_330 : i1 to i32
        %cond3A_332 = arith.constant 0 : i32
        %cond3A_333 = arith.cmpi ne, %convert_element_type3A_331, %cond3A_332 : i32
        scf.if %cond3A_333 {
          %sub3A = arith.constant 5 : i32
          %sub3A_342 = arith.subi %add3A_310, %sub3A : i32
          %dma_wait3A_343 = arith.constant 0 : i32
          %dma_wait3A_344 = tpu.memref_slice %arg8[%sub3A_342, %dma_wait3A_343] : memref<80x125xi32, #tpu.memory_space<vmem>> -> memref<1x125xi32, #tpu.memory_space<vmem>>
          %dma_wait3A_345 = tpu.memref_squeeze %dma_wait3A_344 : memref<1x125xi32, #tpu.memory_space<vmem>> -> memref<125xi32, #tpu.memory_space<vmem>>
          %dma_wait3A_346 = arith.constant 0 : i32
          %dma_wait3A_347 = arith.constant 0 : i32
          %dma_wait3A_348 = tpu.memref_slice %arg39[%dma_wait3A_346, %dma_wait3A_347] : memref<10000x32xf32, #tpu.memory_space<vmem_shared>> -> memref<10000x32xf32, #tpu.memory_space<vmem_shared>>
          tpu.wait_indirect_dma semaphore(%arg33 : memref<!tpu.dma_semaphore, #tpu.memory_space<semaphore_mem>>) src(%arg13 : memref<125x32xf32, #tpu.memory_space<vmem>>) dst(%dma_wait3A_348 : memref<10000x32xf32, #tpu.memory_space<vmem_shared>>)
        } else {
        }
        %add3A_334 = arith.constant 5 : i32
        %add3A_335 = arith.addi %add3A_310, %add3A_334 : i32
        %dma_start3A_336 = arith.constant 0 : i32
        %dma_start3A_337 = tpu.memref_slice %arg7[%add3A_335, %dma_start3A_336] : memref<80x125xi32, #tpu.memory_space<vmem>> -> memref<1x125xi32, #tpu.memory_space<vmem>>
        %dma_start3A_338 = tpu.memref_squeeze %dma_start3A_337 : memref<1x125xi32, #tpu.memory_space<vmem>> -> memref<125xi32, #tpu.memory_space<vmem>>
        %dma_start3A_339 = arith.constant 0 : i32
        %dma_start3A_340 = arith.constant 0 : i32
        %dma_start3A_341 = tpu.memref_slice %arg2[%dma_start3A_339, %dma_start3A_340] : memref<10000x32xf32, #tpu.memory_space<hbm>> -> memref<10000x32xf32, #tpu.memory_space<hbm>>
        tpu.enqueue_indirect_dma source(%dma_start3A_341 : memref<10000x32xf32, #tpu.memory_space<hbm>>) target(%arg13 : memref<125x32xf32, #tpu.memory_space<vmem>>) offsets(%dma_start3A_338 : memref<125xi32, #tpu.memory_space<vmem>>) semaphore(%arg23 : memref<!tpu.dma_semaphore, #tpu.memory_space<semaphore_mem>>)
      } else {
      }
    }
    %scan3A_40 = arith.constant 8 : i32
    %dma_wait3A = arith.constant 70 : i32
    %dma_wait3A_41 = arith.constant 0 : i32
    %dma_wait3A_42 = tpu.memref_slice %arg8[%dma_wait3A, %dma_wait3A_41] : memref<80x125xi32, #tpu.memory_space<vmem>> -> memref<1x125xi32, #tpu.memory_space<vmem>>
    %dma_wait3A_43 = tpu.memref_squeeze %dma_wait3A_42 : memref<1x125xi32, #tpu.memory_space<vmem>> -> memref<125xi32, #tpu.memory_space<vmem>>
    %dma_wait3A_44 = arith.constant 0 : i32
    %dma_wait3A_45 = arith.constant 0 : i32
    %dma_wait3A_46 = tpu.memref_slice %arg39[%dma_wait3A_44, %dma_wait3A_45] : memref<10000x32xf32, #tpu.memory_space<vmem_shared>> -> memref<10000x32xf32, #tpu.memory_space<vmem_shared>>
    tpu.wait_indirect_dma semaphore(%arg29 : memref<!tpu.dma_semaphore, #tpu.memory_space<semaphore_mem>>) src(%arg9 : memref<125x32xf32, #tpu.memory_space<vmem>>) dst(%dma_wait3A_46 : memref<10000x32xf32, #tpu.memory_space<vmem_shared>>)
    %dma_wait3A_47 = arith.constant 71 : i32
    %dma_wait3A_48 = arith.constant 0 : i32
    %dma_wait3A_49 = tpu.memref_slice %arg8[%dma_wait3A_47, %dma_wait3A_48] : memref<80x125xi32, #tpu.memory_space<vmem>> -> memref<1x125xi32, #tpu.memory_space<vmem>>
    %dma_wait3A_50 = tpu.memref_squeeze %dma_wait3A_49 : memref<1x125xi32, #tpu.memory_space<vmem>> -> memref<125xi32, #tpu.memory_space<vmem>>
    %dma_wait3A_51 = arith.constant 0 : i32
    %dma_wait3A_52 = arith.constant 0 : i32
    %dma_wait3A_53 = tpu.memref_slice %arg39[%dma_wait3A_51, %dma_wait3A_52] : memref<10000x32xf32, #tpu.memory_space<vmem_shared>> -> memref<10000x32xf32, #tpu.memory_space<vmem_shared>>
    tpu.wait_indirect_dma semaphore(%arg30 : memref<!tpu.dma_semaphore, #tpu.memory_space<semaphore_mem>>) src(%arg10 : memref<125x32xf32, #tpu.memory_space<vmem>>) dst(%dma_wait3A_53 : memref<10000x32xf32, #tpu.memory_space<vmem_shared>>)
    %dma_wait3A_54 = arith.constant 72 : i32
    %dma_wait3A_55 = arith.constant 0 : i32
    %dma_wait3A_56 = tpu.memref_slice %arg8[%dma_wait3A_54, %dma_wait3A_55] : memref<80x125xi32, #tpu.memory_space<vmem>> -> memref<1x125xi32, #tpu.memory_space<vmem>>
    %dma_wait3A_57 = tpu.memref_squeeze %dma_wait3A_56 : memref<1x125xi32, #tpu.memory_space<vmem>> -> memref<125xi32, #tpu.memory_space<vmem>>
    %dma_wait3A_58 = arith.constant 0 : i32
    %dma_wait3A_59 = arith.constant 0 : i32
    %dma_wait3A_60 = tpu.memref_slice %arg39[%dma_wait3A_58, %dma_wait3A_59] : memref<10000x32xf32, #tpu.memory_space<vmem_shared>> -> memref<10000x32xf32, #tpu.memory_space<vmem_shared>>
    tpu.wait_indirect_dma semaphore(%arg31 : memref<!tpu.dma_semaphore, #tpu.memory_space<semaphore_mem>>) src(%arg11 : memref<125x32xf32, #tpu.memory_space<vmem>>) dst(%dma_wait3A_60 : memref<10000x32xf32, #tpu.memory_space<vmem_shared>>)
    %dma_wait3A_61 = arith.constant 73 : i32
    %dma_wait3A_62 = arith.constant 0 : i32
    %dma_wait3A_63 = tpu.memref_slice %arg8[%dma_wait3A_61, %dma_wait3A_62] : memref<80x125xi32, #tpu.memory_space<vmem>> -> memref<1x125xi32, #tpu.memory_space<vmem>>
    %dma_wait3A_64 = tpu.memref_squeeze %dma_wait3A_63 : memref<1x125xi32, #tpu.memory_space<vmem>> -> memref<125xi32, #tpu.memory_space<vmem>>
    %dma_wait3A_65 = arith.constant 0 : i32
    %dma_wait3A_66 = arith.constant 0 : i32
    %dma_wait3A_67 = tpu.memref_slice %arg39[%dma_wait3A_65, %dma_wait3A_66] : memref<10000x32xf32, #tpu.memory_space<vmem_shared>> -> memref<10000x32xf32, #tpu.memory_space<vmem_shared>>
    tpu.wait_indirect_dma semaphore(%arg32 : memref<!tpu.dma_semaphore, #tpu.memory_space<semaphore_mem>>) src(%arg12 : memref<125x32xf32, #tpu.memory_space<vmem>>) dst(%dma_wait3A_67 : memref<10000x32xf32, #tpu.memory_space<vmem_shared>>)
    %dma_wait3A_68 = arith.constant 74 : i32
    %dma_wait3A_69 = arith.constant 0 : i32
    %dma_wait3A_70 = tpu.memref_slice %arg8[%dma_wait3A_68, %dma_wait3A_69] : memref<80x125xi32, #tpu.memory_space<vmem>> -> memref<1x125xi32, #tpu.memory_space<vmem>>
    %dma_wait3A_71 = tpu.memref_squeeze %dma_wait3A_70 : memref<1x125xi32, #tpu.memory_space<vmem>> -> memref<125xi32, #tpu.memory_space<vmem>>
    %dma_wait3A_72 = arith.constant 0 : i32
    %dma_wait3A_73 = arith.constant 0 : i32
    %dma_wait3A_74 = tpu.memref_slice %arg39[%dma_wait3A_72, %dma_wait3A_73] : memref<10000x32xf32, #tpu.memory_space<vmem_shared>> -> memref<10000x32xf32, #tpu.memory_space<vmem_shared>>
    tpu.wait_indirect_dma semaphore(%arg33 : memref<!tpu.dma_semaphore, #tpu.memory_space<semaphore_mem>>) src(%arg13 : memref<125x32xf32, #tpu.memory_space<vmem>>) dst(%dma_wait3A_74 : memref<10000x32xf32, #tpu.memory_space<vmem_shared>>)
    %dma_wait3A_75 = arith.constant 75 : i32
    %dma_wait3A_76 = arith.constant 0 : i32
    %dma_wait3A_77 = tpu.memref_slice %arg8[%dma_wait3A_75, %dma_wait3A_76] : memref<80x125xi32, #tpu.memory_space<vmem>> -> memref<1x125xi32, #tpu.memory_space<vmem>>
    %dma_wait3A_78 = tpu.memref_squeeze %dma_wait3A_77 : memref<1x125xi32, #tpu.memory_space<vmem>> -> memref<125xi32, #tpu.memory_space<vmem>>
    %dma_wait3A_79 = arith.constant 0 : i32
    %dma_wait3A_80 = arith.constant 0 : i32
    %dma_wait3A_81 = tpu.memref_slice %arg39[%dma_wait3A_79, %dma_wait3A_80] : memref<10000x32xf32, #tpu.memory_space<vmem_shared>> -> memref<10000x32xf32, #tpu.memory_space<vmem_shared>>
    tpu.wait_indirect_dma semaphore(%arg34 : memref<!tpu.dma_semaphore, #tpu.memory_space<semaphore_mem>>) src(%arg14 : memref<125x32xf32, #tpu.memory_space<vmem>>) dst(%dma_wait3A_81 : memref<10000x32xf32, #tpu.memory_space<vmem_shared>>)
    %dma_wait3A_82 = arith.constant 76 : i32
    %dma_wait3A_83 = arith.constant 0 : i32
    %dma_wait3A_84 = tpu.memref_slice %arg8[%dma_wait3A_82, %dma_wait3A_83] : memref<80x125xi32, #tpu.memory_space<vmem>> -> memref<1x125xi32, #tpu.memory_space<vmem>>
    %dma_wait3A_85 = tpu.memref_squeeze %dma_wait3A_84 : memref<1x125xi32, #tpu.memory_space<vmem>> -> memref<125xi32, #tpu.memory_space<vmem>>
    %dma_wait3A_86 = arith.constant 0 : i32
    %dma_wait3A_87 = arith.constant 0 : i32
    %dma_wait3A_88 = tpu.memref_slice %arg39[%dma_wait3A_86, %dma_wait3A_87] : memref<10000x32xf32, #tpu.memory_space<vmem_shared>> -> memref<10000x32xf32, #tpu.memory_space<vmem_shared>>
    tpu.wait_indirect_dma semaphore(%arg35 : memref<!tpu.dma_semaphore, #tpu.memory_space<semaphore_mem>>) src(%arg15 : memref<125x32xf32, #tpu.memory_space<vmem>>) dst(%dma_wait3A_88 : memref<10000x32xf32, #tpu.memory_space<vmem_shared>>)
    %dma_wait3A_89 = arith.constant 77 : i32
    %dma_wait3A_90 = arith.constant 0 : i32
    %dma_wait3A_91 = tpu.memref_slice %arg8[%dma_wait3A_89, %dma_wait3A_90] : memref<80x125xi32, #tpu.memory_space<vmem>> -> memref<1x125xi32, #tpu.memory_space<vmem>>
    %dma_wait3A_92 = tpu.memref_squeeze %dma_wait3A_91 : memref<1x125xi32, #tpu.memory_space<vmem>> -> memref<125xi32, #tpu.memory_space<vmem>>
    %dma_wait3A_93 = arith.constant 0 : i32
    %dma_wait3A_94 = arith.constant 0 : i32
    %dma_wait3A_95 = tpu.memref_slice %arg39[%dma_wait3A_93, %dma_wait3A_94] : memref<10000x32xf32, #tpu.memory_space<vmem_shared>> -> memref<10000x32xf32, #tpu.memory_space<vmem_shared>>
    tpu.wait_indirect_dma semaphore(%arg36 : memref<!tpu.dma_semaphore, #tpu.memory_space<semaphore_mem>>) src(%arg16 : memref<125x32xf32, #tpu.memory_space<vmem>>) dst(%dma_wait3A_95 : memref<10000x32xf32, #tpu.memory_space<vmem_shared>>)
    %dma_wait3A_96 = arith.constant 78 : i32
    %dma_wait3A_97 = arith.constant 0 : i32
    %dma_wait3A_98 = tpu.memref_slice %arg8[%dma_wait3A_96, %dma_wait3A_97] : memref<80x125xi32, #tpu.memory_space<vmem>> -> memref<1x125xi32, #tpu.memory_space<vmem>>
    %dma_wait3A_99 = tpu.memref_squeeze %dma_wait3A_98 : memref<1x125xi32, #tpu.memory_space<vmem>> -> memref<125xi32, #tpu.memory_space<vmem>>
    %dma_wait3A_100 = arith.constant 0 : i32
    %dma_wait3A_101 = arith.constant 0 : i32
    %dma_wait3A_102 = tpu.memref_slice %arg39[%dma_wait3A_100, %dma_wait3A_101] : memref<10000x32xf32, #tpu.memory_space<vmem_shared>> -> memref<10000x32xf32, #tpu.memory_space<vmem_shared>>
    tpu.wait_indirect_dma semaphore(%arg37 : memref<!tpu.dma_semaphore, #tpu.memory_space<semaphore_mem>>) src(%arg17 : memref<125x32xf32, #tpu.memory_space<vmem>>) dst(%dma_wait3A_102 : memref<10000x32xf32, #tpu.memory_space<vmem_shared>>)
    %dma_wait3A_103 = arith.constant 79 : i32
    %dma_wait3A_104 = arith.constant 0 : i32
    %dma_wait3A_105 = tpu.memref_slice %arg8[%dma_wait3A_103, %dma_wait3A_104] : memref<80x125xi32, #tpu.memory_space<vmem>> -> memref<1x125xi32, #tpu.memory_space<vmem>>
    %dma_wait3A_106 = tpu.memref_squeeze %dma_wait3A_105 : memref<1x125xi32, #tpu.memory_space<vmem>> -> memref<125xi32, #tpu.memory_space<vmem>>
    %dma_wait3A_107 = arith.constant 0 : i32
    %dma_wait3A_108 = arith.constant 0 : i32
    %dma_wait3A_109 = tpu.memref_slice %arg39[%dma_wait3A_107, %dma_wait3A_108] : memref<10000x32xf32, #tpu.memory_space<vmem_shared>> -> memref<10000x32xf32, #tpu.memory_space<vmem_shared>>
    tpu.wait_indirect_dma semaphore(%arg38 : memref<!tpu.dma_semaphore, #tpu.memory_space<semaphore_mem>>) src(%arg18 : memref<125x32xf32, #tpu.memory_space<vmem>>) dst(%dma_wait3A_109 : memref<10000x32xf32, #tpu.memory_space<vmem_shared>>)
    %barrier3A_110 = arith.constant 0 : index
    tpu.barrier barrier_id(%barrier3A_110)
    %eq3A_111 = arith.constant 0 : i32
    %eq3A_112 = arith.cmpi eq, %arg1, %eq3A_111 : i32
    %convert_element_type3A_113 = arith.extui %eq3A_112 : i1 to i32
    %cond3A_114 = arith.constant 0 : i32
    %cond3A_115 = arith.cmpi ne, %convert_element_type3A_113, %cond3A_114 : i32
    scf.if %cond3A_115 {
      "tpu.region"() ({
        %run_scoped3A = tpu.sem_alloc : memref<!tpu.dma_semaphore, #tpu.memory_space<semaphore_mem>>
        %dma_start3A_116 = arith.constant 0 : i32
        %dma_start3A_117 = arith.constant 0 : i32
        %dma_start3A_118 = tpu.memref_slice %arg6[%arg0, %dma_start3A_116, %dma_start3A_117] : memref<2x10000x32xf32, #tpu.memory_space<hbm>> -> memref<1x10000x32xf32, #tpu.memory_space<hbm>>
        %dma_start3A_119 = tpu.memref_squeeze %dma_start3A_118 : memref<1x10000x32xf32, #tpu.memory_space<hbm>> -> memref<10000x32xf32, #tpu.memory_space<hbm>>
        tpu.enqueue_dma source(%arg39 : memref<10000x32xf32, #tpu.memory_space<vmem_shared>>) target(%dma_start3A_119 : memref<10000x32xf32, #tpu.memory_space<hbm>>) target_semaphore(%run_scoped3A : memref<!tpu.dma_semaphore, #tpu.memory_space<semaphore_mem>>)
        %dma_wait3A_120 = arith.constant 0 : i32
        %dma_wait3A_121 = arith.constant 0 : i32
        %dma_wait3A_122 = tpu.memref_slice %arg6[%arg0, %dma_wait3A_120, %dma_wait3A_121] : memref<2x10000x32xf32, #tpu.memory_space<hbm>> -> memref<1x10000x32xf32, #tpu.memory_space<hbm>>
        %dma_wait3A_123 = tpu.memref_squeeze %dma_wait3A_122 : memref<1x10000x32xf32, #tpu.memory_space<hbm>> -> memref<10000x32xf32, #tpu.memory_space<hbm>>
        tpu.wait_dma2 semaphore(%run_scoped3A : memref<!tpu.dma_semaphore, #tpu.memory_space<semaphore_mem>>) src(%arg39 : memref<10000x32xf32, #tpu.memory_space<vmem_shared>>) dst(%dma_wait3A_123 : memref<10000x32xf32, #tpu.memory_space<hbm>>)
        tpu.yield
      }) : () -> ()
    } else {
    }
    return
  }
}

#map = affine_map<(d0, d1) -> (0, 0, 0)>
#map1 = affine_map<(d0, d1) -> (0, 0)>
module attributes {stable_mosaic.version = 14 : i64} {
  func.func @body(%arg0: i32, %arg1: i32, %arg2: memref<32x80x125xi32, #tpu.memory_space<hbm>>, %arg3: memref<10000x32xf32, #tpu.memory_space<hbm>>, %arg4: memref<2x10000x32xf32, #tpu.memory_space<hbm>>, %arg5: memref<80x125xi32, #tpu.memory_space<vmem>>, %arg6: memref<125x32xf32, #tpu.memory_space<vmem>>, %arg7: memref<10000x32xf32, #tpu.memory_space<vmem_shared>>, %arg8: memref<!tpu.dma_semaphore, #tpu.memory_space<semaphore_mem>>) attributes {dimension_semantics = [#tpu.dimension_semantics<core_parallel>, #tpu.dimension_semantics<subcore_parallel>], iteration_bounds = array<i64: 2, 16>, scalar_prefetch = 0 : i64, scratch_operands = 4 : i64, tpu.core_type = #tpu.core_type<sc_vector_subcore>, window_params = [{transform_indices = #map}, {transform_indices = #map1}, {transform_indices = #map}]} {
    %mul3A = arith.constant 2 : i32
    %mul3A_0 = arith.muli %arg1, %mul3A : i32
    %add3A = arith.addi %mul3A_0, %arg0 : i32
    %eq3A = arith.constant 0 : i32
    %eq3A_1 = arith.cmpi eq, %arg1, %eq3A : i32
    %convert_element_type3A = arith.extui %eq3A_1 : i1 to i32
    %cond3A = arith.constant 0 : i32
    %cond3A_2 = arith.cmpi ne, %convert_element_type3A, %cond3A : i32
    scf.if %cond3A_2 {
      "tpu.region"() ({
        %run_scoped3A = tpu.sem_alloc : memref<!tpu.dma_semaphore, #tpu.memory_space<semaphore_mem>>
        tpu.enqueue_dma source(%arg3 : memref<10000x32xf32, #tpu.memory_space<hbm>>) target(%arg7 : memref<10000x32xf32, #tpu.memory_space<vmem_shared>>) target_semaphore(%run_scoped3A : memref<!tpu.dma_semaphore, #tpu.memory_space<semaphore_mem>>)
        tpu.wait_dma2 semaphore(%run_scoped3A : memref<!tpu.dma_semaphore, #tpu.memory_space<semaphore_mem>>) src(%arg3 : memref<10000x32xf32, #tpu.memory_space<hbm>>) dst(%arg7 : memref<10000x32xf32, #tpu.memory_space<vmem_shared>>)
        tpu.yield
      }) : () -> ()
    } else {
    }
    %scan3A = arith.constant 0 : i32
    %scan3A_3 = arith.constant 125 : i32
    %scan3A_4 = arith.addi %scan3A, %scan3A_3 : i32
    %scan3A_5 = arith.constant 1 : i32
    scf.for %scan3A_87 = %scan3A to %scan3A_4 step %scan3A_5  : i32 {
      %mul3A_88 = arith.constant 1 : i32
      %mul3A_89 = arith.muli %scan3A_87, %mul3A_88 : i32
      %add3A_90 = arith.constant 0 : i32
      %add3A_91 = arith.addi %add3A_90, %mul3A_89 : i32
      %broadcast_in_dim3A = arith.constant 1.000000e+00 : f32
      %broadcast_in_dim3A_92 = vector.broadcast %broadcast_in_dim3A : f32 to vector<16xf32>
      %swap3A = arith.index_cast %add3A_91 : i32 to index
      %swap3A_93 = arith.constant 0 : index
      %swap3A_94 = tpu.vector_load %arg6[%swap3A, %swap3A_93] {strides = array<i32>} : memref<125x32xf32, #tpu.memory_space<vmem>>, vector<1x16xf32>,
      %swap3A_95 = vector.shape_cast %swap3A_94 : vector<1x16xf32> to vector<16xf32>
      %swap3A_96 = vector.shape_cast %broadcast_in_dim3A_92 : vector<16xf32> to vector<1x16xf32>
      tpu.vector_store %arg6[%swap3A, %swap3A_93], %swap3A_96 {strides = array<i32>} : memref<125x32xf32, #tpu.memory_space<vmem>>, vector<1x16xf32>,
      %broadcast_in_dim3A_97 = arith.constant 1.000000e+00 : f32
      %broadcast_in_dim3A_98 = vector.broadcast %broadcast_in_dim3A_97 : f32 to vector<16xf32>
      %swap3A_99 = arith.index_cast %add3A_91 : i32 to index
      %swap3A_100 = arith.constant 16 : index
      %swap3A_101 = tpu.vector_load %arg6[%swap3A_99, %swap3A_100] {strides = array<i32>} : memref<125x32xf32, #tpu.memory_space<vmem>>, vector<1x16xf32>,
      %swap3A_102 = vector.shape_cast %swap3A_101 : vector<1x16xf32> to vector<16xf32>
      %swap3A_103 = vector.shape_cast %broadcast_in_dim3A_98 : vector<16xf32> to vector<1x16xf32>
      tpu.vector_store %arg6[%swap3A_99, %swap3A_100], %swap3A_103 {strides = array<i32>} : memref<125x32xf32, #tpu.memory_space<vmem>>, vector<1x16xf32>,
    }
    %scan3A_6 = arith.constant 125 : i32
    "tpu.region"() ({
      %run_scoped3A = tpu.sem_alloc : memref<!tpu.dma_semaphore, #tpu.memory_space<semaphore_mem>>
      %dma_start3A = arith.constant 0 : i32
      %dma_start3A_87 = arith.constant 0 : i32
      %dma_start3A_88 = tpu.memref_slice %arg2[%add3A, %dma_start3A, %dma_start3A_87] : memref<32x80x125xi32, #tpu.memory_space<hbm>> -> memref<1x80x125xi32, #tpu.memory_space<hbm>>
      %dma_start3A_89 = tpu.memref_squeeze %dma_start3A_88 : memref<1x80x125xi32, #tpu.memory_space<hbm>> -> memref<80x125xi32, #tpu.memory_space<hbm>>
      %dma_start3A_90 = arith.constant 0 : i32
      %dma_start3A_91 = arith.constant 0 : i32
      %dma_start3A_92 = tpu.memref_slice %arg2[%add3A, %dma_start3A_90, %dma_start3A_91] : memref<32x80x125xi32, #tpu.memory_space<hbm>> -> memref<1x80x125xi32, #tpu.memory_space<hbm>>
      %dma_start3A_93 = tpu.memref_squeeze %dma_start3A_92 : memref<1x80x125xi32, #tpu.memory_space<hbm>> -> memref<80x125xi32, #tpu.memory_space<hbm>>
      tpu.enqueue_dma source(%dma_start3A_93 : memref<80x125xi32, #tpu.memory_space<hbm>>) target(%arg5 : memref<80x125xi32, #tpu.memory_space<vmem>>) target_semaphore(%run_scoped3A : memref<!tpu.dma_semaphore, #tpu.memory_space<semaphore_mem>>)
      %dma_wait3A_94 = arith.constant 0 : i32
      %dma_wait3A_95 = arith.constant 0 : i32
      %dma_wait3A_96 = tpu.memref_slice %arg2[%add3A, %dma_wait3A_94, %dma_wait3A_95] : memref<32x80x125xi32, #tpu.memory_space<hbm>> -> memref<1x80x125xi32, #tpu.memory_space<hbm>>
      %dma_wait3A_97 = tpu.memref_squeeze %dma_wait3A_96 : memref<1x80x125xi32, #tpu.memory_space<hbm>> -> memref<80x125xi32, #tpu.memory_space<hbm>>
      %dma_wait3A_98 = arith.constant 0 : i32
      %dma_wait3A_99 = arith.constant 0 : i32
      %dma_wait3A_100 = tpu.memref_slice %arg2[%add3A, %dma_wait3A_98, %dma_wait3A_99] : memref<32x80x125xi32, #tpu.memory_space<hbm>> -> memref<1x80x125xi32, #tpu.memory_space<hbm>>
      %dma_wait3A_101 = tpu.memref_squeeze %dma_wait3A_100 : memref<1x80x125xi32, #tpu.memory_space<hbm>> -> memref<80x125xi32, #tpu.memory_space<hbm>>
      tpu.wait_dma2 semaphore(%run_scoped3A : memref<!tpu.dma_semaphore, #tpu.memory_space<semaphore_mem>>) src(%dma_wait3A_101 : memref<80x125xi32, #tpu.memory_space<hbm>>) dst(%arg5 : memref<80x125xi32, #tpu.memory_space<vmem>>)
      tpu.yield
    }) : () -> ()
    %barrier3A = arith.constant 0 : index
    tpu.barrier barrier_id(%barrier3A)
    %scan3A_7 = arith.constant 0 : i32
    %scan3A_8 = arith.constant 80 : i32
    %scan3A_9 = arith.addi %scan3A_7, %scan3A_8 : i32
    %scan3A_10 = arith.constant 1 : i32
    scf.for %scan3A_87 = %scan3A_7 to %scan3A_9 step %scan3A_10  : i32 {
      %mul3A_88 = arith.constant 1 : i32
      %mul3A_89 = arith.muli %scan3A_87, %mul3A_88 : i32
      %add3A_90 = arith.constant 0 : i32
      %add3A_91 = arith.addi %add3A_90, %mul3A_89 : i32
      %dma_start3A = arith.constant 0 : i32
      %dma_start3A_92 = tpu.memref_slice %arg5[%add3A_91, %dma_start3A] : memref<80x125xi32, #tpu.memory_space<vmem>> -> memref<1x125xi32, #tpu.memory_space<vmem>>
      %dma_start3A_93 = tpu.memref_squeeze %dma_start3A_92 : memref<1x125xi32, #tpu.memory_space<vmem>> -> memref<125xi32, #tpu.memory_space<vmem>>
      %dma_start3A_94 = arith.constant 0 : i32
      %dma_start3A_95 = arith.constant 0 : i32
      %dma_start3A_96 = tpu.memref_slice %arg7[%dma_start3A_94, %dma_start3A_95] : memref<10000x32xf32, #tpu.memory_space<vmem_shared>> -> memref<10000x32xf32, #tpu.memory_space<vmem_shared>>
      tpu.enqueue_indirect_dma source(%arg6 : memref<125x32xf32, #tpu.memory_space<vmem>>) target(%dma_start3A_96 : memref<10000x32xf32, #tpu.memory_space<vmem_shared>>) offsets(%dma_start3A_93 : memref<125xi32, #tpu.memory_space<vmem>>) semaphore(%arg8 : memref<!tpu.dma_semaphore, #tpu.memory_space<semaphore_mem>>) {add = true}
      %ge3A = arith.constant 10 : i32
      %ge3A_97 = arith.cmpi sge, %add3A_91, %ge3A : i32
      %convert_element_type3A_98 = arith.extui %ge3A_97 : i1 to i32
      %cond3A_99 = arith.constant 0 : i32
      %cond3A_100 = arith.cmpi ne, %convert_element_type3A_98, %cond3A_99 : i32
      scf.if %cond3A_100 {
        %sub3A = arith.constant 10 : i32
        %sub3A_101 = arith.subi %add3A_91, %sub3A : i32
        %dma_wait3A_102 = arith.constant 0 : i32
        %dma_wait3A_103 = tpu.memref_slice %arg5[%sub3A_101, %dma_wait3A_102] : memref<80x125xi32, #tpu.memory_space<vmem>> -> memref<1x125xi32, #tpu.memory_space<vmem>>
        %dma_wait3A_104 = tpu.memref_squeeze %dma_wait3A_103 : memref<1x125xi32, #tpu.memory_space<vmem>> -> memref<125xi32, #tpu.memory_space<vmem>>
        %dma_wait3A_105 = arith.constant 0 : i32
        %dma_wait3A_106 = arith.constant 0 : i32
        %dma_wait3A_107 = tpu.memref_slice %arg7[%dma_wait3A_105, %dma_wait3A_106] : memref<10000x32xf32, #tpu.memory_space<vmem_shared>> -> memref<10000x32xf32, #tpu.memory_space<vmem_shared>>
        tpu.wait_indirect_dma semaphore(%arg8 : memref<!tpu.dma_semaphore, #tpu.memory_space<semaphore_mem>>) src(%arg6 : memref<125x32xf32, #tpu.memory_space<vmem>>) dst(%dma_wait3A_107 : memref<10000x32xf32, #tpu.memory_space<vmem_shared>>)
      } else {
      }
    }
    %scan3A_11 = arith.constant 80 : i32
    %dma_wait3A = arith.constant 70 : i32
    %dma_wait3A_12 = arith.constant 0 : i32
    %dma_wait3A_13 = tpu.memref_slice %arg5[%dma_wait3A, %dma_wait3A_12] : memref<80x125xi32, #tpu.memory_space<vmem>> -> memref<1x125xi32, #tpu.memory_space<vmem>>
    %dma_wait3A_14 = tpu.memref_squeeze %dma_wait3A_13 : memref<1x125xi32, #tpu.memory_space<vmem>> -> memref<125xi32, #tpu.memory_space<vmem>>
    %dma_wait3A_15 = arith.constant 0 : i32
    %dma_wait3A_16 = arith.constant 0 : i32
    %dma_wait3A_17 = tpu.memref_slice %arg7[%dma_wait3A_15, %dma_wait3A_16] : memref<10000x32xf32, #tpu.memory_space<vmem_shared>> -> memref<10000x32xf32, #tpu.memory_space<vmem_shared>>
    tpu.wait_indirect_dma semaphore(%arg8 : memref<!tpu.dma_semaphore, #tpu.memory_space<semaphore_mem>>) src(%arg6 : memref<125x32xf32, #tpu.memory_space<vmem>>) dst(%dma_wait3A_17 : memref<10000x32xf32, #tpu.memory_space<vmem_shared>>)
    %dma_wait3A_18 = arith.constant 71 : i32
    %dma_wait3A_19 = arith.constant 0 : i32
    %dma_wait3A_20 = tpu.memref_slice %arg5[%dma_wait3A_18, %dma_wait3A_19] : memref<80x125xi32, #tpu.memory_space<vmem>> -> memref<1x125xi32, #tpu.memory_space<vmem>>
    %dma_wait3A_21 = tpu.memref_squeeze %dma_wait3A_20 : memref<1x125xi32, #tpu.memory_space<vmem>> -> memref<125xi32, #tpu.memory_space<vmem>>
    %dma_wait3A_22 = arith.constant 0 : i32
    %dma_wait3A_23 = arith.constant 0 : i32
    %dma_wait3A_24 = tpu.memref_slice %arg7[%dma_wait3A_22, %dma_wait3A_23] : memref<10000x32xf32, #tpu.memory_space<vmem_shared>> -> memref<10000x32xf32, #tpu.memory_space<vmem_shared>>
    tpu.wait_indirect_dma semaphore(%arg8 : memref<!tpu.dma_semaphore, #tpu.memory_space<semaphore_mem>>) src(%arg6 : memref<125x32xf32, #tpu.memory_space<vmem>>) dst(%dma_wait3A_24 : memref<10000x32xf32, #tpu.memory_space<vmem_shared>>)
    %dma_wait3A_25 = arith.constant 72 : i32
    %dma_wait3A_26 = arith.constant 0 : i32
    %dma_wait3A_27 = tpu.memref_slice %arg5[%dma_wait3A_25, %dma_wait3A_26] : memref<80x125xi32, #tpu.memory_space<vmem>> -> memref<1x125xi32, #tpu.memory_space<vmem>>
    %dma_wait3A_28 = tpu.memref_squeeze %dma_wait3A_27 : memref<1x125xi32, #tpu.memory_space<vmem>> -> memref<125xi32, #tpu.memory_space<vmem>>
    %dma_wait3A_29 = arith.constant 0 : i32
    %dma_wait3A_30 = arith.constant 0 : i32
    %dma_wait3A_31 = tpu.memref_slice %arg7[%dma_wait3A_29, %dma_wait3A_30] : memref<10000x32xf32, #tpu.memory_space<vmem_shared>> -> memref<10000x32xf32, #tpu.memory_space<vmem_shared>>
    tpu.wait_indirect_dma semaphore(%arg8 : memref<!tpu.dma_semaphore, #tpu.memory_space<semaphore_mem>>) src(%arg6 : memref<125x32xf32, #tpu.memory_space<vmem>>) dst(%dma_wait3A_31 : memref<10000x32xf32, #tpu.memory_space<vmem_shared>>)
    %dma_wait3A_32 = arith.constant 73 : i32
    %dma_wait3A_33 = arith.constant 0 : i32
    %dma_wait3A_34 = tpu.memref_slice %arg5[%dma_wait3A_32, %dma_wait3A_33] : memref<80x125xi32, #tpu.memory_space<vmem>> -> memref<1x125xi32, #tpu.memory_space<vmem>>
    %dma_wait3A_35 = tpu.memref_squeeze %dma_wait3A_34 : memref<1x125xi32, #tpu.memory_space<vmem>> -> memref<125xi32, #tpu.memory_space<vmem>>
    %dma_wait3A_36 = arith.constant 0 : i32
    %dma_wait3A_37 = arith.constant 0 : i32
    %dma_wait3A_38 = tpu.memref_slice %arg7[%dma_wait3A_36, %dma_wait3A_37] : memref<10000x32xf32, #tpu.memory_space<vmem_shared>> -> memref<10000x32xf32, #tpu.memory_space<vmem_shared>>
    tpu.wait_indirect_dma semaphore(%arg8 : memref<!tpu.dma_semaphore, #tpu.memory_space<semaphore_mem>>) src(%arg6 : memref<125x32xf32, #tpu.memory_space<vmem>>) dst(%dma_wait3A_38 : memref<10000x32xf32, #tpu.memory_space<vmem_shared>>)
    %dma_wait3A_39 = arith.constant 74 : i32
    %dma_wait3A_40 = arith.constant 0 : i32
    %dma_wait3A_41 = tpu.memref_slice %arg5[%dma_wait3A_39, %dma_wait3A_40] : memref<80x125xi32, #tpu.memory_space<vmem>> -> memref<1x125xi32, #tpu.memory_space<vmem>>
    %dma_wait3A_42 = tpu.memref_squeeze %dma_wait3A_41 : memref<1x125xi32, #tpu.memory_space<vmem>> -> memref<125xi32, #tpu.memory_space<vmem>>
    %dma_wait3A_43 = arith.constant 0 : i32
    %dma_wait3A_44 = arith.constant 0 : i32
    %dma_wait3A_45 = tpu.memref_slice %arg7[%dma_wait3A_43, %dma_wait3A_44] : memref<10000x32xf32, #tpu.memory_space<vmem_shared>> -> memref<10000x32xf32, #tpu.memory_space<vmem_shared>>
    tpu.wait_indirect_dma semaphore(%arg8 : memref<!tpu.dma_semaphore, #tpu.memory_space<semaphore_mem>>) src(%arg6 : memref<125x32xf32, #tpu.memory_space<vmem>>) dst(%dma_wait3A_45 : memref<10000x32xf32, #tpu.memory_space<vmem_shared>>)
    %dma_wait3A_46 = arith.constant 75 : i32
    %dma_wait3A_47 = arith.constant 0 : i32
    %dma_wait3A_48 = tpu.memref_slice %arg5[%dma_wait3A_46, %dma_wait3A_47] : memref<80x125xi32, #tpu.memory_space<vmem>> -> memref<1x125xi32, #tpu.memory_space<vmem>>
    %dma_wait3A_49 = tpu.memref_squeeze %dma_wait3A_48 : memref<1x125xi32, #tpu.memory_space<vmem>> -> memref<125xi32, #tpu.memory_space<vmem>>
    %dma_wait3A_50 = arith.constant 0 : i32
    %dma_wait3A_51 = arith.constant 0 : i32
    %dma_wait3A_52 = tpu.memref_slice %arg7[%dma_wait3A_50, %dma_wait3A_51] : memref<10000x32xf32, #tpu.memory_space<vmem_shared>> -> memref<10000x32xf32, #tpu.memory_space<vmem_shared>>
    tpu.wait_indirect_dma semaphore(%arg8 : memref<!tpu.dma_semaphore, #tpu.memory_space<semaphore_mem>>) src(%arg6 : memref<125x32xf32, #tpu.memory_space<vmem>>) dst(%dma_wait3A_52 : memref<10000x32xf32, #tpu.memory_space<vmem_shared>>)
    %dma_wait3A_53 = arith.constant 76 : i32
    %dma_wait3A_54 = arith.constant 0 : i32
    %dma_wait3A_55 = tpu.memref_slice %arg5[%dma_wait3A_53, %dma_wait3A_54] : memref<80x125xi32, #tpu.memory_space<vmem>> -> memref<1x125xi32, #tpu.memory_space<vmem>>
    %dma_wait3A_56 = tpu.memref_squeeze %dma_wait3A_55 : memref<1x125xi32, #tpu.memory_space<vmem>> -> memref<125xi32, #tpu.memory_space<vmem>>
    %dma_wait3A_57 = arith.constant 0 : i32
    %dma_wait3A_58 = arith.constant 0 : i32
    %dma_wait3A_59 = tpu.memref_slice %arg7[%dma_wait3A_57, %dma_wait3A_58] : memref<10000x32xf32, #tpu.memory_space<vmem_shared>> -> memref<10000x32xf32, #tpu.memory_space<vmem_shared>>
    tpu.wait_indirect_dma semaphore(%arg8 : memref<!tpu.dma_semaphore, #tpu.memory_space<semaphore_mem>>) src(%arg6 : memref<125x32xf32, #tpu.memory_space<vmem>>) dst(%dma_wait3A_59 : memref<10000x32xf32, #tpu.memory_space<vmem_shared>>)
    %dma_wait3A_60 = arith.constant 77 : i32
    %dma_wait3A_61 = arith.constant 0 : i32
    %dma_wait3A_62 = tpu.memref_slice %arg5[%dma_wait3A_60, %dma_wait3A_61] : memref<80x125xi32, #tpu.memory_space<vmem>> -> memref<1x125xi32, #tpu.memory_space<vmem>>
    %dma_wait3A_63 = tpu.memref_squeeze %dma_wait3A_62 : memref<1x125xi32, #tpu.memory_space<vmem>> -> memref<125xi32, #tpu.memory_space<vmem>>
    %dma_wait3A_64 = arith.constant 0 : i32
    %dma_wait3A_65 = arith.constant 0 : i32
    %dma_wait3A_66 = tpu.memref_slice %arg7[%dma_wait3A_64, %dma_wait3A_65] : memref<10000x32xf32, #tpu.memory_space<vmem_shared>> -> memref<10000x32xf32, #tpu.memory_space<vmem_shared>>
    tpu.wait_indirect_dma semaphore(%arg8 : memref<!tpu.dma_semaphore, #tpu.memory_space<semaphore_mem>>) src(%arg6 : memref<125x32xf32, #tpu.memory_space<vmem>>) dst(%dma_wait3A_66 : memref<10000x32xf32, #tpu.memory_space<vmem_shared>>)
    %dma_wait3A_67 = arith.constant 78 : i32
    %dma_wait3A_68 = arith.constant 0 : i32
    %dma_wait3A_69 = tpu.memref_slice %arg5[%dma_wait3A_67, %dma_wait3A_68] : memref<80x125xi32, #tpu.memory_space<vmem>> -> memref<1x125xi32, #tpu.memory_space<vmem>>
    %dma_wait3A_70 = tpu.memref_squeeze %dma_wait3A_69 : memref<1x125xi32, #tpu.memory_space<vmem>> -> memref<125xi32, #tpu.memory_space<vmem>>
    %dma_wait3A_71 = arith.constant 0 : i32
    %dma_wait3A_72 = arith.constant 0 : i32
    %dma_wait3A_73 = tpu.memref_slice %arg7[%dma_wait3A_71, %dma_wait3A_72] : memref<10000x32xf32, #tpu.memory_space<vmem_shared>> -> memref<10000x32xf32, #tpu.memory_space<vmem_shared>>
    tpu.wait_indirect_dma semaphore(%arg8 : memref<!tpu.dma_semaphore, #tpu.memory_space<semaphore_mem>>) src(%arg6 : memref<125x32xf32, #tpu.memory_space<vmem>>) dst(%dma_wait3A_73 : memref<10000x32xf32, #tpu.memory_space<vmem_shared>>)
    %dma_wait3A_74 = arith.constant 79 : i32
    %dma_wait3A_75 = arith.constant 0 : i32
    %dma_wait3A_76 = tpu.memref_slice %arg5[%dma_wait3A_74, %dma_wait3A_75] : memref<80x125xi32, #tpu.memory_space<vmem>> -> memref<1x125xi32, #tpu.memory_space<vmem>>
    %dma_wait3A_77 = tpu.memref_squeeze %dma_wait3A_76 : memref<1x125xi32, #tpu.memory_space<vmem>> -> memref<125xi32, #tpu.memory_space<vmem>>
    %dma_wait3A_78 = arith.constant 0 : i32
    %dma_wait3A_79 = arith.constant 0 : i32
    %dma_wait3A_80 = tpu.memref_slice %arg7[%dma_wait3A_78, %dma_wait3A_79] : memref<10000x32xf32, #tpu.memory_space<vmem_shared>> -> memref<10000x32xf32, #tpu.memory_space<vmem_shared>>
    tpu.wait_indirect_dma semaphore(%arg8 : memref<!tpu.dma_semaphore, #tpu.memory_space<semaphore_mem>>) src(%arg6 : memref<125x32xf32, #tpu.memory_space<vmem>>) dst(%dma_wait3A_80 : memref<10000x32xf32, #tpu.memory_space<vmem_shared>>)
    %barrier3A_81 = arith.constant 0 : index
    tpu.barrier barrier_id(%barrier3A_81)
    %eq3A_82 = arith.constant 0 : i32
    %eq3A_83 = arith.cmpi eq, %arg1, %eq3A_82 : i32
    %convert_element_type3A_84 = arith.extui %eq3A_83 : i1 to i32
    %cond3A_85 = arith.constant 0 : i32
    %cond3A_86 = arith.cmpi ne, %convert_element_type3A_84, %cond3A_85 : i32
    scf.if %cond3A_86 {
      "tpu.region"() ({
        %run_scoped3A = tpu.sem_alloc : memref<!tpu.dma_semaphore, #tpu.memory_space<semaphore_mem>>
        %dma_start3A = arith.constant 0 : i32
        %dma_start3A_87 = arith.constant 0 : i32
        %dma_start3A_88 = tpu.memref_slice %arg4[%arg0, %dma_start3A, %dma_start3A_87] : memref<2x10000x32xf32, #tpu.memory_space<hbm>> -> memref<1x10000x32xf32, #tpu.memory_space<hbm>>
        %dma_start3A_89 = tpu.memref_squeeze %dma_start3A_88 : memref<1x10000x32xf32, #tpu.memory_space<hbm>> -> memref<10000x32xf32, #tpu.memory_space<hbm>>
        tpu.enqueue_dma source(%arg7 : memref<10000x32xf32, #tpu.memory_space<vmem_shared>>) target(%dma_start3A_89 : memref<10000x32xf32, #tpu.memory_space<hbm>>) target_semaphore(%run_scoped3A : memref<!tpu.dma_semaphore, #tpu.memory_space<semaphore_mem>>)
        %dma_wait3A_90 = arith.constant 0 : i32
        %dma_wait3A_91 = arith.constant 0 : i32
        %dma_wait3A_92 = tpu.memref_slice %arg4[%arg0, %dma_wait3A_90, %dma_wait3A_91] : memref<2x10000x32xf32, #tpu.memory_space<hbm>> -> memref<1x10000x32xf32, #tpu.memory_space<hbm>>
        %dma_wait3A_93 = tpu.memref_squeeze %dma_wait3A_92 : memref<1x10000x32xf32, #tpu.memory_space<hbm>> -> memref<10000x32xf32, #tpu.memory_space<hbm>>
        tpu.wait_dma2 semaphore(%run_scoped3A : memref<!tpu.dma_semaphore, #tpu.memory_space<semaphore_mem>>) src(%arg7 : memref<10000x32xf32, #tpu.memory_space<vmem_shared>>) dst(%dma_wait3A_93 : memref<10000x32xf32, #tpu.memory_space<hbm>>)
        tpu.yield
      }) : () -> ()
    } else {
    }
    return
  }
}

#map = affine_map<(d0, d1) -> (0, 0)>
#map1 = affine_map<(d0, d1) -> (0, 0, 0)>
module attributes {stable_mosaic.version = 14 : i64} {
  func.func @body(%arg0: i32, %arg1: i32, %arg2: memref<10000x32xf32, #tpu.memory_space<hbm>>, %arg3: memref<32x80x125xi32, #tpu.memory_space<hbm>>, %arg4: memref<32x80x125xi32, #tpu.memory_space<hbm>>, %arg5: memref<10000x32xf32, #tpu.memory_space<hbm>>, %arg6: memref<2x10000x32xf32, #tpu.memory_space<hbm>>, %arg7: memref<80x125xi32, #tpu.memory_space<vmem>>, %arg8: memref<80x125xi32, #tpu.memory_space<vmem>>, %arg9: memref<125x32xf32, #tpu.memory_space<vmem>>, %arg10: memref<125x32xf32, #tpu.memory_space<vmem>>, %arg11: memref<125x32xf32, #tpu.memory_space<vmem>>, %arg12: memref<125x32xf32, #tpu.memory_space<vmem>>, %arg13: memref<125x32xf32, #tpu.memory_space<vmem>>, %arg14: memref<125x32xf32, #tpu.memory_space<vmem>>, %arg15: memref<125x32xf32, #tpu.memory_space<vmem>>, %arg16: memref<125x32xf32, #tpu.memory_space<vmem>>, %arg17: memref<125x32xf32, #tpu.memory_space<vmem>>, %arg18: memref<125x32xf32, #tpu.memory_space<vmem>>, %arg19: memref<!tpu.dma_semaphore, #tpu.memory_space<semaphore_mem>>, %arg20: memref<!tpu.dma_semaphore, #tpu.memory_space<semaphore_mem>>, %arg21: memref<!tpu.dma_semaphore, #tpu.memory_space<semaphore_mem>>, %arg22: memref<!tpu.dma_semaphore, #tpu.memory_space<semaphore_mem>>, %arg23: memref<!tpu.dma_semaphore, #tpu.memory_space<semaphore_mem>>, %arg24: memref<!tpu.dma_semaphore, #tpu.memory_space<semaphore_mem>>, %arg25: memref<!tpu.dma_semaphore, #tpu.memory_space<semaphore_mem>>, %arg26: memref<!tpu.dma_semaphore, #tpu.memory_space<semaphore_mem>>, %arg27: memref<!tpu.dma_semaphore, #tpu.memory_space<semaphore_mem>>, %arg28: memref<!tpu.dma_semaphore, #tpu.memory_space<semaphore_mem>>, %arg29: memref<!tpu.dma_semaphore, #tpu.memory_space<semaphore_mem>>, %arg30: memref<!tpu.dma_semaphore, #tpu.memory_space<semaphore_mem>>, %arg31: memref<!tpu.dma_semaphore, #tpu.memory_space<semaphore_mem>>, %arg32: memref<!tpu.dma_semaphore, #tpu.memory_space<semaphore_mem>>, %arg33: memref<!tpu.dma_semaphore, #tpu.memory_space<semaphore_mem>>, %arg34: memref<!tpu.dma_semaphore, #tpu.memory_space<semaphore_mem>>, %arg35: memref<!tpu.dma_semaphore, #tpu.memory_space<semaphore_mem>>, %arg36: memref<!tpu.dma_semaphore, #tpu.memory_space<semaphore_mem>>, %arg37: memref<!tpu.dma_semaphore, #tpu.memory_space<semaphore_mem>>, %arg38: memref<!tpu.dma_semaphore, #tpu.memory_space<semaphore_mem>>, %arg39: memref<10000x32xf32, #tpu.memory_space<vmem_shared>>) attributes {dimension_semantics = [#tpu.dimension_semantics<core_parallel>, #tpu.dimension_semantics<subcore_parallel>], iteration_bounds = array<i64: 2, 16>, scalar_prefetch = 0 : i64, scratch_operands = 33 : i64, tpu.core_type = #tpu.core_type<sc_vector_subcore>, window_params = [{transform_indices = #map}, {transform_indices = #map1}, {transform_indices = #map1}, {transform_indices = #map}, {transform_indices = #map1}]} {
    %mul3A = arith.constant 2 : i32
    %mul3A_0 = arith.muli %arg1, %mul3A : i32
    %add3A = arith.addi %mul3A_0, %arg0 : i32
    %eq3A = arith.constant 0 : i32
    %eq3A_1 = arith.cmpi eq, %arg1, %eq3A : i32
    %convert_element_type3A = arith.extui %eq3A_1 : i1 to i32
    %cond3A = arith.constant 0 : i32
    %cond3A_2 = arith.cmpi ne, %convert_element_type3A, %cond3A : i32
    scf.if %cond3A_2 {
      "tpu.region"() ({
        %run_scoped3A = tpu.sem_alloc : memref<!tpu.dma_semaphore, #tpu.memory_space<semaphore_mem>>
        tpu.enqueue_dma source(%arg5 : memref<10000x32xf32, #tpu.memory_space<hbm>>) target(%arg39 : memref<10000x32xf32, #tpu.memory_space<vmem_shared>>) target_semaphore(%run_scoped3A : memref<!tpu.dma_semaphore, #tpu.memory_space<semaphore_mem>>)
        tpu.wait_dma2 semaphore(%run_scoped3A : memref<!tpu.dma_semaphore, #tpu.memory_space<semaphore_mem>>) src(%arg5 : memref<10000x32xf32, #tpu.memory_space<hbm>>) dst(%arg39 : memref<10000x32xf32, #tpu.memory_space<vmem_shared>>)
        tpu.yield
      }) : () -> ()
    } else {
    }
    "tpu.region"() ({
      %run_scoped3A = tpu.sem_alloc : memref<!tpu.dma_semaphore, #tpu.memory_space<semaphore_mem>>
      %dma_start3A_116 = arith.constant 0 : i32
      %dma_start3A_117 = arith.constant 0 : i32
      %dma_start3A_118 = tpu.memref_slice %arg3[%add3A, %dma_start3A_116, %dma_start3A_117] : memref<32x80x125xi32, #tpu.memory_space<hbm>> -> memref<1x80x125xi32, #tpu.memory_space<hbm>>
      %dma_start3A_119 = tpu.memref_squeeze %dma_start3A_118 : memref<1x80x125xi32, #tpu.memory_space<hbm>> -> memref<80x125xi32, #tpu.memory_space<hbm>>
      %dma_start3A_120 = arith.constant 0 : i32
      %dma_start3A_121 = arith.constant 0 : i32
      %dma_start3A_122 = tpu.memref_slice %arg3[%add3A, %dma_start3A_120, %dma_start3A_121] : memref<32x80x125xi32, #tpu.memory_space<hbm>> -> memref<1x80x125xi32, #tpu.memory_space<hbm>>
      %dma_start3A_123 = tpu.memref_squeeze %dma_start3A_122 : memref<1x80x125xi32, #tpu.memory_space<hbm>> -> memref<80x125xi32, #tpu.memory_space<hbm>>
      tpu.enqueue_dma source(%dma_start3A_123 : memref<80x125xi32, #tpu.memory_space<hbm>>) target(%arg7 : memref<80x125xi32, #tpu.memory_space<vmem>>) target_semaphore(%run_scoped3A : memref<!tpu.dma_semaphore, #tpu.memory_space<semaphore_mem>>)
      %dma_wait3A_124 = arith.constant 0 : i32
      %dma_wait3A_125 = arith.constant 0 : i32
      %dma_wait3A_126 = tpu.memref_slice %arg3[%add3A, %dma_wait3A_124, %dma_wait3A_125] : memref<32x80x125xi32, #tpu.memory_space<hbm>> -> memref<1x80x125xi32, #tpu.memory_space<hbm>>
      %dma_wait3A_127 = tpu.memref_squeeze %dma_wait3A_126 : memref<1x80x125xi32, #tpu.memory_space<hbm>> -> memref<80x125xi32, #tpu.memory_space<hbm>>
      %dma_wait3A_128 = arith.constant 0 : i32
      %dma_wait3A_129 = arith.constant 0 : i32
      %dma_wait3A_130 = tpu.memref_slice %arg3[%add3A, %dma_wait3A_128, %dma_wait3A_129] : memref<32x80x125xi32, #tpu.memory_space<hbm>> -> memref<1x80x125xi32, #tpu.memory_space<hbm>>
      %dma_wait3A_131 = tpu.memref_squeeze %dma_wait3A_130 : memref<1x80x125xi32, #tpu.memory_space<hbm>> -> memref<80x125xi32, #tpu.memory_space<hbm>>
      tpu.wait_dma2 semaphore(%run_scoped3A : memref<!tpu.dma_semaphore, #tpu.memory_space<semaphore_mem>>) src(%dma_wait3A_131 : memref<80x125xi32, #tpu.memory_space<hbm>>) dst(%arg7 : memref<80x125xi32, #tpu.memory_space<vmem>>)
      tpu.yield
    }) : () -> ()
    "tpu.region"() ({
      %run_scoped3A = tpu.sem_alloc : memref<!tpu.dma_semaphore, #tpu.memory_space<semaphore_mem>>
      %dma_start3A_116 = arith.constant 0 : i32
      %dma_start3A_117 = arith.constant 0 : i32
      %dma_start3A_118 = tpu.memref_slice %arg4[%add3A, %dma_start3A_116, %dma_start3A_117] : memref<32x80x125xi32, #tpu.memory_space<hbm>> -> memref<1x80x125xi32, #tpu.memory_space<hbm>>
      %dma_start3A_119 = tpu.memref_squeeze %dma_start3A_118 : memref<1x80x125xi32, #tpu.memory_space<hbm>> -> memref<80x125xi32, #tpu.memory_space<hbm>>
      %dma_start3A_120 = arith.constant 0 : i32
      %dma_start3A_121 = arith.constant 0 : i32
      %dma_start3A_122 = tpu.memref_slice %arg4[%add3A, %dma_start3A_120, %dma_start3A_121] : memref<32x80x125xi32, #tpu.memory_space<hbm>> -> memref<1x80x125xi32, #tpu.memory_space<hbm>>
      %dma_start3A_123 = tpu.memref_squeeze %dma_start3A_122 : memref<1x80x125xi32, #tpu.memory_space<hbm>> -> memref<80x125xi32, #tpu.memory_space<hbm>>
      tpu.enqueue_dma source(%dma_start3A_123 : memref<80x125xi32, #tpu.memory_space<hbm>>) target(%arg8 : memref<80x125xi32, #tpu.memory_space<vmem>>) target_semaphore(%run_scoped3A : memref<!tpu.dma_semaphore, #tpu.memory_space<semaphore_mem>>)
      %dma_wait3A_124 = arith.constant 0 : i32
      %dma_wait3A_125 = arith.constant 0 : i32
      %dma_wait3A_126 = tpu.memref_slice %arg4[%add3A, %dma_wait3A_124, %dma_wait3A_125] : memref<32x80x125xi32, #tpu.memory_space<hbm>> -> memref<1x80x125xi32, #tpu.memory_space<hbm>>
      %dma_wait3A_127 = tpu.memref_squeeze %dma_wait3A_126 : memref<1x80x125xi32, #tpu.memory_space<hbm>> -> memref<80x125xi32, #tpu.memory_space<hbm>>
      %dma_wait3A_128 = arith.constant 0 : i32
      %dma_wait3A_129 = arith.constant 0 : i32
      %dma_wait3A_130 = tpu.memref_slice %arg4[%add3A, %dma_wait3A_128, %dma_wait3A_129] : memref<32x80x125xi32, #tpu.memory_space<hbm>> -> memref<1x80x125xi32, #tpu.memory_space<hbm>>
      %dma_wait3A_131 = tpu.memref_squeeze %dma_wait3A_130 : memref<1x80x125xi32, #tpu.memory_space<hbm>> -> memref<80x125xi32, #tpu.memory_space<hbm>>
      tpu.wait_dma2 semaphore(%run_scoped3A : memref<!tpu.dma_semaphore, #tpu.memory_space<semaphore_mem>>) src(%dma_wait3A_131 : memref<80x125xi32, #tpu.memory_space<hbm>>) dst(%arg8 : memref<80x125xi32, #tpu.memory_space<vmem>>)
      tpu.yield
    }) : () -> ()
    %barrier3A = arith.constant 0 : index
    tpu.barrier barrier_id(%barrier3A)
    %dma_start3A = arith.constant 0 : i32
    %dma_start3A_3 = arith.constant 0 : i32
    %dma_start3A_4 = tpu.memref_slice %arg7[%dma_start3A, %dma_start3A_3] : memref<80x125xi32, #tpu.memory_space<vmem>> -> memref<1x125xi32, #tpu.memory_space<vmem>>
    %dma_start3A_5 = tpu.memref_squeeze %dma_start3A_4 : memref<1x125xi32, #tpu.memory_space<vmem>> -> memref<125xi32, #tpu.memory_space<vmem>>
    %dma_start3A_6 = arith.constant 0 : i32
    %dma_start3A_7 = arith.constant 0 : i32
    %dma_start3A_8 = tpu.memref_slice %arg2[%dma_start3A_6, %dma_start3A_7] : memref<10000x32xf32, #tpu.memory_space<hbm>> -> memref<10000x32xf32, #tpu.memory_space<hbm>>
    tpu.enqueue_indirect_dma source(%dma_start3A_8 : memref<10000x32xf32, #tpu.memory_space<hbm>>) target(%arg9 : memref<125x32xf32, #tpu.memory_space<vmem>>) offsets(%dma_start3A_5 : memref<125xi32, #tpu.memory_space<vmem>>) semaphore(%arg19 : memref<!tpu.dma_semaphore, #tpu.memory_space<semaphore_mem>>)
    %dma_start3A_9 = arith.constant 1 : i32
    %dma_start3A_10 = arith.constant 0 : i32
    %dma_start3A_11 = tpu.memref_slice %arg7[%dma_start3A_9, %dma_start3A_10] : memref<80x125xi32, #tpu.memory_space<vmem>> -> memref<1x125xi32, #tpu.memory_space<vmem>>
    %dma_start3A_12 = tpu.memref_squeeze %dma_start3A_11 : memref<1x125xi32, #tpu.memory_space<vmem>> -> memref<125xi32, #tpu.memory_space<vmem>>
    %dma_start3A_13 = arith.constant 0 : i32
    %dma_start3A_14 = arith.constant 0 : i32
    %dma_start3A_15 = tpu.memref_slice %arg2[%dma_start3A_13, %dma_start3A_14] : memref<10000x32xf32, #tpu.memory_space<hbm>> -> memref<10000x32xf32, #tpu.memory_space<hbm>>
    tpu.enqueue_indirect_dma source(%dma_start3A_15 : memref<10000x32xf32, #tpu.memory_space<hbm>>) target(%arg10 : memref<125x32xf32, #tpu.memory_space<vmem>>) offsets(%dma_start3A_12 : memref<125xi32, #tpu.memory_space<vmem>>) semaphore(%arg20 : memref<!tpu.dma_semaphore, #tpu.memory_space<semaphore_mem>>)
    %dma_start3A_16 = arith.constant 2 : i32
    %dma_start3A_17 = arith.constant 0 : i32
    %dma_start3A_18 = tpu.memref_slice %arg7[%dma_start3A_16, %dma_start3A_17] : memref<80x125xi32, #tpu.memory_space<vmem>> -> memref<1x125xi32, #tpu.memory_space<vmem>>
    %dma_start3A_19 = tpu.memref_squeeze %dma_start3A_18 : memref<1x125xi32, #tpu.memory_space<vmem>> -> memref<125xi32, #tpu.memory_space<vmem>>
    %dma_start3A_20 = arith.constant 0 : i32
    %dma_start3A_21 = arith.constant 0 : i32
    %dma_start3A_22 = tpu.memref_slice %arg2[%dma_start3A_20, %dma_start3A_21] : memref<10000x32xf32, #tpu.memory_space<hbm>> -> memref<10000x32xf32, #tpu.memory_space<hbm>>
    tpu.enqueue_indirect_dma source(%dma_start3A_22 : memref<10000x32xf32, #tpu.memory_space<hbm>>) target(%arg11 : memref<125x32xf32, #tpu.memory_space<vmem>>) offsets(%dma_start3A_19 : memref<125xi32, #tpu.memory_space<vmem>>) semaphore(%arg21 : memref<!tpu.dma_semaphore, #tpu.memory_space<semaphore_mem>>)
    %dma_start3A_23 = arith.constant 3 : i32
    %dma_start3A_24 = arith.constant 0 : i32
    %dma_start3A_25 = tpu.memref_slice %arg7[%dma_start3A_23, %dma_start3A_24] : memref<80x125xi32, #tpu.memory_space<vmem>> -> memref<1x125xi32, #tpu.memory_space<vmem>>
    %dma_start3A_26 = tpu.memref_squeeze %dma_start3A_25 : memref<1x125xi32, #tpu.memory_space<vmem>> -> memref<125xi32, #tpu.memory_space<vmem>>
    %dma_start3A_27 = arith.constant 0 : i32
    %dma_start3A_28 = arith.constant 0 : i32
    %dma_start3A_29 = tpu.memref_slice %arg2[%dma_start3A_27, %dma_start3A_28] : memref<10000x32xf32, #tpu.memory_space<hbm>> -> memref<10000x32xf32, #tpu.memory_space<hbm>>
    tpu.enqueue_indirect_dma source(%dma_start3A_29 : memref<10000x32xf32, #tpu.memory_space<hbm>>) target(%arg12 : memref<125x32xf32, #tpu.memory_space<vmem>>) offsets(%dma_start3A_26 : memref<125xi32, #tpu.memory_space<vmem>>) semaphore(%arg22 : memref<!tpu.dma_semaphore, #tpu.memory_space<semaphore_mem>>)
    %dma_start3A_30 = arith.constant 4 : i32
    %dma_start3A_31 = arith.constant 0 : i32
    %dma_start3A_32 = tpu.memref_slice %arg7[%dma_start3A_30, %dma_start3A_31] : memref<80x125xi32, #tpu.memory_space<vmem>> -> memref<1x125xi32, #tpu.memory_space<vmem>>
    %dma_start3A_33 = tpu.memref_squeeze %dma_start3A_32 : memref<1x125xi32, #tpu.memory_space<vmem>> -> memref<125xi32, #tpu.memory_space<vmem>>
    %dma_start3A_34 = arith.constant 0 : i32
    %dma_start3A_35 = arith.constant 0 : i32
    %dma_start3A_36 = tpu.memref_slice %arg2[%dma_start3A_34, %dma_start3A_35] : memref<10000x32xf32, #tpu.memory_space<hbm>> -> memref<10000x32xf32, #tpu.memory_space<hbm>>
    tpu.enqueue_indirect_dma source(%dma_start3A_36 : memref<10000x32xf32, #tpu.memory_space<hbm>>) target(%arg13 : memref<125x32xf32, #tpu.memory_space<vmem>>) offsets(%dma_start3A_33 : memref<125xi32, #tpu.memory_space<vmem>>) semaphore(%arg23 : memref<!tpu.dma_semaphore, #tpu.memory_space<semaphore_mem>>)
    %scan3A = arith.constant 0 : i32
    %scan3A_37 = arith.constant 8 : i32
    %scan3A_38 = arith.addi %scan3A, %scan3A_37 : i32
    %scan3A_39 = arith.constant 1 : i32
    scf.for %scan3A_116 = %scan3A to %scan3A_38 step %scan3A_39  : i32 {
      %mul3A_117 = arith.constant 10 : i32
      %mul3A_118 = arith.muli %scan3A_116, %mul3A_117 : i32
      %add3A_119 = arith.constant 0 : i32
      %add3A_120 = arith.addi %add3A_119, %mul3A_118 : i32
      %add3A_121 = arith.constant 0 : i32
      %add3A_122 = arith.addi %add3A_120, %add3A_121 : i32
      %dma_wait3A_123 = arith.constant 0 : i32
      %dma_wait3A_124 = tpu.memref_slice %arg7[%add3A_122, %dma_wait3A_123] : memref<80x125xi32, #tpu.memory_space<vmem>> -> memref<1x125xi32, #tpu.memory_space<vmem>>
      %dma_wait3A_125 = tpu.memref_squeeze %dma_wait3A_124 : memref<1x125xi32, #tpu.memory_space<vmem>> -> memref<125xi32, #tpu.memory_space<vmem>>
      %dma_wait3A_126 = arith.constant 0 : i32
      %dma_wait3A_127 = arith.constant 0 : i32
      %dma_wait3A_128 = tpu.memref_slice %arg2[%dma_wait3A_126, %dma_wait3A_127] : memref<10000x32xf32, #tpu.memory_space<hbm>> -> memref<10000x32xf32, #tpu.memory_space<hbm>>
      tpu.wait_indirect_dma semaphore(%arg19 : memref<!tpu.dma_semaphore, #tpu.memory_space<semaphore_mem>>) src(%dma_wait3A_128 : memref<10000x32xf32, #tpu.memory_space<hbm>>) dst(%arg9 : memref<125x32xf32, #tpu.memory_space<vmem>>)
      %dma_start3A_129 = arith.constant 0 : i32
      %dma_start3A_130 = tpu.memref_slice %arg8[%add3A_122, %dma_start3A_129] : memref<80x125xi32, #tpu.memory_space<vmem>> -> memref<1x125xi32, #tpu.memory_space<vmem>>
      %dma_start3A_131 = tpu.memref_squeeze %dma_start3A_130 : memref<1x125xi32, #tpu.memory_space<vmem>> -> memref<125xi32, #tpu.memory_space<vmem>>
      %dma_start3A_132 = arith.constant 0 : i32
      %dma_start3A_133 = arith.constant 0 : i32
      %dma_start3A_134 = tpu.memref_slice %arg39[%dma_start3A_132, %dma_start3A_133] : memref<10000x32xf32, #tpu.memory_space<vmem_shared>> -> memref<10000x32xf32, #tpu.memory_space<vmem_shared>>
      tpu.enqueue_indirect_dma source(%arg9 : memref<125x32xf32, #tpu.memory_space<vmem>>) target(%dma_start3A_134 : memref<10000x32xf32, #tpu.memory_space<vmem_shared>>) offsets(%dma_start3A_131 : memref<125xi32, #tpu.memory_space<vmem>>) semaphore(%arg29 : memref<!tpu.dma_semaphore, #tpu.memory_space<semaphore_mem>>) {add = true}
      %add3A_135 = arith.constant 5 : i32
      %add3A_136 = arith.addi %add3A_122, %add3A_135 : i32
      %lt3A = arith.constant 80 : i32
      %lt3A_137 = arith.cmpi slt, %add3A_136, %lt3A : i32
      %convert_element_type3A_138 = arith.extui %lt3A_137 : i1 to i32
      %cond3A_139 = arith.constant 0 : i32
      %cond3A_140 = arith.cmpi ne, %convert_element_type3A_138, %cond3A_139 : i32
      scf.if %cond3A_140 {
        %ge3A = arith.constant 5 : i32
        %ge3A_330 = arith.cmpi sge, %add3A_122, %ge3A : i32
        %convert_element_type3A_331 = arith.extui %ge3A_330 : i1 to i32
        %cond3A_332 = arith.constant 0 : i32
        %cond3A_333 = arith.cmpi ne, %convert_element_type3A_331, %cond3A_332 : i32
        scf.if %cond3A_333 {
          %sub3A = arith.constant 5 : i32
          %sub3A_342 = arith.subi %add3A_122, %sub3A : i32
          %dma_wait3A_343 = arith.constant 0 : i32
          %dma_wait3A_344 = tpu.memref_slice %arg8[%sub3A_342, %dma_wait3A_343] : memref<80x125xi32, #tpu.memory_space<vmem>> -> memref<1x125xi32, #tpu.memory_space<vmem>>
          %dma_wait3A_345 = tpu.memref_squeeze %dma_wait3A_344 : memref<1x125xi32, #tpu.memory_space<vmem>> -> memref<125xi32, #tpu.memory_space<vmem>>
          %dma_wait3A_346 = arith.constant 0 : i32
          %dma_wait3A_347 = arith.constant 0 : i32
          %dma_wait3A_348 = tpu.memref_slice %arg39[%dma_wait3A_346, %dma_wait3A_347] : memref<10000x32xf32, #tpu.memory_space<vmem_shared>> -> memref<10000x32xf32, #tpu.memory_space<vmem_shared>>
          tpu.wait_indirect_dma semaphore(%arg34 : memref<!tpu.dma_semaphore, #tpu.memory_space<semaphore_mem>>) src(%arg14 : memref<125x32xf32, #tpu.memory_space<vmem>>) dst(%dma_wait3A_348 : memref<10000x32xf32, #tpu.memory_space<vmem_shared>>)
        } else {
        }
        %add3A_334 = arith.constant 5 : i32
        %add3A_335 = arith.addi %add3A_122, %add3A_334 : i32
        %dma_start3A_336 = arith.constant 0 : i32
        %dma_start3A_337 = tpu.memref_slice %arg7[%add3A_335, %dma_start3A_336] : memref<80x125xi32, #tpu.memory_space<vmem>> -> memref<1x125xi32, #tpu.memory_space<vmem>>
        %dma_start3A_338 = tpu.memref_squeeze %dma_start3A_337 : memref<1x125xi32, #tpu.memory_space<vmem>> -> memref<125xi32, #tpu.memory_space<vmem>>
        %dma_start3A_339 = arith.constant 0 : i32
        %dma_start3A_340 = arith.constant 0 : i32
        %dma_start3A_341 = tpu.memref_slice %arg2[%dma_start3A_339, %dma_start3A_340] : memref<10000x32xf32, #tpu.memory_space<hbm>> -> memref<10000x32xf32, #tpu.memory_space<hbm>>
        tpu.enqueue_indirect_dma source(%dma_start3A_341 : memref<10000x32xf32, #tpu.memory_space<hbm>>) target(%arg14 : memref<125x32xf32, #tpu.memory_space<vmem>>) offsets(%dma_start3A_338 : memref<125xi32, #tpu.memory_space<vmem>>) semaphore(%arg24 : memref<!tpu.dma_semaphore, #tpu.memory_space<semaphore_mem>>)
      } else {
      }
      %add3A_141 = arith.constant 1 : i32
      %add3A_142 = arith.addi %add3A_120, %add3A_141 : i32
      %dma_wait3A_143 = arith.constant 0 : i32
      %dma_wait3A_144 = tpu.memref_slice %arg7[%add3A_142, %dma_wait3A_143] : memref<80x125xi32, #tpu.memory_space<vmem>> -> memref<1x125xi32, #tpu.memory_space<vmem>>
      %dma_wait3A_145 = tpu.memref_squeeze %dma_wait3A_144 : memref<1x125xi32, #tpu.memory_space<vmem>> -> memref<125xi32, #tpu.memory_space<vmem>>
      %dma_wait3A_146 = arith.constant 0 : i32
      %dma_wait3A_147 = arith.constant 0 : i32
      %dma_wait3A_148 = tpu.memref_slice %arg2[%dma_wait3A_146, %dma_wait3A_147] : memref<10000x32xf32, #tpu.memory_space<hbm>> -> memref<10000x32xf32, #tpu.memory_space<hbm>>
      tpu.wait_indirect_dma semaphore(%arg20 : memref<!tpu.dma_semaphore, #tpu.memory_space<semaphore_mem>>) src(%dma_wait3A_148 : memref<10000x32xf32, #tpu.memory_space<hbm>>) dst(%arg10 : memref<125x32xf32, #tpu.memory_space<vmem>>)
      %dma_start3A_149 = arith.constant 0 : i32
      %dma_start3A_150 = tpu.memref_slice %arg8[%add3A_142, %dma_start3A_149] : memref<80x125xi32, #tpu.memory_space<vmem>> -> memref<1x125xi32, #tpu.memory_space<vmem>>
      %dma_start3A_151 = tpu.memref_squeeze %dma_start3A_150 : memref<1x125xi32, #tpu.memory_space<vmem>> -> memref<125xi32, #tpu.memory_space<vmem>>
      %dma_start3A_152 = arith.constant 0 : i32
      %dma_start3A_153 = arith.constant 0 : i32
      %dma_start3A_154 = tpu.memref_slice %arg39[%dma_start3A_152, %dma_start3A_153] : memref<10000x32xf32, #tpu.memory_space<vmem_shared>> -> memref<10000x32xf32, #tpu.memory_space<vmem_shared>>
      tpu.enqueue_indirect_dma source(%arg10 : memref<125x32xf32, #tpu.memory_space<vmem>>) target(%dma_start3A_154 : memref<10000x32xf32, #tpu.memory_space<vmem_shared>>) offsets(%dma_start3A_151 : memref<125xi32, #tpu.memory_space<vmem>>) semaphore(%arg30 : memref<!tpu.dma_semaphore, #tpu.memory_space<semaphore_mem>>) {add = true}
      %add3A_155 = arith.constant 5 : i32
      %add3A_156 = arith.addi %add3A_142, %add3A_155 : i32
      %lt3A_157 = arith.constant 80 : i32
      %lt3A_158 = arith.cmpi slt, %add3A_156, %lt3A_157 : i32
      %convert_element_type3A_159 = arith.extui %lt3A_158 : i1 to i32
      %cond3A_160 = arith.constant 0 : i32
      %cond3A_161 = arith.cmpi ne, %convert_element_type3A_159, %cond3A_160 : i32
      scf.if %cond3A_161 {
        %ge3A = arith.constant 5 : i32
        %ge3A_330 = arith.cmpi sge, %add3A_142, %ge3A : i32
        %convert_element_type3A_331 = arith.extui %ge3A_330 : i1 to i32
        %cond3A_332 = arith.constant 0 : i32
        %cond3A_333 = arith.cmpi ne, %convert_element_type3A_331, %cond3A_332 : i32
        scf.if %cond3A_333 {
          %sub3A = arith.constant 5 : i32
          %sub3A_342 = arith.subi %add3A_142, %sub3A : i32
          %dma_wait3A_343 = arith.constant 0 : i32
          %dma_wait3A_344 = tpu.memref_slice %arg8[%sub3A_342, %dma_wait3A_343] : memref<80x125xi32, #tpu.memory_space<vmem>> -> memref<1x125xi32, #tpu.memory_space<vmem>>
          %dma_wait3A_345 = tpu.memref_squeeze %dma_wait3A_344 : memref<1x125xi32, #tpu.memory_space<vmem>> -> memref<125xi32, #tpu.memory_space<vmem>>
          %dma_wait3A_346 = arith.constant 0 : i32
          %dma_wait3A_347 = arith.constant 0 : i32
          %dma_wait3A_348 = tpu.memref_slice %arg39[%dma_wait3A_346, %dma_wait3A_347] : memref<10000x32xf32, #tpu.memory_space<vmem_shared>> -> memref<10000x32xf32, #tpu.memory_space<vmem_shared>>
          tpu.wait_indirect_dma semaphore(%arg35 : memref<!tpu.dma_semaphore, #tpu.memory_space<semaphore_mem>>) src(%arg15 : memref<125x32xf32, #tpu.memory_space<vmem>>) dst(%dma_wait3A_348 : memref<10000x32xf32, #tpu.memory_space<vmem_shared>>)
        } else {
        }
        %add3A_334 = arith.constant 5 : i32
        %add3A_335 = arith.addi %add3A_142, %add3A_334 : i32
        %dma_start3A_336 = arith.constant 0 : i32
        %dma_start3A_337 = tpu.memref_slice %arg7[%add3A_335, %dma_start3A_336] : memref<80x125xi32, #tpu.memory_space<vmem>> -> memref<1x125xi32, #tpu.memory_space<vmem>>
        %dma_start3A_338 = tpu.memref_squeeze %dma_start3A_337 : memref<1x125xi32, #tpu.memory_space<vmem>> -> memref<125xi32, #tpu.memory_space<vmem>>
        %dma_start3A_339 = arith.constant 0 : i32
        %dma_start3A_340 = arith.constant 0 : i32
        %dma_start3A_341 = tpu.memref_slice %arg2[%dma_start3A_339, %dma_start3A_340] : memref<10000x32xf32, #tpu.memory_space<hbm>> -> memref<10000x32xf32, #tpu.memory_space<hbm>>
        tpu.enqueue_indirect_dma source(%dma_start3A_341 : memref<10000x32xf32, #tpu.memory_space<hbm>>) target(%arg15 : memref<125x32xf32, #tpu.memory_space<vmem>>) offsets(%dma_start3A_338 : memref<125xi32, #tpu.memory_space<vmem>>) semaphore(%arg25 : memref<!tpu.dma_semaphore, #tpu.memory_space<semaphore_mem>>)
      } else {
      }
      %add3A_162 = arith.constant 2 : i32
      %add3A_163 = arith.addi %add3A_120, %add3A_162 : i32
      %dma_wait3A_164 = arith.constant 0 : i32
      %dma_wait3A_165 = tpu.memref_slice %arg7[%add3A_163, %dma_wait3A_164] : memref<80x125xi32, #tpu.memory_space<vmem>> -> memref<1x125xi32, #tpu.memory_space<vmem>>
      %dma_wait3A_166 = tpu.memref_squeeze %dma_wait3A_165 : memref<1x125xi32, #tpu.memory_space<vmem>> -> memref<125xi32, #tpu.memory_space<vmem>>
      %dma_wait3A_167 = arith.constant 0 : i32
      %dma_wait3A_168 = arith.constant 0 : i32
      %dma_wait3A_169 = tpu.memref_slice %arg2[%dma_wait3A_167, %dma_wait3A_168] : memref<10000x32xf32, #tpu.memory_space<hbm>> -> memref<10000x32xf32, #tpu.memory_space<hbm>>
      tpu.wait_indirect_dma semaphore(%arg21 : memref<!tpu.dma_semaphore, #tpu.memory_space<semaphore_mem>>) src(%dma_wait3A_169 : memref<10000x32xf32, #tpu.memory_space<hbm>>) dst(%arg11 : memref<125x32xf32, #tpu.memory_space<vmem>>)
      %dma_start3A_170 = arith.constant 0 : i32
      %dma_start3A_171 = tpu.memref_slice %arg8[%add3A_163, %dma_start3A_170] : memref<80x125xi32, #tpu.memory_space<vmem>> -> memref<1x125xi32, #tpu.memory_space<vmem>>
      %dma_start3A_172 = tpu.memref_squeeze %dma_start3A_171 : memref<1x125xi32, #tpu.memory_space<vmem>> -> memref<125xi32, #tpu.memory_space<vmem>>
      %dma_start3A_173 = arith.constant 0 : i32
      %dma_start3A_174 = arith.constant 0 : i32
      %dma_start3A_175 = tpu.memref_slice %arg39[%dma_start3A_173, %dma_start3A_174] : memref<10000x32xf32, #tpu.memory_space<vmem_shared>> -> memref<10000x32xf32, #tpu.memory_space<vmem_shared>>
      tpu.enqueue_indirect_dma source(%arg11 : memref<125x32xf32, #tpu.memory_space<vmem>>) target(%dma_start3A_175 : memref<10000x32xf32, #tpu.memory_space<vmem_shared>>) offsets(%dma_start3A_172 : memref<125xi32, #tpu.memory_space<vmem>>) semaphore(%arg31 : memref<!tpu.dma_semaphore, #tpu.memory_space<semaphore_mem>>) {add = true}
      %add3A_176 = arith.constant 5 : i32
      %add3A_177 = arith.addi %add3A_163, %add3A_176 : i32
      %lt3A_178 = arith.constant 80 : i32
      %lt3A_179 = arith.cmpi slt, %add3A_177, %lt3A_178 : i32
      %convert_element_type3A_180 = arith.extui %lt3A_179 : i1 to i32
      %cond3A_181 = arith.constant 0 : i32
      %cond3A_182 = arith.cmpi ne, %convert_element_type3A_180, %cond3A_181 : i32
      scf.if %cond3A_182 {
        %ge3A = arith.constant 5 : i32
        %ge3A_330 = arith.cmpi sge, %add3A_163, %ge3A : i32
        %convert_element_type3A_331 = arith.extui %ge3A_330 : i1 to i32
        %cond3A_332 = arith.constant 0 : i32
        %cond3A_333 = arith.cmpi ne, %convert_element_type3A_331, %cond3A_332 : i32
        scf.if %cond3A_333 {
          %sub3A = arith.constant 5 : i32
          %sub3A_342 = arith.subi %add3A_163, %sub3A : i32
          %dma_wait3A_343 = arith.constant 0 : i32
          %dma_wait3A_344 = tpu.memref_slice %arg8[%sub3A_342, %dma_wait3A_343] : memref<80x125xi32, #tpu.memory_space<vmem>> -> memref<1x125xi32, #tpu.memory_space<vmem>>
          %dma_wait3A_345 = tpu.memref_squeeze %dma_wait3A_344 : memref<1x125xi32, #tpu.memory_space<vmem>> -> memref<125xi32, #tpu.memory_space<vmem>>
          %dma_wait3A_346 = arith.constant 0 : i32
          %dma_wait3A_347 = arith.constant 0 : i32
          %dma_wait3A_348 = tpu.memref_slice %arg39[%dma_wait3A_346, %dma_wait3A_347] : memref<10000x32xf32, #tpu.memory_space<vmem_shared>> -> memref<10000x32xf32, #tpu.memory_space<vmem_shared>>
          tpu.wait_indirect_dma semaphore(%arg36 : memref<!tpu.dma_semaphore, #tpu.memory_space<semaphore_mem>>) src(%arg16 : memref<125x32xf32, #tpu.memory_space<vmem>>) dst(%dma_wait3A_348 : memref<10000x32xf32, #tpu.memory_space<vmem_shared>>)
        } else {
        }
        %add3A_334 = arith.constant 5 : i32
        %add3A_335 = arith.addi %add3A_163, %add3A_334 : i32
        %dma_start3A_336 = arith.constant 0 : i32
        %dma_start3A_337 = tpu.memref_slice %arg7[%add3A_335, %dma_start3A_336] : memref<80x125xi32, #tpu.memory_space<vmem>> -> memref<1x125xi32, #tpu.memory_space<vmem>>
        %dma_start3A_338 = tpu.memref_squeeze %dma_start3A_337 : memref<1x125xi32, #tpu.memory_space<vmem>> -> memref<125xi32, #tpu.memory_space<vmem>>
        %dma_start3A_339 = arith.constant 0 : i32
        %dma_start3A_340 = arith.constant 0 : i32
        %dma_start3A_341 = tpu.memref_slice %arg2[%dma_start3A_339, %dma_start3A_340] : memref<10000x32xf32, #tpu.memory_space<hbm>> -> memref<10000x32xf32, #tpu.memory_space<hbm>>
        tpu.enqueue_indirect_dma source(%dma_start3A_341 : memref<10000x32xf32, #tpu.memory_space<hbm>>) target(%arg16 : memref<125x32xf32, #tpu.memory_space<vmem>>) offsets(%dma_start3A_338 : memref<125xi32, #tpu.memory_space<vmem>>) semaphore(%arg26 : memref<!tpu.dma_semaphore, #tpu.memory_space<semaphore_mem>>)
      } else {
      }
      %add3A_183 = arith.constant 3 : i32
      %add3A_184 = arith.addi %add3A_120, %add3A_183 : i32
      %dma_wait3A_185 = arith.constant 0 : i32
      %dma_wait3A_186 = tpu.memref_slice %arg7[%add3A_184, %dma_wait3A_185] : memref<80x125xi32, #tpu.memory_space<vmem>> -> memref<1x125xi32, #tpu.memory_space<vmem>>
      %dma_wait3A_187 = tpu.memref_squeeze %dma_wait3A_186 : memref<1x125xi32, #tpu.memory_space<vmem>> -> memref<125xi32, #tpu.memory_space<vmem>>
      %dma_wait3A_188 = arith.constant 0 : i32
      %dma_wait3A_189 = arith.constant 0 : i32
      %dma_wait3A_190 = tpu.memref_slice %arg2[%dma_wait3A_188, %dma_wait3A_189] : memref<10000x32xf32, #tpu.memory_space<hbm>> -> memref<10000x32xf32, #tpu.memory_space<hbm>>
      tpu.wait_indirect_dma semaphore(%arg22 : memref<!tpu.dma_semaphore, #tpu.memory_space<semaphore_mem>>) src(%dma_wait3A_190 : memref<10000x32xf32, #tpu.memory_space<hbm>>) dst(%arg12 : memref<125x32xf32, #tpu.memory_space<vmem>>)
      %dma_start3A_191 = arith.constant 0 : i32
      %dma_start3A_192 = tpu.memref_slice %arg8[%add3A_184, %dma_start3A_191] : memref<80x125xi32, #tpu.memory_space<vmem>> -> memref<1x125xi32, #tpu.memory_space<vmem>>
      %dma_start3A_193 = tpu.memref_squeeze %dma_start3A_192 : memref<1x125xi32, #tpu.memory_space<vmem>> -> memref<125xi32, #tpu.memory_space<vmem>>
      %dma_start3A_194 = arith.constant 0 : i32
      %dma_start3A_195 = arith.constant 0 : i32
      %dma_start3A_196 = tpu.memref_slice %arg39[%dma_start3A_194, %dma_start3A_195] : memref<10000x32xf32, #tpu.memory_space<vmem_shared>> -> memref<10000x32xf32, #tpu.memory_space<vmem_shared>>
      tpu.enqueue_indirect_dma source(%arg12 : memref<125x32xf32, #tpu.memory_space<vmem>>) target(%dma_start3A_196 : memref<10000x32xf32, #tpu.memory_space<vmem_shared>>) offsets(%dma_start3A_193 : memref<125xi32, #tpu.memory_space<vmem>>) semaphore(%arg32 : memref<!tpu.dma_semaphore, #tpu.memory_space<semaphore_mem>>) {add = true}
      %add3A_197 = arith.constant 5 : i32
      %add3A_198 = arith.addi %add3A_184, %add3A_197 : i32
      %lt3A_199 = arith.constant 80 : i32
      %lt3A_200 = arith.cmpi slt, %add3A_198, %lt3A_199 : i32
      %convert_element_type3A_201 = arith.extui %lt3A_200 : i1 to i32
      %cond3A_202 = arith.constant 0 : i32
      %cond3A_203 = arith.cmpi ne, %convert_element_type3A_201, %cond3A_202 : i32
      scf.if %cond3A_203 {
        %ge3A = arith.constant 5 : i32
        %ge3A_330 = arith.cmpi sge, %add3A_184, %ge3A : i32
        %convert_element_type3A_331 = arith.extui %ge3A_330 : i1 to i32
        %cond3A_332 = arith.constant 0 : i32
        %cond3A_333 = arith.cmpi ne, %convert_element_type3A_331, %cond3A_332 : i32
        scf.if %cond3A_333 {
          %sub3A = arith.constant 5 : i32
          %sub3A_342 = arith.subi %add3A_184, %sub3A : i32
          %dma_wait3A_343 = arith.constant 0 : i32
          %dma_wait3A_344 = tpu.memref_slice %arg8[%sub3A_342, %dma_wait3A_343] : memref<80x125xi32, #tpu.memory_space<vmem>> -> memref<1x125xi32, #tpu.memory_space<vmem>>
          %dma_wait3A_345 = tpu.memref_squeeze %dma_wait3A_344 : memref<1x125xi32, #tpu.memory_space<vmem>> -> memref<125xi32, #tpu.memory_space<vmem>>
          %dma_wait3A_346 = arith.constant 0 : i32
          %dma_wait3A_347 = arith.constant 0 : i32
          %dma_wait3A_348 = tpu.memref_slice %arg39[%dma_wait3A_346, %dma_wait3A_347] : memref<10000x32xf32, #tpu.memory_space<vmem_shared>> -> memref<10000x32xf32, #tpu.memory_space<vmem_shared>>
          tpu.wait_indirect_dma semaphore(%arg37 : memref<!tpu.dma_semaphore, #tpu.memory_space<semaphore_mem>>) src(%arg17 : memref<125x32xf32, #tpu.memory_space<vmem>>) dst(%dma_wait3A_348 : memref<10000x32xf32, #tpu.memory_space<vmem_shared>>)
        } else {
        }
        %add3A_334 = arith.constant 5 : i32
        %add3A_335 = arith.addi %add3A_184, %add3A_334 : i32
        %dma_start3A_336 = arith.constant 0 : i32
        %dma_start3A_337 = tpu.memref_slice %arg7[%add3A_335, %dma_start3A_336] : memref<80x125xi32, #tpu.memory_space<vmem>> -> memref<1x125xi32, #tpu.memory_space<vmem>>
        %dma_start3A_338 = tpu.memref_squeeze %dma_start3A_337 : memref<1x125xi32, #tpu.memory_space<vmem>> -> memref<125xi32, #tpu.memory_space<vmem>>
        %dma_start3A_339 = arith.constant 0 : i32
        %dma_start3A_340 = arith.constant 0 : i32
        %dma_start3A_341 = tpu.memref_slice %arg2[%dma_start3A_339, %dma_start3A_340] : memref<10000x32xf32, #tpu.memory_space<hbm>> -> memref<10000x32xf32, #tpu.memory_space<hbm>>
        tpu.enqueue_indirect_dma source(%dma_start3A_341 : memref<10000x32xf32, #tpu.memory_space<hbm>>) target(%arg17 : memref<125x32xf32, #tpu.memory_space<vmem>>) offsets(%dma_start3A_338 : memref<125xi32, #tpu.memory_space<vmem>>) semaphore(%arg27 : memref<!tpu.dma_semaphore, #tpu.memory_space<semaphore_mem>>)
      } else {
      }
      %add3A_204 = arith.constant 4 : i32
      %add3A_205 = arith.addi %add3A_120, %add3A_204 : i32
      %dma_wait3A_206 = arith.constant 0 : i32
      %dma_wait3A_207 = tpu.memref_slice %arg7[%add3A_205, %dma_wait3A_206] : memref<80x125xi32, #tpu.memory_space<vmem>> -> memref<1x125xi32, #tpu.memory_space<vmem>>
      %dma_wait3A_208 = tpu.memref_squeeze %dma_wait3A_207 : memref<1x125xi32, #tpu.memory_space<vmem>> -> memref<125xi32, #tpu.memory_space<vmem>>
      %dma_wait3A_209 = arith.constant 0 : i32
      %dma_wait3A_210 = arith.constant 0 : i32
      %dma_wait3A_211 = tpu.memref_slice %arg2[%dma_wait3A_209, %dma_wait3A_210] : memref<10000x32xf32, #tpu.memory_space<hbm>> -> memref<10000x32xf32, #tpu.memory_space<hbm>>
      tpu.wait_indirect_dma semaphore(%arg23 : memref<!tpu.dma_semaphore, #tpu.memory_space<semaphore_mem>>) src(%dma_wait3A_211 : memref<10000x32xf32, #tpu.memory_space<hbm>>) dst(%arg13 : memref<125x32xf32, #tpu.memory_space<vmem>>)
      %dma_start3A_212 = arith.constant 0 : i32
      %dma_start3A_213 = tpu.memref_slice %arg8[%add3A_205, %dma_start3A_212] : memref<80x125xi32, #tpu.memory_space<vmem>> -> memref<1x125xi32, #tpu.memory_space<vmem>>
      %dma_start3A_214 = tpu.memref_squeeze %dma_start3A_213 : memref<1x125xi32, #tpu.memory_space<vmem>> -> memref<125xi32, #tpu.memory_space<vmem>>
      %dma_start3A_215 = arith.constant 0 : i32
      %dma_start3A_216 = arith.constant 0 : i32
      %dma_start3A_217 = tpu.memref_slice %arg39[%dma_start3A_215, %dma_start3A_216] : memref<10000x32xf32, #tpu.memory_space<vmem_shared>> -> memref<10000x32xf32, #tpu.memory_space<vmem_shared>>
      tpu.enqueue_indirect_dma source(%arg13 : memref<125x32xf32, #tpu.memory_space<vmem>>) target(%dma_start3A_217 : memref<10000x32xf32, #tpu.memory_space<vmem_shared>>) offsets(%dma_start3A_214 : memref<125xi32, #tpu.memory_space<vmem>>) semaphore(%arg33 : memref<!tpu.dma_semaphore, #tpu.memory_space<semaphore_mem>>) {add = true}
      %add3A_218 = arith.constant 5 : i32
      %add3A_219 = arith.addi %add3A_205, %add3A_218 : i32
      %lt3A_220 = arith.constant 80 : i32
      %lt3A_221 = arith.cmpi slt, %add3A_219, %lt3A_220 : i32
      %convert_element_type3A_222 = arith.extui %lt3A_221 : i1 to i32
      %cond3A_223 = arith.constant 0 : i32
      %cond3A_224 = arith.cmpi ne, %convert_element_type3A_222, %cond3A_223 : i32
      scf.if %cond3A_224 {
        %ge3A = arith.constant 5 : i32
        %ge3A_330 = arith.cmpi sge, %add3A_205, %ge3A : i32
        %convert_element_type3A_331 = arith.extui %ge3A_330 : i1 to i32
        %cond3A_332 = arith.constant 0 : i32
        %cond3A_333 = arith.cmpi ne, %convert_element_type3A_331, %cond3A_332 : i32
        scf.if %cond3A_333 {
          %sub3A = arith.constant 5 : i32
          %sub3A_342 = arith.subi %add3A_205, %sub3A : i32
          %dma_wait3A_343 = arith.constant 0 : i32
          %dma_wait3A_344 = tpu.memref_slice %arg8[%sub3A_342, %dma_wait3A_343] : memref<80x125xi32, #tpu.memory_space<vmem>> -> memref<1x125xi32, #tpu.memory_space<vmem>>
          %dma_wait3A_345 = tpu.memref_squeeze %dma_wait3A_344 : memref<1x125xi32, #tpu.memory_space<vmem>> -> memref<125xi32, #tpu.memory_space<vmem>>
          %dma_wait3A_346 = arith.constant 0 : i32
          %dma_wait3A_347 = arith.constant 0 : i32
          %dma_wait3A_348 = tpu.memref_slice %arg39[%dma_wait3A_346, %dma_wait3A_347] : memref<10000x32xf32, #tpu.memory_space<vmem_shared>> -> memref<10000x32xf32, #tpu.memory_space<vmem_shared>>
          tpu.wait_indirect_dma semaphore(%arg38 : memref<!tpu.dma_semaphore, #tpu.memory_space<semaphore_mem>>) src(%arg18 : memref<125x32xf32, #tpu.memory_space<vmem>>) dst(%dma_wait3A_348 : memref<10000x32xf32, #tpu.memory_space<vmem_shared>>)
        } else {
        }
        %add3A_334 = arith.constant 5 : i32
        %add3A_335 = arith.addi %add3A_205, %add3A_334 : i32
        %dma_start3A_336 = arith.constant 0 : i32
        %dma_start3A_337 = tpu.memref_slice %arg7[%add3A_335, %dma_start3A_336] : memref<80x125xi32, #tpu.memory_space<vmem>> -> memref<1x125xi32, #tpu.memory_space<vmem>>
        %dma_start3A_338 = tpu.memref_squeeze %dma_start3A_337 : memref<1x125xi32, #tpu.memory_space<vmem>> -> memref<125xi32, #tpu.memory_space<vmem>>
        %dma_start3A_339 = arith.constant 0 : i32
        %dma_start3A_340 = arith.constant 0 : i32
        %dma_start3A_341 = tpu.memref_slice %arg2[%dma_start3A_339, %dma_start3A_340] : memref<10000x32xf32, #tpu.memory_space<hbm>> -> memref<10000x32xf32, #tpu.memory_space<hbm>>
        tpu.enqueue_indirect_dma source(%dma_start3A_341 : memref<10000x32xf32, #tpu.memory_space<hbm>>) target(%arg18 : memref<125x32xf32, #tpu.memory_space<vmem>>) offsets(%dma_start3A_338 : memref<125xi32, #tpu.memory_space<vmem>>) semaphore(%arg28 : memref<!tpu.dma_semaphore, #tpu.memory_space<semaphore_mem>>)
      } else {
      }
      %add3A_225 = arith.constant 5 : i32
      %add3A_226 = arith.addi %add3A_120, %add3A_225 : i32
      %dma_wait3A_227 = arith.constant 0 : i32
      %dma_wait3A_228 = tpu.memref_slice %arg7[%add3A_226, %dma_wait3A_227] : memref<80x125xi32, #tpu.memory_space<vmem>> -> memref<1x125xi32, #tpu.memory_space<vmem>>
      %dma_wait3A_229 = tpu.memref_squeeze %dma_wait3A_228 : memref<1x125xi32, #tpu.memory_space<vmem>> -> memref<125xi32, #tpu.memory_space<vmem>>
      %dma_wait3A_230 = arith.constant 0 : i32
      %dma_wait3A_231 = arith.constant 0 : i32
      %dma_wait3A_232 = tpu.memref_slice %arg2[%dma_wait3A_230, %dma_wait3A_231] : memref<10000x32xf32, #tpu.memory_space<hbm>> -> memref<10000x32xf32, #tpu.memory_space<hbm>>
      tpu.wait_indirect_dma semaphore(%arg24 : memref<!tpu.dma_semaphore, #tpu.memory_space<semaphore_mem>>) src(%dma_wait3A_232 : memref<10000x32xf32, #tpu.memory_space<hbm>>) dst(%arg14 : memref<125x32xf32, #tpu.memory_space<vmem>>)
      %dma_start3A_233 = arith.constant 0 : i32
      %dma_start3A_234 = tpu.memref_slice %arg8[%add3A_226, %dma_start3A_233] : memref<80x125xi32, #tpu.memory_space<vmem>> -> memref<1x125xi32, #tpu.memory_space<vmem>>
      %dma_start3A_235 = tpu.memref_squeeze %dma_start3A_234 : memref<1x125xi32, #tpu.memory_space<vmem>> -> memref<125xi32, #tpu.memory_space<vmem>>
      %dma_start3A_236 = arith.constant 0 : i32
      %dma_start3A_237 = arith.constant 0 : i32
      %dma_start3A_238 = tpu.memref_slice %arg39[%dma_start3A_236, %dma_start3A_237] : memref<10000x32xf32, #tpu.memory_space<vmem_shared>> -> memref<10000x32xf32, #tpu.memory_space<vmem_shared>>
      tpu.enqueue_indirect_dma source(%arg14 : memref<125x32xf32, #tpu.memory_space<vmem>>) target(%dma_start3A_238 : memref<10000x32xf32, #tpu.memory_space<vmem_shared>>) offsets(%dma_start3A_235 : memref<125xi32, #tpu.memory_space<vmem>>) semaphore(%arg34 : memref<!tpu.dma_semaphore, #tpu.memory_space<semaphore_mem>>) {add = true}
      %add3A_239 = arith.constant 5 : i32
      %add3A_240 = arith.addi %add3A_226, %add3A_239 : i32
      %lt3A_241 = arith.constant 80 : i32
      %lt3A_242 = arith.cmpi slt, %add3A_240, %lt3A_241 : i32
      %convert_element_type3A_243 = arith.extui %lt3A_242 : i1 to i32
      %cond3A_244 = arith.constant 0 : i32
      %cond3A_245 = arith.cmpi ne, %convert_element_type3A_243, %cond3A_244 : i32
      scf.if %cond3A_245 {
        %ge3A = arith.constant 5 : i32
        %ge3A_330 = arith.cmpi sge, %add3A_226, %ge3A : i32
        %convert_element_type3A_331 = arith.extui %ge3A_330 : i1 to i32
        %cond3A_332 = arith.constant 0 : i32
        %cond3A_333 = arith.cmpi ne, %convert_element_type3A_331, %cond3A_332 : i32
        scf.if %cond3A_333 {
          %sub3A = arith.constant 5 : i32
          %sub3A_342 = arith.subi %add3A_226, %sub3A : i32
          %dma_wait3A_343 = arith.constant 0 : i32
          %dma_wait3A_344 = tpu.memref_slice %arg8[%sub3A_342, %dma_wait3A_343] : memref<80x125xi32, #tpu.memory_space<vmem>> -> memref<1x125xi32, #tpu.memory_space<vmem>>
          %dma_wait3A_345 = tpu.memref_squeeze %dma_wait3A_344 : memref<1x125xi32, #tpu.memory_space<vmem>> -> memref<125xi32, #tpu.memory_space<vmem>>
          %dma_wait3A_346 = arith.constant 0 : i32
          %dma_wait3A_347 = arith.constant 0 : i32
          %dma_wait3A_348 = tpu.memref_slice %arg39[%dma_wait3A_346, %dma_wait3A_347] : memref<10000x32xf32, #tpu.memory_space<vmem_shared>> -> memref<10000x32xf32, #tpu.memory_space<vmem_shared>>
          tpu.wait_indirect_dma semaphore(%arg29 : memref<!tpu.dma_semaphore, #tpu.memory_space<semaphore_mem>>) src(%arg9 : memref<125x32xf32, #tpu.memory_space<vmem>>) dst(%dma_wait3A_348 : memref<10000x32xf32, #tpu.memory_space<vmem_shared>>)
        } else {
        }
        %add3A_334 = arith.constant 5 : i32
        %add3A_335 = arith.addi %add3A_226, %add3A_334 : i32
        %dma_start3A_336 = arith.constant 0 : i32
        %dma_start3A_337 = tpu.memref_slice %arg7[%add3A_335, %dma_start3A_336] : memref<80x125xi32, #tpu.memory_space<vmem>> -> memref<1x125xi32, #tpu.memory_space<vmem>>
        %dma_start3A_338 = tpu.memref_squeeze %dma_start3A_337 : memref<1x125xi32, #tpu.memory_space<vmem>> -> memref<125xi32, #tpu.memory_space<vmem>>
        %dma_start3A_339 = arith.constant 0 : i32
        %dma_start3A_340 = arith.constant 0 : i32
        %dma_start3A_341 = tpu.memref_slice %arg2[%dma_start3A_339, %dma_start3A_340] : memref<10000x32xf32, #tpu.memory_space<hbm>> -> memref<10000x32xf32, #tpu.memory_space<hbm>>
        tpu.enqueue_indirect_dma source(%dma_start3A_341 : memref<10000x32xf32, #tpu.memory_space<hbm>>) target(%arg9 : memref<125x32xf32, #tpu.memory_space<vmem>>) offsets(%dma_start3A_338 : memref<125xi32, #tpu.memory_space<vmem>>) semaphore(%arg19 : memref<!tpu.dma_semaphore, #tpu.memory_space<semaphore_mem>>)
      } else {
      }
      %add3A_246 = arith.constant 6 : i32
      %add3A_247 = arith.addi %add3A_120, %add3A_246 : i32
      %dma_wait3A_248 = arith.constant 0 : i32
      %dma_wait3A_249 = tpu.memref_slice %arg7[%add3A_247, %dma_wait3A_248] : memref<80x125xi32, #tpu.memory_space<vmem>> -> memref<1x125xi32, #tpu.memory_space<vmem>>
      %dma_wait3A_250 = tpu.memref_squeeze %dma_wait3A_249 : memref<1x125xi32, #tpu.memory_space<vmem>> -> memref<125xi32, #tpu.memory_space<vmem>>
      %dma_wait3A_251 = arith.constant 0 : i32
      %dma_wait3A_252 = arith.constant 0 : i32
      %dma_wait3A_253 = tpu.memref_slice %arg2[%dma_wait3A_251, %dma_wait3A_252] : memref<10000x32xf32, #tpu.memory_space<hbm>> -> memref<10000x32xf32, #tpu.memory_space<hbm>>
      tpu.wait_indirect_dma semaphore(%arg25 : memref<!tpu.dma_semaphore, #tpu.memory_space<semaphore_mem>>) src(%dma_wait3A_253 : memref<10000x32xf32, #tpu.memory_space<hbm>>) dst(%arg15 : memref<125x32xf32, #tpu.memory_space<vmem>>)
      %dma_start3A_254 = arith.constant 0 : i32
      %dma_start3A_255 = tpu.memref_slice %arg8[%add3A_247, %dma_start3A_254] : memref<80x125xi32, #tpu.memory_space<vmem>> -> memref<1x125xi32, #tpu.memory_space<vmem>>
      %dma_start3A_256 = tpu.memref_squeeze %dma_start3A_255 : memref<1x125xi32, #tpu.memory_space<vmem>> -> memref<125xi32, #tpu.memory_space<vmem>>
      %dma_start3A_257 = arith.constant 0 : i32
      %dma_start3A_258 = arith.constant 0 : i32
      %dma_start3A_259 = tpu.memref_slice %arg39[%dma_start3A_257, %dma_start3A_258] : memref<10000x32xf32, #tpu.memory_space<vmem_shared>> -> memref<10000x32xf32, #tpu.memory_space<vmem_shared>>
      tpu.enqueue_indirect_dma source(%arg15 : memref<125x32xf32, #tpu.memory_space<vmem>>) target(%dma_start3A_259 : memref<10000x32xf32, #tpu.memory_space<vmem_shared>>) offsets(%dma_start3A_256 : memref<125xi32, #tpu.memory_space<vmem>>) semaphore(%arg35 : memref<!tpu.dma_semaphore, #tpu.memory_space<semaphore_mem>>) {add = true}
      %add3A_260 = arith.constant 5 : i32
      %add3A_261 = arith.addi %add3A_247, %add3A_260 : i32
      %lt3A_262 = arith.constant 80 : i32
      %lt3A_263 = arith.cmpi slt, %add3A_261, %lt3A_262 : i32
      %convert_element_type3A_264 = arith.extui %lt3A_263 : i1 to i32
      %cond3A_265 = arith.constant 0 : i32
      %cond3A_266 = arith.cmpi ne, %convert_element_type3A_264, %cond3A_265 : i32
      scf.if %cond3A_266 {
        %ge3A = arith.constant 5 : i32
        %ge3A_330 = arith.cmpi sge, %add3A_247, %ge3A : i32
        %convert_element_type3A_331 = arith.extui %ge3A_330 : i1 to i32
        %cond3A_332 = arith.constant 0 : i32
        %cond3A_333 = arith.cmpi ne, %convert_element_type3A_331, %cond3A_332 : i32
        scf.if %cond3A_333 {
          %sub3A = arith.constant 5 : i32
          %sub3A_342 = arith.subi %add3A_247, %sub3A : i32
          %dma_wait3A_343 = arith.constant 0 : i32
          %dma_wait3A_344 = tpu.memref_slice %arg8[%sub3A_342, %dma_wait3A_343] : memref<80x125xi32, #tpu.memory_space<vmem>> -> memref<1x125xi32, #tpu.memory_space<vmem>>
          %dma_wait3A_345 = tpu.memref_squeeze %dma_wait3A_344 : memref<1x125xi32, #tpu.memory_space<vmem>> -> memref<125xi32, #tpu.memory_space<vmem>>
          %dma_wait3A_346 = arith.constant 0 : i32
          %dma_wait3A_347 = arith.constant 0 : i32
          %dma_wait3A_348 = tpu.memref_slice %arg39[%dma_wait3A_346, %dma_wait3A_347] : memref<10000x32xf32, #tpu.memory_space<vmem_shared>> -> memref<10000x32xf32, #tpu.memory_space<vmem_shared>>
          tpu.wait_indirect_dma semaphore(%arg30 : memref<!tpu.dma_semaphore, #tpu.memory_space<semaphore_mem>>) src(%arg10 : memref<125x32xf32, #tpu.memory_space<vmem>>) dst(%dma_wait3A_348 : memref<10000x32xf32, #tpu.memory_space<vmem_shared>>)
        } else {
        }
        %add3A_334 = arith.constant 5 : i32
        %add3A_335 = arith.addi %add3A_247, %add3A_334 : i32
        %dma_start3A_336 = arith.constant 0 : i32
        %dma_start3A_337 = tpu.memref_slice %arg7[%add3A_335, %dma_start3A_336] : memref<80x125xi32, #tpu.memory_space<vmem>> -> memref<1x125xi32, #tpu.memory_space<vmem>>
        %dma_start3A_338 = tpu.memref_squeeze %dma_start3A_337 : memref<1x125xi32, #tpu.memory_space<vmem>> -> memref<125xi32, #tpu.memory_space<vmem>>
        %dma_start3A_339 = arith.constant 0 : i32
        %dma_start3A_340 = arith.constant 0 : i32
        %dma_start3A_341 = tpu.memref_slice %arg2[%dma_start3A_339, %dma_start3A_340] : memref<10000x32xf32, #tpu.memory_space<hbm>> -> memref<10000x32xf32, #tpu.memory_space<hbm>>
        tpu.enqueue_indirect_dma source(%dma_start3A_341 : memref<10000x32xf32, #tpu.memory_space<hbm>>) target(%arg10 : memref<125x32xf32, #tpu.memory_space<vmem>>) offsets(%dma_start3A_338 : memref<125xi32, #tpu.memory_space<vmem>>) semaphore(%arg20 : memref<!tpu.dma_semaphore, #tpu.memory_space<semaphore_mem>>)
      } else {
      }
      %add3A_267 = arith.constant 7 : i32
      %add3A_268 = arith.addi %add3A_120, %add3A_267 : i32
      %dma_wait3A_269 = arith.constant 0 : i32
      %dma_wait3A_270 = tpu.memref_slice %arg7[%add3A_268, %dma_wait3A_269] : memref<80x125xi32, #tpu.memory_space<vmem>> -> memref<1x125xi32, #tpu.memory_space<vmem>>
      %dma_wait3A_271 = tpu.memref_squeeze %dma_wait3A_270 : memref<1x125xi32, #tpu.memory_space<vmem>> -> memref<125xi32, #tpu.memory_space<vmem>>
      %dma_wait3A_272 = arith.constant 0 : i32
      %dma_wait3A_273 = arith.constant 0 : i32
      %dma_wait3A_274 = tpu.memref_slice %arg2[%dma_wait3A_272, %dma_wait3A_273] : memref<10000x32xf32, #tpu.memory_space<hbm>> -> memref<10000x32xf32, #tpu.memory_space<hbm>>
      tpu.wait_indirect_dma semaphore(%arg26 : memref<!tpu.dma_semaphore, #tpu.memory_space<semaphore_mem>>) src(%dma_wait3A_274 : memref<10000x32xf32, #tpu.memory_space<hbm>>) dst(%arg16 : memref<125x32xf32, #tpu.memory_space<vmem>>)
      %dma_start3A_275 = arith.constant 0 : i32
      %dma_start3A_276 = tpu.memref_slice %arg8[%add3A_268, %dma_start3A_275] : memref<80x125xi32, #tpu.memory_space<vmem>> -> memref<1x125xi32, #tpu.memory_space<vmem>>
      %dma_start3A_277 = tpu.memref_squeeze %dma_start3A_276 : memref<1x125xi32, #tpu.memory_space<vmem>> -> memref<125xi32, #tpu.memory_space<vmem>>
      %dma_start3A_278 = arith.constant 0 : i32
      %dma_start3A_279 = arith.constant 0 : i32
      %dma_start3A_280 = tpu.memref_slice %arg39[%dma_start3A_278, %dma_start3A_279] : memref<10000x32xf32, #tpu.memory_space<vmem_shared>> -> memref<10000x32xf32, #tpu.memory_space<vmem_shared>>
      tpu.enqueue_indirect_dma source(%arg16 : memref<125x32xf32, #tpu.memory_space<vmem>>) target(%dma_start3A_280 : memref<10000x32xf32, #tpu.memory_space<vmem_shared>>) offsets(%dma_start3A_277 : memref<125xi32, #tpu.memory_space<vmem>>) semaphore(%arg36 : memref<!tpu.dma_semaphore, #tpu.memory_space<semaphore_mem>>) {add = true}
      %add3A_281 = arith.constant 5 : i32
      %add3A_282 = arith.addi %add3A_268, %add3A_281 : i32
      %lt3A_283 = arith.constant 80 : i32
      %lt3A_284 = arith.cmpi slt, %add3A_282, %lt3A_283 : i32
      %convert_element_type3A_285 = arith.extui %lt3A_284 : i1 to i32
      %cond3A_286 = arith.constant 0 : i32
      %cond3A_287 = arith.cmpi ne, %convert_element_type3A_285, %cond3A_286 : i32
      scf.if %cond3A_287 {
        %ge3A = arith.constant 5 : i32
        %ge3A_330 = arith.cmpi sge, %add3A_268, %ge3A : i32
        %convert_element_type3A_331 = arith.extui %ge3A_330 : i1 to i32
        %cond3A_332 = arith.constant 0 : i32
        %cond3A_333 = arith.cmpi ne, %convert_element_type3A_331, %cond3A_332 : i32
        scf.if %cond3A_333 {
          %sub3A = arith.constant 5 : i32
          %sub3A_342 = arith.subi %add3A_268, %sub3A : i32
          %dma_wait3A_343 = arith.constant 0 : i32
          %dma_wait3A_344 = tpu.memref_slice %arg8[%sub3A_342, %dma_wait3A_343] : memref<80x125xi32, #tpu.memory_space<vmem>> -> memref<1x125xi32, #tpu.memory_space<vmem>>
          %dma_wait3A_345 = tpu.memref_squeeze %dma_wait3A_344 : memref<1x125xi32, #tpu.memory_space<vmem>> -> memref<125xi32, #tpu.memory_space<vmem>>
          %dma_wait3A_346 = arith.constant 0 : i32
          %dma_wait3A_347 = arith.constant 0 : i32
          %dma_wait3A_348 = tpu.memref_slice %arg39[%dma_wait3A_346, %dma_wait3A_347] : memref<10000x32xf32, #tpu.memory_space<vmem_shared>> -> memref<10000x32xf32, #tpu.memory_space<vmem_shared>>
          tpu.wait_indirect_dma semaphore(%arg31 : memref<!tpu.dma_semaphore, #tpu.memory_space<semaphore_mem>>) src(%arg11 : memref<125x32xf32, #tpu.memory_space<vmem>>) dst(%dma_wait3A_348 : memref<10000x32xf32, #tpu.memory_space<vmem_shared>>)
        } else {
        }
        %add3A_334 = arith.constant 5 : i32
        %add3A_335 = arith.addi %add3A_268, %add3A_334 : i32
        %dma_start3A_336 = arith.constant 0 : i32
        %dma_start3A_337 = tpu.memref_slice %arg7[%add3A_335, %dma_start3A_336] : memref<80x125xi32, #tpu.memory_space<vmem>> -> memref<1x125xi32, #tpu.memory_space<vmem>>
        %dma_start3A_338 = tpu.memref_squeeze %dma_start3A_337 : memref<1x125xi32, #tpu.memory_space<vmem>> -> memref<125xi32, #tpu.memory_space<vmem>>
        %dma_start3A_339 = arith.constant 0 : i32
        %dma_start3A_340 = arith.constant 0 : i32
        %dma_start3A_341 = tpu.memref_slice %arg2[%dma_start3A_339, %dma_start3A_340] : memref<10000x32xf32, #tpu.memory_space<hbm>> -> memref<10000x32xf32, #tpu.memory_space<hbm>>
        tpu.enqueue_indirect_dma source(%dma_start3A_341 : memref<10000x32xf32, #tpu.memory_space<hbm>>) target(%arg11 : memref<125x32xf32, #tpu.memory_space<vmem>>) offsets(%dma_start3A_338 : memref<125xi32, #tpu.memory_space<vmem>>) semaphore(%arg21 : memref<!tpu.dma_semaphore, #tpu.memory_space<semaphore_mem>>)
      } else {
      }
      %add3A_288 = arith.constant 8 : i32
      %add3A_289 = arith.addi %add3A_120, %add3A_288 : i32
      %dma_wait3A_290 = arith.constant 0 : i32
      %dma_wait3A_291 = tpu.memref_slice %arg7[%add3A_289, %dma_wait3A_290] : memref<80x125xi32, #tpu.memory_space<vmem>> -> memref<1x125xi32, #tpu.memory_space<vmem>>
      %dma_wait3A_292 = tpu.memref_squeeze %dma_wait3A_291 : memref<1x125xi32, #tpu.memory_space<vmem>> -> memref<125xi32, #tpu.memory_space<vmem>>
      %dma_wait3A_293 = arith.constant 0 : i32
      %dma_wait3A_294 = arith.constant 0 : i32
      %dma_wait3A_295 = tpu.memref_slice %arg2[%dma_wait3A_293, %dma_wait3A_294] : memref<10000x32xf32, #tpu.memory_space<hbm>> -> memref<10000x32xf32, #tpu.memory_space<hbm>>
      tpu.wait_indirect_dma semaphore(%arg27 : memref<!tpu.dma_semaphore, #tpu.memory_space<semaphore_mem>>) src(%dma_wait3A_295 : memref<10000x32xf32, #tpu.memory_space<hbm>>) dst(%arg17 : memref<125x32xf32, #tpu.memory_space<vmem>>)
      %dma_start3A_296 = arith.constant 0 : i32
      %dma_start3A_297 = tpu.memref_slice %arg8[%add3A_289, %dma_start3A_296] : memref<80x125xi32, #tpu.memory_space<vmem>> -> memref<1x125xi32, #tpu.memory_space<vmem>>
      %dma_start3A_298 = tpu.memref_squeeze %dma_start3A_297 : memref<1x125xi32, #tpu.memory_space<vmem>> -> memref<125xi32, #tpu.memory_space<vmem>>
      %dma_start3A_299 = arith.constant 0 : i32
      %dma_start3A_300 = arith.constant 0 : i32
      %dma_start3A_301 = tpu.memref_slice %arg39[%dma_start3A_299, %dma_start3A_300] : memref<10000x32xf32, #tpu.memory_space<vmem_shared>> -> memref<10000x32xf32, #tpu.memory_space<vmem_shared>>
      tpu.enqueue_indirect_dma source(%arg17 : memref<125x32xf32, #tpu.memory_space<vmem>>) target(%dma_start3A_301 : memref<10000x32xf32, #tpu.memory_space<vmem_shared>>) offsets(%dma_start3A_298 : memref<125xi32, #tpu.memory_space<vmem>>) semaphore(%arg37 : memref<!tpu.dma_semaphore, #tpu.memory_space<semaphore_mem>>) {add = true}
      %add3A_302 = arith.constant 5 : i32
      %add3A_303 = arith.addi %add3A_289, %add3A_302 : i32
      %lt3A_304 = arith.constant 80 : i32
      %lt3A_305 = arith.cmpi slt, %add3A_303, %lt3A_304 : i32
      %convert_element_type3A_306 = arith.extui %lt3A_305 : i1 to i32
      %cond3A_307 = arith.constant 0 : i32
      %cond3A_308 = arith.cmpi ne, %convert_element_type3A_306, %cond3A_307 : i32
      scf.if %cond3A_308 {
        %ge3A = arith.constant 5 : i32
        %ge3A_330 = arith.cmpi sge, %add3A_289, %ge3A : i32
        %convert_element_type3A_331 = arith.extui %ge3A_330 : i1 to i32
        %cond3A_332 = arith.constant 0 : i32
        %cond3A_333 = arith.cmpi ne, %convert_element_type3A_331, %cond3A_332 : i32
        scf.if %cond3A_333 {
          %sub3A = arith.constant 5 : i32
          %sub3A_342 = arith.subi %add3A_289, %sub3A : i32
          %dma_wait3A_343 = arith.constant 0 : i32
          %dma_wait3A_344 = tpu.memref_slice %arg8[%sub3A_342, %dma_wait3A_343] : memref<80x125xi32, #tpu.memory_space<vmem>> -> memref<1x125xi32, #tpu.memory_space<vmem>>
          %dma_wait3A_345 = tpu.memref_squeeze %dma_wait3A_344 : memref<1x125xi32, #tpu.memory_space<vmem>> -> memref<125xi32, #tpu.memory_space<vmem>>
          %dma_wait3A_346 = arith.constant 0 : i32
          %dma_wait3A_347 = arith.constant 0 : i32
          %dma_wait3A_348 = tpu.memref_slice %arg39[%dma_wait3A_346, %dma_wait3A_347] : memref<10000x32xf32, #tpu.memory_space<vmem_shared>> -> memref<10000x32xf32, #tpu.memory_space<vmem_shared>>
          tpu.wait_indirect_dma semaphore(%arg32 : memref<!tpu.dma_semaphore, #tpu.memory_space<semaphore_mem>>) src(%arg12 : memref<125x32xf32, #tpu.memory_space<vmem>>) dst(%dma_wait3A_348 : memref<10000x32xf32, #tpu.memory_space<vmem_shared>>)
        } else {
        }
        %add3A_334 = arith.constant 5 : i32
        %add3A_335 = arith.addi %add3A_289, %add3A_334 : i32
        %dma_start3A_336 = arith.constant 0 : i32
        %dma_start3A_337 = tpu.memref_slice %arg7[%add3A_335, %dma_start3A_336] : memref<80x125xi32, #tpu.memory_space<vmem>> -> memref<1x125xi32, #tpu.memory_space<vmem>>
        %dma_start3A_338 = tpu.memref_squeeze %dma_start3A_337 : memref<1x125xi32, #tpu.memory_space<vmem>> -> memref<125xi32, #tpu.memory_space<vmem>>
        %dma_start3A_339 = arith.constant 0 : i32
        %dma_start3A_340 = arith.constant 0 : i32
        %dma_start3A_341 = tpu.memref_slice %arg2[%dma_start3A_339, %dma_start3A_340] : memref<10000x32xf32, #tpu.memory_space<hbm>> -> memref<10000x32xf32, #tpu.memory_space<hbm>>
        tpu.enqueue_indirect_dma source(%dma_start3A_341 : memref<10000x32xf32, #tpu.memory_space<hbm>>) target(%arg12 : memref<125x32xf32, #tpu.memory_space<vmem>>) offsets(%dma_start3A_338 : memref<125xi32, #tpu.memory_space<vmem>>) semaphore(%arg22 : memref<!tpu.dma_semaphore, #tpu.memory_space<semaphore_mem>>)
      } else {
      }
      %add3A_309 = arith.constant 9 : i32
      %add3A_310 = arith.addi %add3A_120, %add3A_309 : i32
      %dma_wait3A_311 = arith.constant 0 : i32
      %dma_wait3A_312 = tpu.memref_slice %arg7[%add3A_310, %dma_wait3A_311] : memref<80x125xi32, #tpu.memory_space<vmem>> -> memref<1x125xi32, #tpu.memory_space<vmem>>
      %dma_wait3A_313 = tpu.memref_squeeze %dma_wait3A_312 : memref<1x125xi32, #tpu.memory_space<vmem>> -> memref<125xi32, #tpu.memory_space<vmem>>
      %dma_wait3A_314 = arith.constant 0 : i32
      %dma_wait3A_315 = arith.constant 0 : i32
      %dma_wait3A_316 = tpu.memref_slice %arg2[%dma_wait3A_314, %dma_wait3A_315] : memref<10000x32xf32, #tpu.memory_space<hbm>> -> memref<10000x32xf32, #tpu.memory_space<hbm>>
      tpu.wait_indirect_dma semaphore(%arg28 : memref<!tpu.dma_semaphore, #tpu.memory_space<semaphore_mem>>) src(%dma_wait3A_316 : memref<10000x32xf32, #tpu.memory_space<hbm>>) dst(%arg18 : memref<125x32xf32, #tpu.memory_space<vmem>>)
      %dma_start3A_317 = arith.constant 0 : i32
      %dma_start3A_318 = tpu.memref_slice %arg8[%add3A_310, %dma_start3A_317] : memref<80x125xi32, #tpu.memory_space<vmem>> -> memref<1x125xi32, #tpu.memory_space<vmem>>
      %dma_start3A_319 = tpu.memref_squeeze %dma_start3A_318 : memref<1x125xi32, #tpu.memory_space<vmem>> -> memref<125xi32, #tpu.memory_space<vmem>>
      %dma_start3A_320 = arith.constant 0 : i32
      %dma_start3A_321 = arith.constant 0 : i32
      %dma_start3A_322 = tpu.memref_slice %arg39[%dma_start3A_320, %dma_start3A_321] : memref<10000x32xf32, #tpu.memory_space<vmem_shared>> -> memref<10000x32xf32, #tpu.memory_space<vmem_shared>>
      tpu.enqueue_indirect_dma source(%arg18 : memref<125x32xf32, #tpu.memory_space<vmem>>) target(%dma_start3A_322 : memref<10000x32xf32, #tpu.memory_space<vmem_shared>>) offsets(%dma_start3A_319 : memref<125xi32, #tpu.memory_space<vmem>>) semaphore(%arg38 : memref<!tpu.dma_semaphore, #tpu.memory_space<semaphore_mem>>) {add = true}
      %add3A_323 = arith.constant 5 : i32
      %add3A_324 = arith.addi %add3A_310, %add3A_323 : i32
      %lt3A_325 = arith.constant 80 : i32
      %lt3A_326 = arith.cmpi slt, %add3A_324, %lt3A_325 : i32
      %convert_element_type3A_327 = arith.extui %lt3A_326 : i1 to i32
      %cond3A_328 = arith.constant 0 : i32
      %cond3A_329 = arith.cmpi ne, %convert_element_type3A_327, %cond3A_328 : i32
      scf.if %cond3A_329 {
        %ge3A = arith.constant 5 : i32
        %ge3A_330 = arith.cmpi sge, %add3A_310, %ge3A : i32
        %convert_element_type3A_331 = arith.extui %ge3A_330 : i1 to i32
        %cond3A_332 = arith.constant 0 : i32
        %cond3A_333 = arith.cmpi ne, %convert_element_type3A_331, %cond3A_332 : i32
        scf.if %cond3A_333 {
          %sub3A = arith.constant 5 : i32
          %sub3A_342 = arith.subi %add3A_310, %sub3A : i32
          %dma_wait3A_343 = arith.constant 0 : i32
          %dma_wait3A_344 = tpu.memref_slice %arg8[%sub3A_342, %dma_wait3A_343] : memref<80x125xi32, #tpu.memory_space<vmem>> -> memref<1x125xi32, #tpu.memory_space<vmem>>
          %dma_wait3A_345 = tpu.memref_squeeze %dma_wait3A_344 : memref<1x125xi32, #tpu.memory_space<vmem>> -> memref<125xi32, #tpu.memory_space<vmem>>
          %dma_wait3A_346 = arith.constant 0 : i32
          %dma_wait3A_347 = arith.constant 0 : i32
          %dma_wait3A_348 = tpu.memref_slice %arg39[%dma_wait3A_346, %dma_wait3A_347] : memref<10000x32xf32, #tpu.memory_space<vmem_shared>> -> memref<10000x32xf32, #tpu.memory_space<vmem_shared>>
          tpu.wait_indirect_dma semaphore(%arg33 : memref<!tpu.dma_semaphore, #tpu.memory_space<semaphore_mem>>) src(%arg13 : memref<125x32xf32, #tpu.memory_space<vmem>>) dst(%dma_wait3A_348 : memref<10000x32xf32, #tpu.memory_space<vmem_shared>>)
        } else {
        }
        %add3A_334 = arith.constant 5 : i32
        %add3A_335 = arith.addi %add3A_310, %add3A_334 : i32
        %dma_start3A_336 = arith.constant 0 : i32
        %dma_start3A_337 = tpu.memref_slice %arg7[%add3A_335, %dma_start3A_336] : memref<80x125xi32, #tpu.memory_space<vmem>> -> memref<1x125xi32, #tpu.memory_space<vmem>>
        %dma_start3A_338 = tpu.memref_squeeze %dma_start3A_337 : memref<1x125xi32, #tpu.memory_space<vmem>> -> memref<125xi32, #tpu.memory_space<vmem>>
        %dma_start3A_339 = arith.constant 0 : i32
        %dma_start3A_340 = arith.constant 0 : i32
        %dma_start3A_341 = tpu.memref_slice %arg2[%dma_start3A_339, %dma_start3A_340] : memref<10000x32xf32, #tpu.memory_space<hbm>> -> memref<10000x32xf32, #tpu.memory_space<hbm>>
        tpu.enqueue_indirect_dma source(%dma_start3A_341 : memref<10000x32xf32, #tpu.memory_space<hbm>>) target(%arg13 : memref<125x32xf32, #tpu.memory_space<vmem>>) offsets(%dma_start3A_338 : memref<125xi32, #tpu.memory_space<vmem>>) semaphore(%arg23 : memref<!tpu.dma_semaphore, #tpu.memory_space<semaphore_mem>>)
      } else {
      }
    }
    %scan3A_40 = arith.constant 8 : i32
    %dma_wait3A = arith.constant 70 : i32
    %dma_wait3A_41 = arith.constant 0 : i32
    %dma_wait3A_42 = tpu.memref_slice %arg8[%dma_wait3A, %dma_wait3A_41] : memref<80x125xi32, #tpu.memory_space<vmem>> -> memref<1x125xi32, #tpu.memory_space<vmem>>
    %dma_wait3A_43 = tpu.memref_squeeze %dma_wait3A_42 : memref<1x125xi32, #tpu.memory_space<vmem>> -> memref<125xi32, #tpu.memory_space<vmem>>
    %dma_wait3A_44 = arith.constant 0 : i32
    %dma_wait3A_45 = arith.constant 0 : i32
    %dma_wait3A_46 = tpu.memref_slice %arg39[%dma_wait3A_44, %dma_wait3A_45] : memref<10000x32xf32, #tpu.memory_space<vmem_shared>> -> memref<10000x32xf32, #tpu.memory_space<vmem_shared>>
    tpu.wait_indirect_dma semaphore(%arg29 : memref<!tpu.dma_semaphore, #tpu.memory_space<semaphore_mem>>) src(%arg9 : memref<125x32xf32, #tpu.memory_space<vmem>>) dst(%dma_wait3A_46 : memref<10000x32xf32, #tpu.memory_space<vmem_shared>>)
    %dma_wait3A_47 = arith.constant 71 : i32
    %dma_wait3A_48 = arith.constant 0 : i32
    %dma_wait3A_49 = tpu.memref_slice %arg8[%dma_wait3A_47, %dma_wait3A_48] : memref<80x125xi32, #tpu.memory_space<vmem>> -> memref<1x125xi32, #tpu.memory_space<vmem>>
    %dma_wait3A_50 = tpu.memref_squeeze %dma_wait3A_49 : memref<1x125xi32, #tpu.memory_space<vmem>> -> memref<125xi32, #tpu.memory_space<vmem>>
    %dma_wait3A_51 = arith.constant 0 : i32
    %dma_wait3A_52 = arith.constant 0 : i32
    %dma_wait3A_53 = tpu.memref_slice %arg39[%dma_wait3A_51, %dma_wait3A_52] : memref<10000x32xf32, #tpu.memory_space<vmem_shared>> -> memref<10000x32xf32, #tpu.memory_space<vmem_shared>>
    tpu.wait_indirect_dma semaphore(%arg30 : memref<!tpu.dma_semaphore, #tpu.memory_space<semaphore_mem>>) src(%arg10 : memref<125x32xf32, #tpu.memory_space<vmem>>) dst(%dma_wait3A_53 : memref<10000x32xf32, #tpu.memory_space<vmem_shared>>)
    %dma_wait3A_54 = arith.constant 72 : i32
    %dma_wait3A_55 = arith.constant 0 : i32
    %dma_wait3A_56 = tpu.memref_slice %arg8[%dma_wait3A_54, %dma_wait3A_55] : memref<80x125xi32, #tpu.memory_space<vmem>> -> memref<1x125xi32, #tpu.memory_space<vmem>>
    %dma_wait3A_57 = tpu.memref_squeeze %dma_wait3A_56 : memref<1x125xi32, #tpu.memory_space<vmem>> -> memref<125xi32, #tpu.memory_space<vmem>>
    %dma_wait3A_58 = arith.constant 0 : i32
    %dma_wait3A_59 = arith.constant 0 : i32
    %dma_wait3A_60 = tpu.memref_slice %arg39[%dma_wait3A_58, %dma_wait3A_59] : memref<10000x32xf32, #tpu.memory_space<vmem_shared>> -> memref<10000x32xf32, #tpu.memory_space<vmem_shared>>
    tpu.wait_indirect_dma semaphore(%arg31 : memref<!tpu.dma_semaphore, #tpu.memory_space<semaphore_mem>>) src(%arg11 : memref<125x32xf32, #tpu.memory_space<vmem>>) dst(%dma_wait3A_60 : memref<10000x32xf32, #tpu.memory_space<vmem_shared>>)
    %dma_wait3A_61 = arith.constant 73 : i32
    %dma_wait3A_62 = arith.constant 0 : i32
    %dma_wait3A_63 = tpu.memref_slice %arg8[%dma_wait3A_61, %dma_wait3A_62] : memref<80x125xi32, #tpu.memory_space<vmem>> -> memref<1x125xi32, #tpu.memory_space<vmem>>
    %dma_wait3A_64 = tpu.memref_squeeze %dma_wait3A_63 : memref<1x125xi32, #tpu.memory_space<vmem>> -> memref<125xi32, #tpu.memory_space<vmem>>
    %dma_wait3A_65 = arith.constant 0 : i32
    %dma_wait3A_66 = arith.constant 0 : i32
    %dma_wait3A_67 = tpu.memref_slice %arg39[%dma_wait3A_65, %dma_wait3A_66] : memref<10000x32xf32, #tpu.memory_space<vmem_shared>> -> memref<10000x32xf32, #tpu.memory_space<vmem_shared>>
    tpu.wait_indirect_dma semaphore(%arg32 : memref<!tpu.dma_semaphore, #tpu.memory_space<semaphore_mem>>) src(%arg12 : memref<125x32xf32, #tpu.memory_space<vmem>>) dst(%dma_wait3A_67 : memref<10000x32xf32, #tpu.memory_space<vmem_shared>>)
    %dma_wait3A_68 = arith.constant 74 : i32
    %dma_wait3A_69 = arith.constant 0 : i32
    %dma_wait3A_70 = tpu.memref_slice %arg8[%dma_wait3A_68, %dma_wait3A_69] : memref<80x125xi32, #tpu.memory_space<vmem>> -> memref<1x125xi32, #tpu.memory_space<vmem>>
    %dma_wait3A_71 = tpu.memref_squeeze %dma_wait3A_70 : memref<1x125xi32, #tpu.memory_space<vmem>> -> memref<125xi32, #tpu.memory_space<vmem>>
    %dma_wait3A_72 = arith.constant 0 : i32
    %dma_wait3A_73 = arith.constant 0 : i32
    %dma_wait3A_74 = tpu.memref_slice %arg39[%dma_wait3A_72, %dma_wait3A_73] : memref<10000x32xf32, #tpu.memory_space<vmem_shared>> -> memref<10000x32xf32, #tpu.memory_space<vmem_shared>>
    tpu.wait_indirect_dma semaphore(%arg33 : memref<!tpu.dma_semaphore, #tpu.memory_space<semaphore_mem>>) src(%arg13 : memref<125x32xf32, #tpu.memory_space<vmem>>) dst(%dma_wait3A_74 : memref<10000x32xf32, #tpu.memory_space<vmem_shared>>)
    %dma_wait3A_75 = arith.constant 75 : i32
    %dma_wait3A_76 = arith.constant 0 : i32
    %dma_wait3A_77 = tpu.memref_slice %arg8[%dma_wait3A_75, %dma_wait3A_76] : memref<80x125xi32, #tpu.memory_space<vmem>> -> memref<1x125xi32, #tpu.memory_space<vmem>>
    %dma_wait3A_78 = tpu.memref_squeeze %dma_wait3A_77 : memref<1x125xi32, #tpu.memory_space<vmem>> -> memref<125xi32, #tpu.memory_space<vmem>>
    %dma_wait3A_79 = arith.constant 0 : i32
    %dma_wait3A_80 = arith.constant 0 : i32
    %dma_wait3A_81 = tpu.memref_slice %arg39[%dma_wait3A_79, %dma_wait3A_80] : memref<10000x32xf32, #tpu.memory_space<vmem_shared>> -> memref<10000x32xf32, #tpu.memory_space<vmem_shared>>
    tpu.wait_indirect_dma semaphore(%arg34 : memref<!tpu.dma_semaphore, #tpu.memory_space<semaphore_mem>>) src(%arg14 : memref<125x32xf32, #tpu.memory_space<vmem>>) dst(%dma_wait3A_81 : memref<10000x32xf32, #tpu.memory_space<vmem_shared>>)
    %dma_wait3A_82 = arith.constant 76 : i32
    %dma_wait3A_83 = arith.constant 0 : i32
    %dma_wait3A_84 = tpu.memref_slice %arg8[%dma_wait3A_82, %dma_wait3A_83] : memref<80x125xi32, #tpu.memory_space<vmem>> -> memref<1x125xi32, #tpu.memory_space<vmem>>
    %dma_wait3A_85 = tpu.memref_squeeze %dma_wait3A_84 : memref<1x125xi32, #tpu.memory_space<vmem>> -> memref<125xi32, #tpu.memory_space<vmem>>
    %dma_wait3A_86 = arith.constant 0 : i32
    %dma_wait3A_87 = arith.constant 0 : i32
    %dma_wait3A_88 = tpu.memref_slice %arg39[%dma_wait3A_86, %dma_wait3A_87] : memref<10000x32xf32, #tpu.memory_space<vmem_shared>> -> memref<10000x32xf32, #tpu.memory_space<vmem_shared>>
    tpu.wait_indirect_dma semaphore(%arg35 : memref<!tpu.dma_semaphore, #tpu.memory_space<semaphore_mem>>) src(%arg15 : memref<125x32xf32, #tpu.memory_space<vmem>>) dst(%dma_wait3A_88 : memref<10000x32xf32, #tpu.memory_space<vmem_shared>>)
    %dma_wait3A_89 = arith.constant 77 : i32
    %dma_wait3A_90 = arith.constant 0 : i32
    %dma_wait3A_91 = tpu.memref_slice %arg8[%dma_wait3A_89, %dma_wait3A_90] : memref<80x125xi32, #tpu.memory_space<vmem>> -> memref<1x125xi32, #tpu.memory_space<vmem>>
    %dma_wait3A_92 = tpu.memref_squeeze %dma_wait3A_91 : memref<1x125xi32, #tpu.memory_space<vmem>> -> memref<125xi32, #tpu.memory_space<vmem>>
    %dma_wait3A_93 = arith.constant 0 : i32
    %dma_wait3A_94 = arith.constant 0 : i32
    %dma_wait3A_95 = tpu.memref_slice %arg39[%dma_wait3A_93, %dma_wait3A_94] : memref<10000x32xf32, #tpu.memory_space<vmem_shared>> -> memref<10000x32xf32, #tpu.memory_space<vmem_shared>>
    tpu.wait_indirect_dma semaphore(%arg36 : memref<!tpu.dma_semaphore, #tpu.memory_space<semaphore_mem>>) src(%arg16 : memref<125x32xf32, #tpu.memory_space<vmem>>) dst(%dma_wait3A_95 : memref<10000x32xf32, #tpu.memory_space<vmem_shared>>)
    %dma_wait3A_96 = arith.constant 78 : i32
    %dma_wait3A_97 = arith.constant 0 : i32
    %dma_wait3A_98 = tpu.memref_slice %arg8[%dma_wait3A_96, %dma_wait3A_97] : memref<80x125xi32, #tpu.memory_space<vmem>> -> memref<1x125xi32, #tpu.memory_space<vmem>>
    %dma_wait3A_99 = tpu.memref_squeeze %dma_wait3A_98 : memref<1x125xi32, #tpu.memory_space<vmem>> -> memref<125xi32, #tpu.memory_space<vmem>>
    %dma_wait3A_100 = arith.constant 0 : i32
    %dma_wait3A_101 = arith.constant 0 : i32
    %dma_wait3A_102 = tpu.memref_slice %arg39[%dma_wait3A_100, %dma_wait3A_101] : memref<10000x32xf32, #tpu.memory_space<vmem_shared>> -> memref<10000x32xf32, #tpu.memory_space<vmem_shared>>
    tpu.wait_indirect_dma semaphore(%arg37 : memref<!tpu.dma_semaphore, #tpu.memory_space<semaphore_mem>>) src(%arg17 : memref<125x32xf32, #tpu.memory_space<vmem>>) dst(%dma_wait3A_102 : memref<10000x32xf32, #tpu.memory_space<vmem_shared>>)
    %dma_wait3A_103 = arith.constant 79 : i32
    %dma_wait3A_104 = arith.constant 0 : i32
    %dma_wait3A_105 = tpu.memref_slice %arg8[%dma_wait3A_103, %dma_wait3A_104] : memref<80x125xi32, #tpu.memory_space<vmem>> -> memref<1x125xi32, #tpu.memory_space<vmem>>
    %dma_wait3A_106 = tpu.memref_squeeze %dma_wait3A_105 : memref<1x125xi32, #tpu.memory_space<vmem>> -> memref<125xi32, #tpu.memory_space<vmem>>
    %dma_wait3A_107 = arith.constant 0 : i32
    %dma_wait3A_108 = arith.constant 0 : i32
    %dma_wait3A_109 = tpu.memref_slice %arg39[%dma_wait3A_107, %dma_wait3A_108] : memref<10000x32xf32, #tpu.memory_space<vmem_shared>> -> memref<10000x32xf32, #tpu.memory_space<vmem_shared>>
    tpu.wait_indirect_dma semaphore(%arg38 : memref<!tpu.dma_semaphore, #tpu.memory_space<semaphore_mem>>) src(%arg18 : memref<125x32xf32, #tpu.memory_space<vmem>>) dst(%dma_wait3A_109 : memref<10000x32xf32, #tpu.memory_space<vmem_shared>>)
    %barrier3A_110 = arith.constant 0 : index
    tpu.barrier barrier_id(%barrier3A_110)
    %eq3A_111 = arith.constant 0 : i32
    %eq3A_112 = arith.cmpi eq, %arg1, %eq3A_111 : i32
    %convert_element_type3A_113 = arith.extui %eq3A_112 : i1 to i32
    %cond3A_114 = arith.constant 0 : i32
    %cond3A_115 = arith.cmpi ne, %convert_element_type3A_113, %cond3A_114 : i32
    scf.if %cond3A_115 {
      "tpu.region"() ({
        %run_scoped3A = tpu.sem_alloc : memref<!tpu.dma_semaphore, #tpu.memory_space<semaphore_mem>>
        %dma_start3A_116 = arith.constant 0 : i32
        %dma_start3A_117 = arith.constant 0 : i32
        %dma_start3A_118 = tpu.memref_slice %arg6[%arg0, %dma_start3A_116, %dma_start3A_117] : memref<2x10000x32xf32, #tpu.memory_space<hbm>> -> memref<1x10000x32xf32, #tpu.memory_space<hbm>>
        %dma_start3A_119 = tpu.memref_squeeze %dma_start3A_118 : memref<1x10000x32xf32, #tpu.memory_space<hbm>> -> memref<10000x32xf32, #tpu.memory_space<hbm>>
        tpu.enqueue_dma source(%arg39 : memref<10000x32xf32, #tpu.memory_space<vmem_shared>>) target(%dma_start3A_119 : memref<10000x32xf32, #tpu.memory_space<hbm>>) target_semaphore(%run_scoped3A : memref<!tpu.dma_semaphore, #tpu.memory_space<semaphore_mem>>)
        %dma_wait3A_120 = arith.constant 0 : i32
        %dma_wait3A_121 = arith.constant 0 : i32
        %dma_wait3A_122 = tpu.memref_slice %arg6[%arg0, %dma_wait3A_120, %dma_wait3A_121] : memref<2x10000x32xf32, #tpu.memory_space<hbm>> -> memref<1x10000x32xf32, #tpu.memory_space<hbm>>
        %dma_wait3A_123 = tpu.memref_squeeze %dma_wait3A_122 : memref<1x10000x32xf32, #tpu.memory_space<hbm>> -> memref<10000x32xf32, #tpu.memory_space<hbm>>
        tpu.wait_dma2 semaphore(%run_scoped3A : memref<!tpu.dma_semaphore, #tpu.memory_space<semaphore_mem>>) src(%arg39 : memref<10000x32xf32, #tpu.memory_space<vmem_shared>>) dst(%dma_wait3A_123 : memref<10000x32xf32, #tpu.memory_space<hbm>>)
        tpu.yield
      }) : () -> ()
    } else {
    }
    return
  }
}

module attributes {stable_mosaic.version = 14 : i64} {
  func.func @body(%arg0: memref<10000x128xf32, #tpu.memory_space<vmem>>, %arg1: memref<128x64xf32, #tpu.memory_space<vmem>>, %arg2: memref<10000x32xf32, #tpu.memory_space<vmem>>, %arg3: memref<10000x32xf32, #tpu.memory_space<vmem>>) attributes {dimension_semantics = [], scalar_prefetch = 0 : i64, scratch_operands = 0 : i64, tpu.core_type = #tpu.core_type<tc>} {
    %get3A = arith.constant 0 : index
    %get3A_0 = arith.constant 0 : index
    %get3A_1 = vector.load %arg0[%get3A, %get3A_0] : memref<10000x128xf32, #tpu.memory_space<vmem>>, vector<10000x128xf32>
    %get3A_2 = arith.constant 0 : index
    %get3A_3 = arith.constant 0 : index
    %get3A_4 = vector.load %arg1[%get3A_2, %get3A_3] : memref<128x64xf32, #tpu.memory_space<vmem>>, vector<128x64xf32>
    %dot_general3A = arith.constant dense<0.000000e+00> : vector<10000x64xf32>
    %dot_general3A_5 = tpu.matmul %get3A_1, %get3A_4, %dot_general3A {dimension_numbers = #tpu.dot_dimension_numbers<[1], [0], [0], [1], [0, 0, 1, 1], [], []>, transpose_lhs_hint = false} : vector<10000x128xf32>, vector<128x64xf32>, vector<10000x64xf32> -> vector<10000x64xf32>
    %slice3A = vector.extract_strided_slice %dot_general3A_5 {offsets = [0, 0], sizes = [10000, 32], strides = [1, 1]} : vector<10000x64xf32> to vector<10000x32xf32>
    %swap3A = arith.constant 0 : index
    %swap3A_6 = arith.constant 0 : index
    %swap3A_7 = vector.load %arg2[%swap3A, %swap3A_6] : memref<10000x32xf32, #tpu.memory_space<vmem>>, vector<10000x32xf32>
    tpu.vector_store %arg2[%swap3A, %swap3A_6], %slice3A {strides = array<i32>} : memref<10000x32xf32, #tpu.memory_space<vmem>>, vector<10000x32xf32>,
    %slice3A_8 = vector.extract_strided_slice %dot_general3A_5 {offsets = [0, 32], sizes = [10000, 32], strides = [1, 1]} : vector<10000x64xf32> to vector<10000x32xf32>
    %swap3A_9 = arith.constant 0 : index
    %swap3A_10 = arith.constant 0 : index
    %swap3A_11 = vector.load %arg3[%swap3A_9, %swap3A_10] : memref<10000x32xf32, #tpu.memory_space<vmem>>, vector<10000x32xf32>
    tpu.vector_store %arg3[%swap3A_9, %swap3A_10], %slice3A_8 {strides = array<i32>} : memref<10000x32xf32, #tpu.memory_space<vmem>>, vector<10000x32xf32>,
    return
  }
}

module attributes {stable_mosaic.version = 14 : i64} {
  func.func @body(%arg0: memref<2x2500x128xf32, #tpu.memory_space<vmem>>, %arg1: memref<2x2500x128xf32, #tpu.memory_space<vmem>>, %arg2: memref<2500x128xf32, #tpu.memory_space<vmem>>, %arg3: memref<1x128xf32, #tpu.memory_space<vmem>>, %arg4: memref<128x256xf32, #tpu.memory_space<vmem>>, %arg5: memref<2500x128xf32, #tpu.memory_space<vmem>>, %arg6: memref<2500x128xf32, #tpu.memory_space<vmem>>, %arg7: memref<2500x128xf32, #tpu.memory_space<vmem>>) attributes {dimension_semantics = [], scalar_prefetch = 0 : i64, scratch_operands = 0 : i64, tpu.core_type = #tpu.core_type<tc>} {
    %get3A = arith.constant 0 : index
    %get3A_0 = arith.constant 0 : index
    %get3A_1 = arith.constant 0 : index
    %get3A_2 = vector.load %arg1[%get3A, %get3A_0, %get3A_1] : memref<2x2500x128xf32, #tpu.memory_space<vmem>>, vector<1x2500x128xf32>
    %get3A_3 = vector.shape_cast %get3A_2 : vector<1x2500x128xf32> to vector<2500x128xf32>
    %get3A_4 = arith.constant 1 : index
    %get3A_5 = arith.constant 0 : index
    %get3A_6 = arith.constant 0 : index
    %get3A_7 = vector.load %arg1[%get3A_4, %get3A_5, %get3A_6] : memref<2x2500x128xf32, #tpu.memory_space<vmem>>, vector<1x2500x128xf32>
    %get3A_8 = vector.shape_cast %get3A_7 : vector<1x2500x128xf32> to vector<2500x128xf32>
    %add3A = arith.addf %get3A_3, %get3A_8 : vector<2500x128xf32>
    %max3A = arith.constant 1.000000e+00 : f32
    %max3A_9 = vector.broadcast %max3A : f32 to vector<2500x128xf32>
    %max3A_10 = arith.maximumf %add3A, %max3A_9 : vector<2500x128xf32>
    %div3A = arith.constant 1.000000e+00 : f32
    %div3A_11 = vector.broadcast %div3A : f32 to vector<2500x128xf32>
    %div3A_12 = arith.divf %div3A_11, %max3A_10 : vector<2500x128xf32>
    %swap3A = arith.constant 0 : index
    %swap3A_13 = arith.constant 0 : index
    %swap3A_14 = vector.load %arg7[%swap3A, %swap3A_13] : memref<2500x128xf32, #tpu.memory_space<vmem>>, vector<2500x128xf32>
    tpu.vector_store %arg7[%swap3A, %swap3A_13], %div3A_12 {strides = array<i32>} : memref<2500x128xf32, #tpu.memory_space<vmem>>, vector<2500x128xf32>,
    %get3A_15 = arith.constant 0 : index
    %get3A_16 = arith.constant 0 : index
    %get3A_17 = arith.constant 0 : index
    %get3A_18 = vector.load %arg0[%get3A_15, %get3A_16, %get3A_17] : memref<2x2500x128xf32, #tpu.memory_space<vmem>>, vector<1x2500x128xf32>
    %get3A_19 = vector.shape_cast %get3A_18 : vector<1x2500x128xf32> to vector<2500x128xf32>
    %get3A_20 = arith.constant 1 : index
    %get3A_21 = arith.constant 0 : index
    %get3A_22 = arith.constant 0 : index
    %get3A_23 = vector.load %arg0[%get3A_20, %get3A_21, %get3A_22] : memref<2x2500x128xf32, #tpu.memory_space<vmem>>, vector<1x2500x128xf32>
    %get3A_24 = vector.shape_cast %get3A_23 : vector<1x2500x128xf32> to vector<2500x128xf32>
    %add3A_25 = arith.addf %get3A_19, %get3A_24 : vector<2500x128xf32>
    %mul3A = arith.mulf %add3A_25, %div3A_12 : vector<2500x128xf32>
    %get3A_26 = arith.constant 0 : index
    %get3A_27 = arith.constant 0 : index
    %get3A_28 = vector.load %arg2[%get3A_26, %get3A_27] : memref<2500x128xf32, #tpu.memory_space<vmem>>, vector<2500x128xf32>
    %add3A_29 = arith.addf %mul3A, %get3A_28 : vector<2500x128xf32>
    %get3A_30 = arith.constant 0 : index
    %get3A_31 = arith.constant 0 : index
    %get3A_32 = vector.load %arg3[%get3A_30, %get3A_31] : memref<1x128xf32, #tpu.memory_space<vmem>>, vector<1x128xf32>
    %add3A_33 = vector.broadcast %get3A_32 : vector<1x128xf32> to vector<2500x128xf32>
    %add3A_34 = arith.addf %add3A_29, %add3A_33 : vector<2500x128xf32>
    %max3A_35 = arith.constant 0.000000e+00 : f32
    %max3A_36 = vector.broadcast %max3A_35 : f32 to vector<2500x128xf32>
    %max3A_37 = arith.maximumf %add3A_34, %max3A_36 : vector<2500x128xf32>
    %get3A_38 = arith.constant 0 : index
    %get3A_39 = arith.constant 0 : index
    %get3A_40 = vector.load %arg4[%get3A_38, %get3A_39] : memref<128x256xf32, #tpu.memory_space<vmem>>, vector<128x256xf32>
    %dot_general3A = arith.constant dense<0.000000e+00> : vector<2500x256xf32>
    %dot_general3A_41 = tpu.matmul %max3A_37, %get3A_40, %dot_general3A {dimension_numbers = #tpu.dot_dimension_numbers<[1], [0], [0], [1], [0, 0, 1, 1], [], []>, transpose_lhs_hint = false} : vector<2500x128xf32>, vector<128x256xf32>, vector<2500x256xf32> -> vector<2500x256xf32>
    %slice3A = vector.extract_strided_slice %dot_general3A_41 {offsets = [0, 0], sizes = [2500, 128], strides = [1, 1]} : vector<2500x256xf32> to vector<2500x128xf32>
    %swap3A_42 = arith.constant 0 : index
    %swap3A_43 = arith.constant 0 : index
    %swap3A_44 = vector.load %arg5[%swap3A_42, %swap3A_43] : memref<2500x128xf32, #tpu.memory_space<vmem>>, vector<2500x128xf32>
    tpu.vector_store %arg5[%swap3A_42, %swap3A_43], %slice3A {strides = array<i32>} : memref<2500x128xf32, #tpu.memory_space<vmem>>, vector<2500x128xf32>,
    %slice3A_45 = vector.extract_strided_slice %dot_general3A_41 {offsets = [0, 128], sizes = [2500, 128], strides = [1, 1]} : vector<2500x256xf32> to vector<2500x128xf32>
    %swap3A_46 = arith.constant 0 : index
    %swap3A_47 = arith.constant 0 : index
    %swap3A_48 = vector.load %arg6[%swap3A_46, %swap3A_47] : memref<2500x128xf32, #tpu.memory_space<vmem>>, vector<2500x128xf32>
    tpu.vector_store %arg6[%swap3A_46, %swap3A_47], %slice3A_45 {strides = array<i32>} : memref<2500x128xf32, #tpu.memory_space<vmem>>, vector<2500x128xf32>,
    return
  }
}

module attributes {stable_mosaic.version = 14 : i64} {
  func.func @body(%arg0: memref<2x2500x128xf32, #tpu.memory_space<vmem>>, %arg1: memref<2500x128xf32, #tpu.memory_space<vmem>>, %arg2: memref<2500x128xf32, #tpu.memory_space<vmem>>, %arg3: memref<1x128xf32, #tpu.memory_space<vmem>>, %arg4: memref<2500x128xf32, #tpu.memory_space<vmem>>) attributes {dimension_semantics = [], scalar_prefetch = 0 : i64, scratch_operands = 0 : i64, tpu.core_type = #tpu.core_type<tc>} {
    %get3A = arith.constant 0 : index
    %get3A_0 = arith.constant 0 : index
    %get3A_1 = arith.constant 0 : index
    %get3A_2 = vector.load %arg0[%get3A, %get3A_0, %get3A_1] : memref<2x2500x128xf32, #tpu.memory_space<vmem>>, vector<1x2500x128xf32>
    %get3A_3 = vector.shape_cast %get3A_2 : vector<1x2500x128xf32> to vector<2500x128xf32>
    %get3A_4 = arith.constant 1 : index
    %get3A_5 = arith.constant 0 : index
    %get3A_6 = arith.constant 0 : index
    %get3A_7 = vector.load %arg0[%get3A_4, %get3A_5, %get3A_6] : memref<2x2500x128xf32, #tpu.memory_space<vmem>>, vector<1x2500x128xf32>
    %get3A_8 = vector.shape_cast %get3A_7 : vector<1x2500x128xf32> to vector<2500x128xf32>
    %add3A = arith.addf %get3A_3, %get3A_8 : vector<2500x128xf32>
    %get3A_9 = arith.constant 0 : index
    %get3A_10 = arith.constant 0 : index
    %get3A_11 = vector.load %arg1[%get3A_9, %get3A_10] : memref<2500x128xf32, #tpu.memory_space<vmem>>, vector<2500x128xf32>
    %mul3A = arith.mulf %add3A, %get3A_11 : vector<2500x128xf32>
    %get3A_12 = arith.constant 0 : index
    %get3A_13 = arith.constant 0 : index
    %get3A_14 = vector.load %arg2[%get3A_12, %get3A_13] : memref<2500x128xf32, #tpu.memory_space<vmem>>, vector<2500x128xf32>
    %add3A_15 = arith.addf %mul3A, %get3A_14 : vector<2500x128xf32>
    %get3A_16 = arith.constant 0 : index
    %get3A_17 = arith.constant 0 : index
    %get3A_18 = vector.load %arg3[%get3A_16, %get3A_17] : memref<1x128xf32, #tpu.memory_space<vmem>>, vector<1x128xf32>
    %add3A_19 = vector.broadcast %get3A_18 : vector<1x128xf32> to vector<2500x128xf32>
    %add3A_20 = arith.addf %add3A_15, %add3A_19 : vector<2500x128xf32>
    %swap3A = arith.constant 0 : index
    %swap3A_21 = arith.constant 0 : index
    %swap3A_22 = vector.load %arg4[%swap3A, %swap3A_21] : memref<2500x128xf32, #tpu.memory_space<vmem>>, vector<2500x128xf32>
    tpu.vector_store %arg4[%swap3A, %swap3A_21], %add3A_20 {strides = array<i32>} : memref<2500x128xf32, #tpu.memory_space<vmem>>, vector<2500x128xf32>,
    return
  }
}

</mosaic_0001>

<sc_bundles>
// kernel: kernel.11.cloned.1.call-start
scs
__scs_entry_jumppad:
0x0: {  	(pc) =	sbr.rel $0x88, $3  }
0x1: {  	(tag) =	ssettag $0x0;
	lr =	simm.s32 $0x1  }
0x2: {  	[smem:$0x3F99] =	sst lr;
	_ =	strace $0xD0000000  }
0x3: {  	_ = 	snop  }
0x4: {  	_ = 	snop  }
0x5: {  	_ = 	snop  }
0x6: {  	_ = 	snop  }
0x7: {  	_ = 	snop  }
__scs_overlays_trampoline_lowered:
0x8: {  	[smem:$0x3FA8] =	sst s0  }
0x9: {  	[smem:$0x3FA9] =	sst s1  }
0xa: {  	[smem:$0x3FAA] =	sst s2  }
0xb: {  	[smem:$0x3FAB] =	sst s3  }
0xc: {  	[smem:$0x3FAC] =	sst s4  }
0xd: {  	[smem:$0x3FAD] =	sst s5  }
0xe: {  	[smem:$0x3FAE] =	sst s6  }
0xf: {  	[smem:$0x3FAF] =	sst s7  }
0x10: {  	[smem:$0x3FB0] =	sst s8  }
0x11: {  	[smem:$0x3FB1] =	sst s9;
	s0 =	simm.s32 @!p0 $0x0  }
0x12: {  	s1 =	sld [smem:$0x3F97];
	s0 =	simm.s32 @p0 $0x1  }
0x13: {  	[smem:$0x3FB2] =	sst s0;
	s0 =	simm.s32 @!p1 $0x0  }
0x14: {  	s2 =	sld [smem:$0x3F96];
	s0 =	simm.s32 @p1 $0x1  }
0x15: {  	[smem:$0x3FB3] =	sst s0;
	s0 =	simm.s32 @!p2 $0x0  }
0x16: {  	s3 =	sld [smem:$0x3FDB];
	s0 =	simm.s32 @p2 $0x1  }
0x17: {  	s4 =	simm.s32 $0x1BF5;
	[smem:$0x3FB5] =	sst s0  }
0x18: {  	s0 =	sld [smem:$0x3F98];
	_ =	swait.ge [sflag:s4], $0x0  }
0x19: {  	s7 =	sld [smem:$0x3F99]  }
0x1a: {  	s8 =	sadd.s32 $0xFFFFE003, lr  }
0x1b: {  	s9 =	sadd.s32 $0xFFFFFEF7, lr;
	s5 =	simm.s32 $0xFFFFFFFF;
	p2 =	slt.u32 s8, $0xFFFFF086  }
0x1c: {  	p1 =	slt.u32 s9, $0xF7A;
	s5 =	simm.s32 @!p2 $0x0  }
0x1d: {  	s5 =	simm.s32 @p1 $0x1;
	p0 =	seq.s32 s7, s2  }
0x1e: {  	s7 =	smul.u32 @!p0 $0xF7A, s2;
	p2 =	seq.s32 @!p0 s5, $0x0  }
0x1f: {  	s9 =	smul.u32 $0xF7A, s1;
	s8 =	simm.s32 @!p0 $0x1BF5;
	p2 =	por !p2, p0  }
0x20: {  	[sflag:s8] =	ssyncset.s32 @!p0 $0xFFFFF086;
	s6 =	sadd.s32 @!p0 s3, s7;
	s7 =	simm.s32 @!p0 $0x108  }
0x21: {  	s3 =	sadd.s32 s3, s9;
	s6 =	sadd.s32 @!p0 $0x88, s6;
	s7 =	simm.s32 @p2 $0x1082  }
0x22: {  	[simem:s7], [sflag:s8] =	dma.local @!p0 [hbm:s6], $0xF7A  }
0x23: {  	s9 =	sor.u32 $0xD0000000, s2;
	s6 =	simm.s32 $0x108;
	_ =	swait.ge @!p0 [sflag:s8], $0x0  }
0x24: {  	s3 =	sadd.s32 $0x88, s3;
	s6 =	simm.s32 @!p1 $0x1082;
	[sflag:s4] =	ssyncset.s32 $0xFFFFF086  }
0x25: {  	[simem:s6], [sflag:s4] =	dma.local [hbm:s3], $0xF7A  }
0x26: {  	[smem:$0x3F99] =	sst s1;
	(tag) =	ssettag s2;
	_ =	strace s9  }
0x27: {  	s1 =	sld [smem:$0x3FA9]  }
0x28: {  	s2 =	sld [smem:$0x3FAA]  }
0x29: {  	s4 =	sld [smem:$0x3FAC]  }
0x2a: {  	p0 =	seq.s32 s5, $0x0;
	s5 =	sld [smem:$0x3FAD]  }
0x2b: {  	s6 =	sld [smem:$0x3FAE]  }
0x2c: {  	s7 =	sld [smem:$0x3FAF]  }
0x2d: {  	s3 =	simm.s32 $0x108;
	s8 =	sld [smem:$0x3FB0]  }
0x2e: {  	s3 =	simm.s32 @!p0 $0x1082;
	s9 =	sld [smem:$0x3FB1]  }
0x2f: {  	lr =	sadd.s32 s0, s3;
	s0 =	sld [smem:$0x3FA8]  }
0x30: {  	s3 =	sld [smem:$0x3FAB]  }
0x31: {  	[smem:$0x3FB4] =	sst s10  }
0x32: {  	s10 =	sld [smem:$0x3FB2];
	_ =	sdelay $0x3  }
0x33: {  	p0 =	seq.s32 s10, $0x1;
	s10 =	sld [smem:$0x3FB4];
	_ =	sdelay $0x3  }
0x34: {  	[smem:$0x3FB4] =	sst s10  }
0x35: {  	s10 =	sld [smem:$0x3FB3];
	_ =	sdelay $0x3  }
0x36: {  	p1 =	seq.s32 s10, $0x1;
	s10 =	sld [smem:$0x3FB4];
	_ =	sdelay $0x3  }
0x37: {  	[smem:$0x3FB4] =	sst s10  }
0x38: {  	s10 =	sld [smem:$0x3FB5]  }
0x39: {  	_ = 	snop;
	(pc) =	sbr.ind lr, $3  }
0x3a: {  	_ = 	snop  }
0x3b: {  	_ = 	snop  }
0x3c: {  	p2 =	seq.s32 s10, $0x1;
	s10 =	sld [smem:$0x3FB4]  }
0x3d: {  	_ =	shalt  }
0x3e: {  	_ =	shalt  }
0x3f: {  	_ =	shalt  }
0x40: {  	_ =	shalt  }
0x41: {  	_ =	shalt  }
0x42: {  	_ =	shalt  }
0x43: {  	_ =	shalt  }
0x44: {  	_ =	shalt  }
0x45: {  	_ =	shalt  }
0x46: {  	_ =	shalt  }
0x47: {  	_ =	shalt  }
0x48: {  	_ =	shalt  }
0x49: {  	_ =	shalt  }
0x4a: {  	_ =	shalt  }
0x4b: {  	_ =	shalt  }
0x4c: {  	_ =	shalt  }
0x4d: {  	_ =	shalt  }
0x4e: {  	_ =	shalt  }
0x4f: {  	_ =	shalt  }
0x50: {  	_ =	shalt  }
0x51: {  	_ =	shalt  }
0x52: {  	_ =	shalt  }
0x53: {  	_ =	shalt  }
0x54: {  	_ =	shalt  }
0x55: {  	_ =	shalt  }
0x56: {  	_ =	shalt  }
0x57: {  	_ =	shalt  }
0x58: {  	_ =	shalt  }
0x59: {  	_ =	shalt  }
0x5a: {  	_ =	shalt  }
0x5b: {  	_ =	shalt  }
0x5c: {  	_ =	shalt  }
0x5d: {  	_ =	shalt  }
0x5e: {  	_ =	shalt  }
0x5f: {  	_ =	shalt  }
0x60: {  	_ =	shalt  }
0x61: {  	_ =	shalt  }
0x62: {  	_ =	shalt  }
0x63: {  	_ =	shalt  }
0x64: {  	_ =	shalt  }
0x65: {  	_ =	shalt  }
0x66: {  	_ =	shalt  }
0x67: {  	_ =	shalt  }
0x68: {  	_ =	shalt  }
0x69: {  	_ =	shalt  }
0x6a: {  	_ =	shalt  }
0x6b: {  	_ =	shalt  }
0x6c: {  	_ =	shalt  }
0x6d: {  	_ =	shalt  }
0x6e: {  	_ =	shalt  }
0x6f: {  	_ =	shalt  }
0x70: {  	_ =	shalt  }
0x71: {  	_ =	shalt  }
0x72: {  	_ =	shalt  }
0x73: {  	_ =	shalt  }
0x74: {  	_ =	shalt  }
0x75: {  	_ =	shalt  }
0x76: {  	_ =	shalt  }
0x77: {  	_ =	shalt  }
0x78: {  	_ =	shalt  }
0x79: {  	_ =	shalt  }
0x7a: {  	_ =	shalt  }
0x7b: {  	_ =	shalt  }
0x7c: {  	_ =	shalt  }
0x7d: {  	_ =	shalt  }
0x7e: {  	_ =	shalt  }
0x7f: {  	_ =	shalt  }
0x80: {  	_ =	shalt  }
0x81: {  	_ =	shalt  }
0x82: {  	_ =	shalt  }
0x83: {  	_ =	shalt  }
0x84: {  	_ =	shalt  }
0x85: {  	_ =	shalt  }
0x86: {  	_ =	shalt  }
0x87: {  	_ =	shalt  }
.Lfunc_end0:
.L_simem_size_0:
called_computation.1_lowered:
.L_overlay_start_0:
0x88: {  	s2 =	sld [smem:$0x3FD9]  }
0x89: {  	s3 =	sld [smem:$0x3FFE];
	_ =	sdelay $0x1  }
0x8a: {  	s1 =	srdreg.scid  }
0x8b: {  	s0 =	sand.u32 $0x1, s1  }
0x8c: {  	s17 =	sshll.u32 s0, $0xA;
	s2 =	sadd.s32 s3, s2  }
0x8d: {  	s2 =	sadd.s32 s2, s17  }
0x8e: {  	[smem:$0x3FC0] =	sst s2  }
0x8f: {  	_ = 	snop  }
0x90: {  	s2 =	sld [smem:$0x3FD0];
	(tm) =	ssettm $0x1  }
0x91: {  	s18 =	sld [smem:$0x3FFB];
	_ =	sdelay $0x3  }
0x92: {  	_ =	strace s18  }
0x93: {  	s3 =	sld [smem:$0x3FFC];
	_ =	sdelay $0x3  }
0x94: {  	_ =	strace s3  }
0x95: {  	s3 =	sld [smem:$0x3FFD];
	_ =	sdelay $0x3  }
0x96: {  	_ =	strace s3  }
0x97: {  	_ =	strace $0x8FFFFFFF  }
0x98: {  	s19 =	sld [smem:$0x3FDB];
	_ =	sdelay $0x1  }
0x99: {  	s4 =	simm.s32 $_scs_section_size  }
0x9a: {  	s5 =	simm.s32 $_size__tile_overlayer_lowered;
	s6 =	simm.s32 $_tile_overlayer_lowered  }
0x9b: {  	s22 =	simm.s32 $0x1BFF;
	s21 =	sshll.u32 s6, $0x1;
	s3 =	sadd.s32 s4, s19  }
0x9c: {  	s7 =	simm.s32 $0x0;
	s20 =	sshll.u32 s5, $0x1;
	s5 =	sadd.s32 s21, s3  }
0x9d: {  	[timem:s7], [sflag:s22] =	dma.local [hbm:s5], s20  }
0x9e: {  	_ =	swait.ge [sflag:s22], s20  }
0x9f: {  	s4 =	ssub.s32 $0x0, s20;
	[sflag:s22] =	ssyncset.done $0x0  }
0xa0: {  	[sflag:s22] =	ssyncadd.s32 s4;
	_ =	sdelay $0x1  }
0xa1: {  	s23 =	simm.s32 $0x1B8B  }
0xa2: {  	_ =	swait.ge [sflag:s23], $0x1  }
0xa3: {  	[sflag:s23] =	ssyncset.done $0x0  }
0xa4: {  	s25 =	simm.s32 $0x1B8E;
	s24 =	sld [smem:$0x3FFE];
	[sflag:s23] =	ssyncadd.s32 $0xFFFFFFFF  }
0xa5: {  	s26 =	simm.s32 $execute0_lowered;
	[smem:$0x3FD2] =	sst s25  }
0xa6: {  	s5 =	sshll.u32 s26, $0x1;
	_ =	strace $0x80000049;
	[dreg:$0x1] =	wrdreg $0xFFFFFFFF  }
0xa7: {  	s28 =	simm.s32 $_size_execute0_lowered;
	s3 =	sadd.s32 s3, s5;
	[dreg:$0x0] =	wrdreg $0x0  }
0xa8: {  	s5 =	sshll.u32 s28, $0x1;
	[dreg:$0x2] =	wrdreg s3  }
0xa9: {  	[dreg:$0x3] =	wrdreg s5  }
0xaa: {  	[dreg:$0x4] =	wrdreg $0xC0  }
0xab: {  	_ =	task [dreg:s7], $0x5FFFF  }
0xac: {  	[dreg:$0x1] =	wrdreg $0xFFFFFFFF  }
0xad: {  	[dreg:$0x0] =	wrdreg $0x60  }
0xae: {  	[dreg:$0x2] =	wrdreg s2  }
0xaf: {  	[dreg:$0x3] =	wrdreg s24  }
0xb0: {  	[dreg:$0x4] =	wrdreg $0xEC400  }
0xb1: {  	[dreg:$0x5] =	wrdreg $0x9  }
0xb2: {  	_ =	task.clear_ibuf [dreg:s7], $0x6FFFF;
	_ =	strace $0x90000049  }
0xb3: {  	s29 =	simm.s32 $0x9;
	_ =	strace $0x8000004B  }
0xb4: {  	_ =	swait.ge [sflag:s29], $0x1  }
0xb5: {  	[sflag:s29] =	ssyncadd.s32 $0xFFFFFFFF  }
0xb6: {  	_ =	strace $0x9000004B  }
0xb7: {  	_ =	sfence  }
0xb8: {  	s30 =	sld [smem:$0x0];
	_ =	sdelay $0x2  }
0xb9: {  	s31 =	sshll.u32 s1, $0xD;
	s1 =	sshrl.u32 s1, $0x2  }
0xba: {  	s3 =	sand.u32 $0x4000, s31;
	s1 =	sadd.s32 s1, s30  }
0xbb: {  	s0 =	sor.u32 s3, s0;
	s1 =	sshll.u32 s1, $0x11  }
0xbc: {  	s0 =	sor.u32 s1, s0  }
0xbd: {  	s0 =	sadd.s32 $0x8F2B, s0  }
0xbe: {  	[sflag:s0] =	ssyncadd.remote.s32 $0x1  }
0xbf: {  	_ =	sfence.sel $0xFFFF  }
0xc0: {  	[dreg:$0x0] =	wrdreg $0xFFFFFFFF;
	(pc) =	sbr.abs _section_cstart, $3  }
0xc1: {  	[dreg:$0x1] =	wrdreg $0xFFFFFFFF  }
0xc2: {  	_ =	task.clear_ibuf [dreg:s7], $0x2FFFF;
	_ =	strace $0x9FFFFFFF  }
0xc3: {  	(tm) =	ssettm $0x7FFFFFFF  }
tec
execute0_lowered:
.L_overlay_start_1:
0x0: {  	(tag) =	ssettag $0x1  }
0x1: {  	s0 =	rddreg [dreg:$0x0]  }
0x2: {  	s1 =	srdreg.scid;
	s4 =	rddreg [dreg:$0x1]  }
0x3: {  	s3 =	stileid.u32;
	s2 =	rddreg [dreg:$0x2]  }
0x4: {  	s6 =	simm.s32 $0x0;
	s12 =	simm.s32 $0x7D;
	s13 =	simm.s32 $0x5000  }
0x5: {  	s15 =	simm.s32 $0x5FA0;
	s17 =	simm.s32 $0x6F40;
	s19 =	simm.s32 $0x7EE0  }
0x6: {  	s21 =	simm.s32 $0x8E80;
	s22 =	simm.s32 $0x1;
	s23 =	simm.s32 $0x9E20  }
0x7: {  	s28 =	simm.s32 $0xBD60;
	s29 =	simm.s32 $0x4;
	s30 =	simm.s32 $0xCD00  }
0x8: {  	s31 =	simm.s32 $0x5;
	s11 =	simm.s32 $0x6;
	s14 =	simm.s32 $0x8  }
0x9: {  	s16 =	simm.s32 $0xA;
	s1 =	sand.u32 $0x1, s1;
	s5 =	sshll.u32 s3, $0x1  }
0xa: {  	[smem:$0x7FF] =	sst s6;
	s8 =	sadd.s32 $0xC000, s4;
	p0 =	sne.s32 s3, $0x0  }
0xb: {  	s5 =	sor.u32 s1, s5;
	s24 =	smul.u32 $0x9C40, s1;
	s1 =	ssub.s32 $0x2, s1  }
0xc: {  	s6 =	simm.s32 $0xF;
	s5 =	smul.u32 $0x500, s5;
	s7 =	sshrl.u32 s1, $0x1  }
0xd: {  	_ =	strace $0x8000004A;
	[dreg:$0x4] =	wrdreg s8;
	s1 =	ssub.s32 s1, s7  }
0xe: {  	s7 =	sshrl.u32 @!p0 s2, $0x3;
	s5 =	sadd.s32 s5, s4;
	s4 =	sadd.s32 s24, s4  }
.Ltmp0:
0xf: {  	s1 =	smax.u32 s1, $0x1;
	[dreg:$0x9] =	wrdreg s7;
	(pc) =	sbr.rel .LBB2_1-.Ltmp0, $4  }
0x10: {  	s24 =	simm.s32 $0x2;
	s25 =	sadd.s32 $0x15E00, s5;
	[dreg:$0x8] =	wrdreg s1  }
0x11: {  	s5 =	sadd.s32 $0x2000, s5;
	s26 =	sadd.s32 $0x1FE00, s4;
	[dreg:$0x5] =	wrdreg s25  }
0x12: {  	s1 =	simm.s32 $0xDCA0;
	s4 =	simm.s32 $0x0;
	[dreg:$0x6] =	wrdreg s5  }
0x13: {  	[dreg:$0x7] =	wrdreg s26;
	s25 =	simm.s32 $0xADC0;
	s26 =	simm.s32 $0x3  }
.LBB2_4:
0x14: {  	s3 =	simm.s32 $0xB  }
0x15: {  	_ =	swait.ge [sflag:s3], $0xFA0  }
0x16: {  	[sflag:s3] =	ssyncset.done $0x0  }
0x17: {  	s18 =	simm.s32 $0xC;
	[sflag:s3] =	ssyncadd.s32 $0xFFFFF060  }
0x18: {  	_ =	swait.ge [sflag:s18], $0xFA0  }
0x19: {  	[sflag:s18] =	ssyncset.done $0x0  }
0x1a: {  	s20 =	simm.s32 $0xD;
	[sflag:s18] =	ssyncadd.s32 $0xFFFFF060  }
0x1b: {  	_ =	swait.ge [sflag:s20], $0xFA0  }
0x1c: {  	[sflag:s20] =	ssyncset.done $0x0  }
0x1d: {  	s5 =	simm.s32 $0xE;
	[sflag:s20] =	ssyncadd.s32 $0xFFFFF060  }
0x1e: {  	_ =	swait.ge [sflag:s5], $0xFA0  }
0x1f: {  	[sflag:s5] =	ssyncset.done $0x0  }
0x20: {  	[sflag:s5] =	ssyncadd.s32 $0xFFFFF060  }
0x21: {  	_ =	swait.ge [sflag:s6], $0xFA0  }
0x22: {  	[sflag:s6] =	ssyncset.done $0x0  }
0x23: {  	s7 =	simm.s32 $0x10;
	[sflag:s6] =	ssyncadd.s32 $0xFFFFF060  }
0x24: {  	_ =	swait.ge [sflag:s7], $0xFA0  }
0x25: {  	[sflag:s7] =	ssyncset.done $0x0  }
0x26: {  	s8 =	simm.s32 $0x11;
	[sflag:s7] =	ssyncadd.s32 $0xFFFFF060  }
0x27: {  	_ =	swait.ge [sflag:s8], $0xFA0  }
0x28: {  	[sflag:s8] =	ssyncset.done $0x0  }
0x29: {  	s9 =	simm.s32 $0x12;
	[sflag:s8] =	ssyncadd.s32 $0xFFFFF060  }
0x2a: {  	_ =	swait.ge [sflag:s9], $0xFA0  }
0x2b: {  	[sflag:s9] =	ssyncset.done $0x0  }
0x2c: {  	s10 =	simm.s32 $0x13;
	[sflag:s9] =	ssyncadd.s32 $0xFFFFF060  }
0x2d: {  	_ =	swait.ge [sflag:s10], $0xFA0  }
0x2e: {  	[sflag:s10] =	ssyncset.done $0x0  }
0x2f: {  	s18 =	simm.s32 $0x14;
	[sflag:s10] =	ssyncadd.s32 $0xFFFFF060  }
0x30: {  	_ =	swait.ge [sflag:s18], $0xFA0  }
0x31: {  	[sflag:s18] =	ssyncset.done $0x0  }
0x32: {  	[sflag:s18] =	ssyncadd.s32 $0xFFFFF060  }
0x33: {  	[bflag:$0x0] =	sbarrier.arrive $0xFFFF  }
0x34: {  	s5 =	rddreg [dreg:$0x7]  }
0x35: {  	s3 =	simm.s32 @!p0 $0x1C15;
	s7 =	rddreg [dreg:$0x9]  }
0x36: {  	[hbm:s5], [sflag:s3] =	dma.local @!p0 [spmem:s7], $0x9C40  }
0x37: {  	s3 =	simm.s32 @!p0 $0x15  }
0x38: {  	_ =	swait.ge @!p0 [sflag:s3], $0x9C40  }
0x39: {  	s4 =	sadd.s32 $0x1, s4;
	s20 =	rddreg [dreg:$0x8]  }
0x3a: {  	p1 =	sne.s32 s4, s20  }
.Ltmp1:
0x3b: {  	_ = 	snop;
	(pc) =	sbr.rel @!p1 .LBB2_5-.Ltmp1, $3  }
0x3c: {  	_ =	sdelay $0x1  }
0x3d: {  	[sflag:s3] =	ssyncset.done @!p0 $0x0  }
0x3e: {  	[sflag:s3] =	ssyncadd.s32 @!p0 $0xFFFF63C0  }
.LBB2_1:
0x3f: {  	s5 =	simm.s32 @!p0 $0x1C15;
	s3 =	rddreg [dreg:$0x4]  }
0x40: {  	[spmem:s7], [sflag:s5] =	dma.local @!p0 [hbm:s3], $0x9C40  }
0x41: {  	s5 =	simm.s32 @!p0 $0x15  }
0x42: {  	_ =	swait.ge @!p0 [sflag:s5], $0x9C40  }
0x43: {  	s9 =	simm.s32 $0x0;
	[sflag:s5] =	ssyncset.done @!p0 $0x0  }
0x44: {  	s18 =	simm.s32 $0x15;
	s10 =	rddreg [dreg:$0x5];
	[sflag:s5] =	ssyncadd.s32 @!p0 $0xFFFF63C0  }
0x45: {  	[tilespmem:s9], [sflag:$0x15] =	stream.linear.gather [hbm4b:s10+s9], $0x2800, $0x38;
	[tilespmem:$0x13A60] =	vst v63  }
0x46: {  	_ =	swait.ge [sflag:s18], $0x2800  }
0x47: {  	[sflag:s18] =	ssyncset.done $0x0  }
0x48: {  	s8 =	simm.s32 $0x2800;
	s20 =	rddreg [dreg:$0x6];
	[sflag:s18] =	ssyncadd.s32 $0xFFFFD800  }
0x49: {  	[tilespmem:s8], [sflag:$0x15] =	stream.linear.gather [hbm4b:s20+s9], $0x2800, $0x38;
	[tilespmem:$0x13A60] =	vst v63  }
0x4a: {  	_ =	swait.ge [sflag:s18], $0x2800  }
0x4b: {  	[sflag:s18] =	ssyncset.done $0x0  }
0x4c: {  	[sflag:s18] =	ssyncadd.s32 $0xFFFFD800  }
0x4d: {  	[bflag:$0x0] =	sbarrier.arrive $0xFFFF  }
0x4e: {  	[tilespmem:s13], [sflag:$0x1] =	stream.indirect.gather [hbm4b:s0+s12], $0x20, s9, s12, $0xb8;
	[tilespmem:$0x13A60] =	vst v63  }
0x4f: {  	s9 =	simm.s32 $0x80  }
0x50: {  	[tilespmem:s15], [sflag:$0x2] =	stream.indirect.gather [hbm4b:s0+s12], $0x20, s9, s12, $0xb8;
	[tilespmem:$0x13A60] =	vst v63  }
0x51: {  	s10 =	simm.s32 $0x100  }
0x52: {  	[tilespmem:s17], [sflag:$0x3] =	stream.indirect.gather [hbm4b:s0+s12], $0x20, s10, s12, $0xb8;
	[tilespmem:$0x13A60] =	vst v63  }
0x53: {  	s18 =	simm.s32 $0x180  }
0x54: {  	[tilespmem:s19], [sflag:$0x4] =	stream.indirect.gather [hbm4b:s0+s12], $0x20, s18, s12, $0xb8;
	[tilespmem:$0x13A60] =	vst v63  }
0x55: {  	s5 =	simm.s32 $0x0;
	s20 =	simm.s32 $0x200  }
0x56: {  	[tilespmem:s21], [sflag:$0x5] =	stream.indirect.gather [hbm4b:s0+s12], $0x20, s20, s12, $0xb8;
	[tilespmem:$0x13A60] =	vst v63  }
.LBB2_2:
0x57: {  	_ =	swait.ge [sflag:s22], $0xFA0  }
0x58: {  	s7 =	sshra.s32 s5, $0x2;
	[sflag:s22] =	ssyncset.done $0x0  }
0x59: {  	p1 =	seq.s32 s5, $0x0;
	s8 =	sadd.s32 $0x2800, s7;
	[sflag:s22] =	ssyncadd.s32 $0xFFFFF060  }
0x5a: {  	[spmem:s2] =	stream.indirect.scatter.add.f32 [tilespmem:s13], [sflag:$0xB], $0x20, s8, s12, $0xb8;
	[tilespmem:$0x13A60] =	vst v63  }
0x5b: {  	s8 =	simm.s32 @!p1 $0x10  }
0x5c: {  	_ =	swait.ge @!p1 [sflag:s8], $0xFA0  }
0x5d: {  	[sflag:s8] =	ssyncset.done @!p1 $0x0  }
0x5e: {  	s20 =	sadd.s32 $0x280, s7;
	[sflag:s8] =	ssyncadd.s32 @!p1 $0xFFFFF060  }
0x5f: {  	[tilespmem:s23], [sflag:$0x6] =	stream.indirect.gather [hbm4b:s0+s12], $0x20, s20, s12, $0xb8;
	[tilespmem:$0x13A60] =	vst v63  }
0x60: {  	_ =	swait.ge [sflag:s24], $0xFA0  }
0x61: {  	[sflag:s24] =	ssyncset.done $0x0  }
0x62: {  	s3 =	sadd.s32 $0x2880, s7;
	s8 =	simm.s32 @!p1 $0x11;
	[sflag:s24] =	ssyncadd.s32 $0xFFFFF060  }
0x63: {  	[spmem:s2] =	stream.indirect.scatter.add.f32 [tilespmem:s15], [sflag:$0xC], $0x20, s3, s12, $0xb8;
	[tilespmem:$0x13A60] =	vst v63  }
0x64: {  	_ =	swait.ge @!p1 [sflag:s8], $0xFA0  }
0x65: {  	[sflag:s8] =	ssyncset.done @!p1 $0x0  }
0x66: {  	s9 =	sadd.s32 $0x300, s7;
	[sflag:s8] =	ssyncadd.s32 @!p1 $0xFFFFF060  }
0x67: {  	[tilespmem:s25], [sflag:$0x7] =	stream.indirect.gather [hbm4b:s0+s12], $0x20, s9, s12, $0xb8;
	[tilespmem:$0x13A60] =	vst v63  }
0x68: {  	_ =	swait.ge [sflag:s26], $0xFA0  }
0x69: {  	[sflag:s26] =	ssyncset.done $0x0  }
0x6a: {  	s10 =	sadd.s32 $0x2900, s7;
	s8 =	simm.s32 @!p1 $0x12;
	[sflag:s26] =	ssyncadd.s32 $0xFFFFF060  }
0x6b: {  	[spmem:s2] =	stream.indirect.scatter.add.f32 [tilespmem:s17], [sflag:$0xD], $0x20, s10, s12, $0xb8;
	[tilespmem:$0x13A60] =	vst v63  }
0x6c: {  	_ =	swait.ge @!p1 [sflag:s8], $0xFA0  }
0x6d: {  	[sflag:s8] =	ssyncset.done @!p1 $0x0  }
0x6e: {  	s18 =	sadd.s32 $0x380, s7;
	[sflag:s8] =	ssyncadd.s32 @!p1 $0xFFFFF060  }
0x6f: {  	[tilespmem:s28], [sflag:$0x8] =	stream.indirect.gather [hbm4b:s0+s12], $0x20, s18, s12, $0xb8;
	[tilespmem:$0x13A60] =	vst v63  }
0x70: {  	_ =	swait.ge [sflag:s29], $0xFA0  }
0x71: {  	[sflag:s29] =	ssyncset.done $0x0  }
0x72: {  	s20 =	sadd.s32 $0x2980, s7;
	s8 =	simm.s32 @!p1 $0x13;
	[sflag:s29] =	ssyncadd.s32 $0xFFFFF060  }
0x73: {  	[spmem:s2] =	stream.indirect.scatter.add.f32 [tilespmem:s19], [sflag:$0xE], $0x20, s20, s12, $0xb8;
	[tilespmem:$0x13A60] =	vst v63  }
0x74: {  	_ =	swait.ge @!p1 [sflag:s8], $0xFA0  }
0x75: {  	[sflag:s8] =	ssyncset.done @!p1 $0x0  }
0x76: {  	s3 =	sadd.s32 $0x400, s7;
	[sflag:s8] =	ssyncadd.s32 @!p1 $0xFFFFF060  }
0x77: {  	[tilespmem:s30], [sflag:$0x9] =	stream.indirect.gather [hbm4b:s0+s12], $0x20, s3, s12, $0xb8;
	[tilespmem:$0x13A60] =	vst v63  }
0x78: {  	_ =	swait.ge [sflag:s31], $0xFA0  }
0x79: {  	[sflag:s31] =	ssyncset.done $0x0  }
0x7a: {  	s9 =	sadd.s32 $0x2A00, s7;
	s8 =	simm.s32 @!p1 $0x14;
	[sflag:s31] =	ssyncadd.s32 $0xFFFFF060  }
0x7b: {  	[spmem:s2] =	stream.indirect.scatter.add.f32 [tilespmem:s21], [sflag:$0xF], $0x20, s9, s12, $0xb8;
	[tilespmem:$0x13A60] =	vst v63  }
0x7c: {  	_ =	swait.ge @!p1 [sflag:s8], $0xFA0  }
0x7d: {  	[sflag:s8] =	ssyncset.done @!p1 $0x0  }
0x7e: {  	s10 =	sadd.s32 $0x480, s7;
	[sflag:s8] =	ssyncadd.s32 @!p1 $0xFFFFF060  }
0x7f: {  	[tilespmem:s1], [sflag:$0xA] =	stream.indirect.gather [hbm4b:s0+s12], $0x20, s10, s12, $0xb8;
	[tilespmem:$0x13A60] =	vst v63  }
0x80: {  	_ =	swait.ge [sflag:s11], $0xFA0  }
0x81: {  	p1 =	seq.s32 s5, $0x8C00;
	[sflag:s11] =	ssyncset.done $0x0  }
0x82: {  	s18 =	sadd.s32 $0x2A80, s7;
	s8 =	simm.s32 @p1 $0x7;
	[sflag:s11] =	ssyncadd.s32 $0xFFFFF060  }
0x83: {  	[spmem:s2] =	stream.indirect.scatter.add.f32 [tilespmem:s23], [sflag:$0x10], $0x20, s18, s12, $0xb8;
	[tilespmem:$0x13A60] =	vst v63  }
0x84: {  	_ =	swait.ge @p1 [sflag:s8], $0xFA0  }
0x85: {  	[sflag:s8] =	ssyncset.done @p1 $0x0  }
0x86: {  	[sflag:s8] =	ssyncadd.s32 @p1 $0xFFFFF060;
	s8 =	sshra.s32 @p1 s5, $0x2  }
0x87: {  	s20 =	simm.s32 @p1 $0xADC0;
	s18 =	simm.s32 @p1 $0x7D;
	s3 =	sadd.s32 @p1 $0x2B00, s8  }
0x88: {  	[spmem:s2] =	stream.indirect.scatter.add.f32 @p1 [tilespmem:s20], [sflag:$0x11], $0x20, s3, s18, $0xb8;
	[tilespmem:$0x13A60] =	vst v63  }
0x89: {  	s3 =	simm.s32 @!p1 $0xB  }
0x8a: {  	_ =	swait.ge @!p1 [sflag:s3], $0xFA0  }
0x8b: {  	[sflag:s3] =	ssyncset.done @!p1 $0x0  }
0x8c: {  	[sflag:s3] =	ssyncadd.s32 @!p1 $0xFFFFF060;
	s3 =	sshra.s32 @!p1 s5, $0x2  }
0x8d: {  	s9 =	simm.s32 @!p1 $0x7D;
	s10 =	simm.s32 @!p1 $0x5000;
	s20 =	sadd.s32 @!p1 $0x500, s3  }
0x8e: {  	[tilespmem:s10], [sflag:$0x1] =	stream.indirect.gather @!p1 [hbm4b:s0+s9], $0x20, s20, s9, $0xb8;
	[tilespmem:$0x13A60] =	vst v63  }
0x8f: {  	s10 =	simm.s32 @!p1 $0x7  }
0x90: {  	_ =	swait.ge @!p1 [sflag:s10], $0xFA0  }
0x91: {  	[sflag:s10] =	ssyncset.done @!p1 $0x0  }
0x92: {  	s20 =	simm.s32 @!p1 $0xADC0;
	[sflag:s10] =	ssyncadd.s32 @!p1 $0xFFFFF060;
	s10 =	sadd.s32 @!p1 $0x2B00, s3  }
0x93: {  	[spmem:s2] =	stream.indirect.scatter.add.f32 @!p1 [tilespmem:s20], [sflag:$0x11], $0x20, s10, s9, $0xb8;
	[tilespmem:$0x13A60] =	vst v63  }
0x94: {  	s10 =	simm.s32 @!p1 $0xC  }
0x95: {  	_ =	swait.ge @!p1 [sflag:s10], $0xFA0  }
0x96: {  	[sflag:s10] =	ssyncset.done @!p1 $0x0  }
0x97: {  	s20 =	simm.s32 @!p1 $0x5FA0;
	[sflag:s10] =	ssyncadd.s32 @!p1 $0xFFFFF060;
	s10 =	sadd.s32 @!p1 $0x580, s3  }
0x98: {  	[tilespmem:s20], [sflag:$0x2] =	stream.indirect.gather @!p1 [hbm4b:s0+s9], $0x20, s10, s9, $0xb8;
	[tilespmem:$0x13A60] =	vst v63  }
0x99: {  	_ =	swait.ge [sflag:s14], $0xFA0  }
0x9a: {  	[sflag:s14] =	ssyncset.done $0x0  }
0x9b: {  	s20 =	sadd.s32 $0x2B80, s7;
	s10 =	simm.s32 @p1 $0x9;
	[sflag:s14] =	ssyncadd.s32 $0xFFFFF060  }
0x9c: {  	[spmem:s2] =	stream.indirect.scatter.add.f32 [tilespmem:s28], [sflag:$0x12], $0x20, s20, s12, $0xb8;
	[tilespmem:$0x13A60] =	vst v63  }
0x9d: {  	_ =	swait.ge @p1 [sflag:s10], $0xFA0  }
0x9e: {  	[sflag:s10] =	ssyncset.done @p1 $0x0  }
0x9f: {  	s8 =	sadd.s32 @p1 $0x2C00, s8;
	[sflag:s10] =	ssyncadd.s32 @p1 $0xFFFFF060;
	s10 =	simm.s32 @p1 $0xCD00  }
0xa0: {  	[spmem:s2] =	stream.indirect.scatter.add.f32 @p1 [tilespmem:s10], [sflag:$0x13], $0x20, s8, s18, $0xb8;
	[tilespmem:$0x13A60] =	vst v63  }
0xa1: {  	s8 =	simm.s32 @!p1 $0xD  }
0xa2: {  	_ =	swait.ge @!p1 [sflag:s8], $0xFA0  }
0xa3: {  	[sflag:s8] =	ssyncset.done @!p1 $0x0  }
0xa4: {  	s10 =	simm.s32 @!p1 $0x6F40;
	[sflag:s8] =	ssyncadd.s32 @!p1 $0xFFFFF060;
	s8 =	sadd.s32 @!p1 $0x600, s3  }
0xa5: {  	[tilespmem:s10], [sflag:$0x3] =	stream.indirect.gather @!p1 [hbm4b:s0+s9], $0x20, s8, s9, $0xb8;
	[tilespmem:$0x13A60] =	vst v63  }
0xa6: {  	s8 =	simm.s32 @!p1 $0x9  }
0xa7: {  	_ =	swait.ge @!p1 [sflag:s8], $0xFA0  }
0xa8: {  	[sflag:s8] =	ssyncset.done @!p1 $0x0  }
0xa9: {  	s10 =	simm.s32 @!p1 $0xCD00;
	[sflag:s8] =	ssyncadd.s32 @!p1 $0xFFFFF060;
	s8 =	sadd.s32 @!p1 $0x2C00, s3  }
0xaa: {  	[spmem:s2] =	stream.indirect.scatter.add.f32 @!p1 [tilespmem:s10], [sflag:$0x13], $0x20, s8, s9, $0xb8;
	[tilespmem:$0x13A60] =	vst v63  }
0xab: {  	s8 =	simm.s32 @!p1 $0xE  }
0xac: {  	_ =	swait.ge @!p1 [sflag:s8], $0xFA0  }
0xad: {  	[sflag:s8] =	ssyncset.done @!p1 $0x0  }
0xae: {  	s3 =	sadd.s32 @!p1 $0x680, s3;
	[sflag:s8] =	ssyncadd.s32 @!p1 $0xFFFFF060;
	s8 =	simm.s32 @!p1 $0x7EE0  }
0xaf: {  	[tilespmem:s8], [sflag:$0x4] =	stream.indirect.gather @!p1 [hbm4b:s0+s9], $0x20, s3, s9, $0xb8;
	[tilespmem:$0x13A60] =	vst v63  }
.Ltmp2:
0xb0: {  	_ = 	snop;
	(pc) =	sbr.rel @p1 .LBB2_4-.Ltmp2, $4  }
0xb1: {  	_ =	swait.ge [sflag:s16], $0xFA0  }
0xb2: {  	[sflag:s16] =	ssyncset.done $0x0  }
0xb3: {  	s20 =	sadd.s32 $0x2C80, s7;
	[sflag:s16] =	ssyncadd.s32 $0xFFFFF060  }
0xb4: {  	[spmem:s2] =	stream.indirect.scatter.add.f32 [tilespmem:s1], [sflag:$0x14], $0x20, s20, s12, $0xb8;
	[tilespmem:$0x13A60] =	vst v63  }
.Ltmp3:
0xb5: {  	(pc) =	sbr.rel .LBB2_2-.Ltmp3, $4  }
0xb6: {  	_ =	swait.ge [sflag:s6], $0xFA0  }
0xb7: {  	[sflag:s6] =	ssyncset.done $0x0  }
0xb8: {  	s3 =	sadd.s32 $0x700, s7;
	s5 =	sadd.s32 $0x1400, s5;
	[sflag:s6] =	ssyncadd.s32 $0xFFFFF060  }
0xb9: {  	[tilespmem:s21], [sflag:$0x5] =	stream.indirect.gather [hbm4b:s0+s12], $0x20, s3, s12, $0xb8;
	[tilespmem:$0x13A60] =	vst v63  }
.LBB2_5:
0xba: {  	_ =	sfence.sel $0x180000  }
0xbb: {  	[bflag:$0x0] =	sbarrier.arrive $0xFFFF  }
0xbc: {  	_ =	strace $0x9000004A  }
0xbd: {  	[bflag:$0x2] =	sbarrier.arrive $0xFFFF  }
0xbe: {  	s0 =	rddreg [dreg:$0x3]  }
0xbf: {  	s0 =	sadd.s32 @!p0 $0x100000, s0  }
0xc0: {  	[sflag:s0] =	ssyncadd.tile.s32 @!p0 $0x1;
	_ =	shalt  }
.Lfunc_end2:
_tile_overlayer_lowered:
.L_overlay_start_2:
0xc1: {  	(tag) =	ssettag $0x2  }
0xc2: {  	s0 =	rddreg [dreg:$0x0];
	s2 =	stileid.u32  }
0xc3: {  	s1 =	rddreg [dreg:$0x1];
	p0 =	sne.s32 s2, $0x0  }
0xc4: {  	s3 =	rddreg [dreg:$0x2];
	[bflag:$0x3] =	sbarrier.arrive $0xFFFF;
	s2 =	simm.s32 @!p0 $0x1C15  }
0xc5: {  	[timem:s3], [sflag:s2] =	dma.local @!p0 [hbm:s0], s1  }
0xc6: {  	s0 =	simm.s32 @!p0 $0x15  }
0xc7: {  	_ =	swait.ge @!p0 [sflag:s0], s1  }
0xc8: {  	s1 =	ssub.s32 @!p0 $0x0, s1;
	[sflag:s0] =	ssyncset.done @!p0 $0x0  }
0xc9: {  	[sflag:s0] =	ssyncadd.s32 @!p0 s1  }
0xca: {  	[bflag:$0x3] =	sbarrier.arrive $0xFFFF  }
0xcb: {  	_ =	shalt  }

// kernel: kernel.14.cloned.1.call-start
scs
__scs_entry_jumppad:
0x0: {  	(pc) =	sbr.rel $0x88, $3  }
0x1: {  	(tag) =	ssettag $0x0;
	lr =	simm.s32 $0x1  }
0x2: {  	[smem:$0x3F99] =	sst lr;
	_ =	strace $0xD0000000  }
0x3: {  	_ = 	snop  }
0x4: {  	_ = 	snop  }
0x5: {  	_ = 	snop  }
0x6: {  	_ = 	snop  }
0x7: {  	_ = 	snop  }
__scs_overlays_trampoline_lowered:
0x8: {  	[smem:$0x3FA8] =	sst s0  }
0x9: {  	[smem:$0x3FA9] =	sst s1  }
0xa: {  	[smem:$0x3FAA] =	sst s2  }
0xb: {  	[smem:$0x3FAB] =	sst s3  }
0xc: {  	[smem:$0x3FAC] =	sst s4  }
0xd: {  	[smem:$0x3FAD] =	sst s5  }
0xe: {  	[smem:$0x3FAE] =	sst s6  }
0xf: {  	[smem:$0x3FAF] =	sst s7  }
0x10: {  	[smem:$0x3FB0] =	sst s8  }
0x11: {  	[smem:$0x3FB1] =	sst s9;
	s0 =	simm.s32 @!p0 $0x0  }
0x12: {  	s1 =	sld [smem:$0x3F97];
	s0 =	simm.s32 @p0 $0x1  }
0x13: {  	[smem:$0x3FB2] =	sst s0;
	s0 =	simm.s32 @!p1 $0x0  }
0x14: {  	s2 =	sld [smem:$0x3F96];
	s0 =	simm.s32 @p1 $0x1  }
0x15: {  	[smem:$0x3FB3] =	sst s0;
	s0 =	simm.s32 @!p2 $0x0  }
0x16: {  	s3 =	sld [smem:$0x3FDB];
	s0 =	simm.s32 @p2 $0x1  }
0x17: {  	s4 =	simm.s32 $0x1BF5;
	[smem:$0x3FB5] =	sst s0  }
0x18: {  	s0 =	sld [smem:$0x3F98];
	_ =	swait.ge [sflag:s4], $0x0  }
0x19: {  	s7 =	sld [smem:$0x3F99]  }
0x1a: {  	s8 =	sadd.s32 $0xFFFFE003, lr  }
0x1b: {  	s9 =	sadd.s32 $0xFFFFFEF7, lr;
	s5 =	simm.s32 $0xFFFFFFFF;
	p2 =	slt.u32 s8, $0xFFFFF086  }
0x1c: {  	p1 =	slt.u32 s9, $0xF7A;
	s5 =	simm.s32 @!p2 $0x0  }
0x1d: {  	s5 =	simm.s32 @p1 $0x1;
	p0 =	seq.s32 s7, s2  }
0x1e: {  	s7 =	smul.u32 @!p0 $0xF7A, s2;
	p2 =	seq.s32 @!p0 s5, $0x0  }
0x1f: {  	s9 =	smul.u32 $0xF7A, s1;
	s8 =	simm.s32 @!p0 $0x1BF5;
	p2 =	por !p2, p0  }
0x20: {  	[sflag:s8] =	ssyncset.s32 @!p0 $0xFFFFF086;
	s6 =	sadd.s32 @!p0 s3, s7;
	s7 =	simm.s32 @!p0 $0x108  }
0x21: {  	s3 =	sadd.s32 s3, s9;
	s6 =	sadd.s32 @!p0 $0x88, s6;
	s7 =	simm.s32 @p2 $0x1082  }
0x22: {  	[simem:s7], [sflag:s8] =	dma.local @!p0 [hbm:s6], $0xF7A  }
0x23: {  	s9 =	sor.u32 $0xD0000000, s2;
	s6 =	simm.s32 $0x108;
	_ =	swait.ge @!p0 [sflag:s8], $0x0  }
0x24: {  	s3 =	sadd.s32 $0x88, s3;
	s6 =	simm.s32 @!p1 $0x1082;
	[sflag:s4] =	ssyncset.s32 $0xFFFFF086  }
0x25: {  	[simem:s6], [sflag:s4] =	dma.local [hbm:s3], $0xF7A  }
0x26: {  	[smem:$0x3F99] =	sst s1;
	(tag) =	ssettag s2;
	_ =	strace s9  }
0x27: {  	s1 =	sld [smem:$0x3FA9]  }
0x28: {  	s2 =	sld [smem:$0x3FAA]  }
0x29: {  	s4 =	sld [smem:$0x3FAC]  }
0x2a: {  	p0 =	seq.s32 s5, $0x0;
	s5 =	sld [smem:$0x3FAD]  }
0x2b: {  	s6 =	sld [smem:$0x3FAE]  }
0x2c: {  	s7 =	sld [smem:$0x3FAF]  }
0x2d: {  	s3 =	simm.s32 $0x108;
	s8 =	sld [smem:$0x3FB0]  }
0x2e: {  	s3 =	simm.s32 @!p0 $0x1082;
	s9 =	sld [smem:$0x3FB1]  }
0x2f: {  	lr =	sadd.s32 s0, s3;
	s0 =	sld [smem:$0x3FA8]  }
0x30: {  	s3 =	sld [smem:$0x3FAB]  }
0x31: {  	[smem:$0x3FB4] =	sst s10  }
0x32: {  	s10 =	sld [smem:$0x3FB2];
	_ =	sdelay $0x3  }
0x33: {  	p0 =	seq.s32 s10, $0x1;
	s10 =	sld [smem:$0x3FB4];
	_ =	sdelay $0x3  }
0x34: {  	[smem:$0x3FB4] =	sst s10  }
0x35: {  	s10 =	sld [smem:$0x3FB3];
	_ =	sdelay $0x3  }
0x36: {  	p1 =	seq.s32 s10, $0x1;
	s10 =	sld [smem:$0x3FB4];
	_ =	sdelay $0x3  }
0x37: {  	[smem:$0x3FB4] =	sst s10  }
0x38: {  	s10 =	sld [smem:$0x3FB5]  }
0x39: {  	_ = 	snop;
	(pc) =	sbr.ind lr, $3  }
0x3a: {  	_ = 	snop  }
0x3b: {  	_ = 	snop  }
0x3c: {  	p2 =	seq.s32 s10, $0x1;
	s10 =	sld [smem:$0x3FB4]  }
0x3d: {  	_ =	shalt  }
0x3e: {  	_ =	shalt  }
0x3f: {  	_ =	shalt  }
0x40: {  	_ =	shalt  }
0x41: {  	_ =	shalt  }
0x42: {  	_ =	shalt  }
0x43: {  	_ =	shalt  }
0x44: {  	_ =	shalt  }
0x45: {  	_ =	shalt  }
0x46: {  	_ =	shalt  }
0x47: {  	_ =	shalt  }
0x48: {  	_ =	shalt  }
0x49: {  	_ =	shalt  }
0x4a: {  	_ =	shalt  }
0x4b: {  	_ =	shalt  }
0x4c: {  	_ =	shalt  }
0x4d: {  	_ =	shalt  }
0x4e: {  	_ =	shalt  }
0x4f: {  	_ =	shalt  }
0x50: {  	_ =	shalt  }
0x51: {  	_ =	shalt  }
0x52: {  	_ =	shalt  }
0x53: {  	_ =	shalt  }
0x54: {  	_ =	shalt  }
0x55: {  	_ =	shalt  }
0x56: {  	_ =	shalt  }
0x57: {  	_ =	shalt  }
0x58: {  	_ =	shalt  }
0x59: {  	_ =	shalt  }
0x5a: {  	_ =	shalt  }
0x5b: {  	_ =	shalt  }
0x5c: {  	_ =	shalt  }
0x5d: {  	_ =	shalt  }
0x5e: {  	_ =	shalt  }
0x5f: {  	_ =	shalt  }
0x60: {  	_ =	shalt  }
0x61: {  	_ =	shalt  }
0x62: {  	_ =	shalt  }
0x63: {  	_ =	shalt  }
0x64: {  	_ =	shalt  }
0x65: {  	_ =	shalt  }
0x66: {  	_ =	shalt  }
0x67: {  	_ =	shalt  }
0x68: {  	_ =	shalt  }
0x69: {  	_ =	shalt  }
0x6a: {  	_ =	shalt  }
0x6b: {  	_ =	shalt  }
0x6c: {  	_ =	shalt  }
0x6d: {  	_ =	shalt  }
0x6e: {  	_ =	shalt  }
0x6f: {  	_ =	shalt  }
0x70: {  	_ =	shalt  }
0x71: {  	_ =	shalt  }
0x72: {  	_ =	shalt  }
0x73: {  	_ =	shalt  }
0x74: {  	_ =	shalt  }
0x75: {  	_ =	shalt  }
0x76: {  	_ =	shalt  }
0x77: {  	_ =	shalt  }
0x78: {  	_ =	shalt  }
0x79: {  	_ =	shalt  }
0x7a: {  	_ =	shalt  }
0x7b: {  	_ =	shalt  }
0x7c: {  	_ =	shalt  }
0x7d: {  	_ =	shalt  }
0x7e: {  	_ =	shalt  }
0x7f: {  	_ =	shalt  }
0x80: {  	_ =	shalt  }
0x81: {  	_ =	shalt  }
0x82: {  	_ =	shalt  }
0x83: {  	_ =	shalt  }
0x84: {  	_ =	shalt  }
0x85: {  	_ =	shalt  }
0x86: {  	_ =	shalt  }
0x87: {  	_ =	shalt  }
.Lfunc_end0:
.L_simem_size_0:
called_computation.2_lowered:
.L_overlay_start_0:
0x88: {  	s2 =	sld [smem:$0x3FD9]  }
0x89: {  	s3 =	sld [smem:$0x3FFE];
	_ =	sdelay $0x1  }
0x8a: {  	s1 =	srdreg.scid  }
0x8b: {  	s0 =	sand.u32 $0x1, s1  }
0x8c: {  	s17 =	sshll.u32 s0, $0xA;
	s2 =	sadd.s32 s3, s2  }
0x8d: {  	s2 =	sadd.s32 s2, s17  }
0x8e: {  	[smem:$0x3FC0] =	sst s2  }
0x8f: {  	_ = 	snop  }
0x90: {  	s2 =	sld [smem:$0x3FD0];
	(tm) =	ssettm $0x1  }
0x91: {  	s18 =	sld [smem:$0x3FFB];
	_ =	sdelay $0x3  }
0x92: {  	_ =	strace s18  }
0x93: {  	s3 =	sld [smem:$0x3FFC];
	_ =	sdelay $0x3  }
0x94: {  	_ =	strace s3  }
0x95: {  	s3 =	sld [smem:$0x3FFD];
	_ =	sdelay $0x3  }
0x96: {  	_ =	strace s3  }
0x97: {  	_ =	strace $0x8FFFFFFF  }
0x98: {  	s19 =	sld [smem:$0x3FDB];
	_ =	sdelay $0x1  }
0x99: {  	s4 =	simm.s32 $_scs_section_size  }
0x9a: {  	s5 =	simm.s32 $_size__tile_overlayer_lowered;
	s6 =	simm.s32 $_tile_overlayer_lowered  }
0x9b: {  	s22 =	simm.s32 $0x1BFF;
	s21 =	sshll.u32 s6, $0x1;
	s3 =	sadd.s32 s4, s19  }
0x9c: {  	s7 =	simm.s32 $0x0;
	s20 =	sshll.u32 s5, $0x1;
	s5 =	sadd.s32 s21, s3  }
0x9d: {  	[timem:s7], [sflag:s22] =	dma.local [hbm:s5], s20  }
0x9e: {  	_ =	swait.ge [sflag:s22], s20  }
0x9f: {  	s4 =	ssub.s32 $0x0, s20;
	[sflag:s22] =	ssyncset.done $0x0  }
0xa0: {  	[sflag:s22] =	ssyncadd.s32 s4;
	_ =	sdelay $0x1  }
0xa1: {  	s23 =	simm.s32 $0x1B8B  }
0xa2: {  	_ =	swait.ge [sflag:s23], $0x1  }
0xa3: {  	[sflag:s23] =	ssyncset.done $0x0  }
0xa4: {  	s25 =	simm.s32 $0x1B8E;
	s24 =	sld [smem:$0x3FFE];
	[sflag:s23] =	ssyncadd.s32 $0xFFFFFFFF  }
0xa5: {  	s26 =	simm.s32 $execute0_lowered;
	[smem:$0x3FD2] =	sst s25  }
0xa6: {  	s5 =	sshll.u32 s26, $0x1;
	_ =	strace $0x8000004C;
	[dreg:$0x1] =	wrdreg $0xFFFFFFFF  }
0xa7: {  	s28 =	simm.s32 $_size_execute0_lowered;
	s3 =	sadd.s32 s3, s5;
	[dreg:$0x0] =	wrdreg $0x0  }
0xa8: {  	s5 =	sshll.u32 s28, $0x1;
	[dreg:$0x2] =	wrdreg s3  }
0xa9: {  	[dreg:$0x3] =	wrdreg s5  }
0xaa: {  	[dreg:$0x4] =	wrdreg $0xC0  }
0xab: {  	_ =	task [dreg:s7], $0x5FFFF  }
0xac: {  	[dreg:$0x1] =	wrdreg $0xFFFFFFFF  }
0xad: {  	[dreg:$0x0] =	wrdreg $0x60  }
0xae: {  	[dreg:$0x2] =	wrdreg s2  }
0xaf: {  	[dreg:$0x3] =	wrdreg s24  }
0xb0: {  	[dreg:$0x4] =	wrdreg $0xEC400  }
0xb1: {  	[dreg:$0x5] =	wrdreg $0x9  }
0xb2: {  	_ =	task.clear_ibuf [dreg:s7], $0x6FFFF;
	_ =	strace $0x9000004C  }
0xb3: {  	s29 =	simm.s32 $0x9;
	_ =	strace $0x8000004E  }
0xb4: {  	_ =	swait.ge [sflag:s29], $0x1  }
0xb5: {  	[sflag:s29] =	ssyncadd.s32 $0xFFFFFFFF  }
0xb6: {  	_ =	strace $0x9000004E  }
0xb7: {  	_ =	sfence  }
0xb8: {  	s30 =	sld [smem:$0x0];
	_ =	sdelay $0x2  }
0xb9: {  	s31 =	sshll.u32 s1, $0xD;
	s1 =	sshrl.u32 s1, $0x2  }
0xba: {  	s3 =	sand.u32 $0x4000, s31;
	s1 =	sadd.s32 s1, s30  }
0xbb: {  	s0 =	sor.u32 s3, s0;
	s1 =	sshll.u32 s1, $0x11  }
0xbc: {  	s0 =	sor.u32 s1, s0  }
0xbd: {  	s0 =	sadd.s32 $0x8F2B, s0  }
0xbe: {  	[sflag:s0] =	ssyncadd.remote.s32 $0x1  }
0xbf: {  	_ =	sfence.sel $0xFFFF  }
0xc0: {  	[dreg:$0x0] =	wrdreg $0xFFFFFFFF;
	(pc) =	sbr.abs _section_cstart, $3  }
0xc1: {  	[dreg:$0x1] =	wrdreg $0xFFFFFFFF  }
0xc2: {  	_ =	task.clear_ibuf [dreg:s7], $0x2FFFF;
	_ =	strace $0x9FFFFFFF  }
0xc3: {  	(tm) =	ssettm $0x7FFFFFFF  }
tec
execute0_lowered:
.L_overlay_start_1:
0x0: {  	(tag) =	ssettag $0x1  }
0x1: {  	s0 =	rddreg [dreg:$0x0]  }
0x2: {  	s1 =	srdreg.scid;
	s4 =	rddreg [dreg:$0x1]  }
0x3: {  	s3 =	stileid.u32;
	s2 =	rddreg [dreg:$0x2]  }
0x4: {  	s6 =	simm.s32 $0x0;
	s12 =	simm.s32 $0x7D;
	s13 =	simm.s32 $0x5000  }
0x5: {  	s15 =	simm.s32 $0x5FA0;
	s17 =	simm.s32 $0x6F40;
	s19 =	simm.s32 $0x7EE0  }
0x6: {  	s21 =	simm.s32 $0x8E80;
	s22 =	simm.s32 $0x1;
	s23 =	simm.s32 $0x9E20  }
0x7: {  	s28 =	simm.s32 $0xBD60;
	s29 =	simm.s32 $0x4;
	s30 =	simm.s32 $0xCD00  }
0x8: {  	s31 =	simm.s32 $0x5;
	s11 =	simm.s32 $0x6;
	s14 =	simm.s32 $0x8  }
0x9: {  	s16 =	simm.s32 $0xA;
	s1 =	sand.u32 $0x1, s1;
	s5 =	sshll.u32 s3, $0x1  }
0xa: {  	[smem:$0x7FF] =	sst s6;
	s8 =	sadd.s32 $0xC000, s4;
	p0 =	sne.s32 s3, $0x0  }
0xb: {  	s5 =	sor.u32 s1, s5;
	s24 =	smul.u32 $0x9C40, s1;
	s1 =	ssub.s32 $0x2, s1  }
0xc: {  	s6 =	simm.s32 $0xF;
	s5 =	smul.u32 $0x500, s5;
	s7 =	sshrl.u32 s1, $0x1  }
0xd: {  	_ =	strace $0x8000004D;
	[dreg:$0x4] =	wrdreg s8;
	s1 =	ssub.s32 s1, s7  }
0xe: {  	s7 =	sshrl.u32 @!p0 s2, $0x3;
	s5 =	sadd.s32 s5, s4;
	s4 =	sadd.s32 s24, s4  }
.Ltmp0:
0xf: {  	s1 =	smax.u32 s1, $0x1;
	[dreg:$0x9] =	wrdreg s7;
	(pc) =	sbr.rel .LBB2_1-.Ltmp0, $4  }
0x10: {  	s24 =	simm.s32 $0x2;
	s25 =	sadd.s32 $0x33800, s5;
	[dreg:$0x8] =	wrdreg s1  }
0x11: {  	s5 =	sadd.s32 $0x2000, s5;
	s26 =	sadd.s32 $0x15E00, s4;
	[dreg:$0x5] =	wrdreg s25  }
0x12: {  	s1 =	simm.s32 $0xDCA0;
	s4 =	simm.s32 $0x0;
	[dreg:$0x6] =	wrdreg s5  }
0x13: {  	[dreg:$0x7] =	wrdreg s26;
	s25 =	simm.s32 $0xADC0;
	s26 =	simm.s32 $0x3  }
.LBB2_4:
0x14: {  	s3 =	simm.s32 $0xB  }
0x15: {  	_ =	swait.ge [sflag:s3], $0xFA0  }
0x16: {  	[sflag:s3] =	ssyncset.done $0x0  }
0x17: {  	s18 =	simm.s32 $0xC;
	[sflag:s3] =	ssyncadd.s32 $0xFFFFF060  }
0x18: {  	_ =	swait.ge [sflag:s18], $0xFA0  }
0x19: {  	[sflag:s18] =	ssyncset.done $0x0  }
0x1a: {  	s20 =	simm.s32 $0xD;
	[sflag:s18] =	ssyncadd.s32 $0xFFFFF060  }
0x1b: {  	_ =	swait.ge [sflag:s20], $0xFA0  }
0x1c: {  	[sflag:s20] =	ssyncset.done $0x0  }
0x1d: {  	s5 =	simm.s32 $0xE;
	[sflag:s20] =	ssyncadd.s32 $0xFFFFF060  }
0x1e: {  	_ =	swait.ge [sflag:s5], $0xFA0  }
0x1f: {  	[sflag:s5] =	ssyncset.done $0x0  }
0x20: {  	[sflag:s5] =	ssyncadd.s32 $0xFFFFF060  }
0x21: {  	_ =	swait.ge [sflag:s6], $0xFA0  }
0x22: {  	[sflag:s6] =	ssyncset.done $0x0  }
0x23: {  	s7 =	simm.s32 $0x10;
	[sflag:s6] =	ssyncadd.s32 $0xFFFFF060  }
0x24: {  	_ =	swait.ge [sflag:s7], $0xFA0  }
0x25: {  	[sflag:s7] =	ssyncset.done $0x0  }
0x26: {  	s8 =	simm.s32 $0x11;
	[sflag:s7] =	ssyncadd.s32 $0xFFFFF060  }
0x27: {  	_ =	swait.ge [sflag:s8], $0xFA0  }
0x28: {  	[sflag:s8] =	ssyncset.done $0x0  }
0x29: {  	s9 =	simm.s32 $0x12;
	[sflag:s8] =	ssyncadd.s32 $0xFFFFF060  }
0x2a: {  	_ =	swait.ge [sflag:s9], $0xFA0  }
0x2b: {  	[sflag:s9] =	ssyncset.done $0x0  }
0x2c: {  	s10 =	simm.s32 $0x13;
	[sflag:s9] =	ssyncadd.s32 $0xFFFFF060  }
0x2d: {  	_ =	swait.ge [sflag:s10], $0xFA0  }
0x2e: {  	[sflag:s10] =	ssyncset.done $0x0  }
0x2f: {  	s18 =	simm.s32 $0x14;
	[sflag:s10] =	ssyncadd.s32 $0xFFFFF060  }
0x30: {  	_ =	swait.ge [sflag:s18], $0xFA0  }
0x31: {  	[sflag:s18] =	ssyncset.done $0x0  }
0x32: {  	[sflag:s18] =	ssyncadd.s32 $0xFFFFF060  }
0x33: {  	[bflag:$0x0] =	sbarrier.arrive $0xFFFF  }
0x34: {  	s5 =	rddreg [dreg:$0x7]  }
0x35: {  	s3 =	simm.s32 @!p0 $0x1C15;
	s7 =	rddreg [dreg:$0x9]  }
0x36: {  	[hbm:s5], [sflag:s3] =	dma.local @!p0 [spmem:s7], $0x9C40  }
0x37: {  	s3 =	simm.s32 @!p0 $0x15  }
0x38: {  	_ =	swait.ge @!p0 [sflag:s3], $0x9C40  }
0x39: {  	s4 =	sadd.s32 $0x1, s4;
	s20 =	rddreg [dreg:$0x8]  }
0x3a: {  	p1 =	sne.s32 s4, s20  }
.Ltmp1:
0x3b: {  	_ = 	snop;
	(pc) =	sbr.rel @!p1 .LBB2_5-.Ltmp1, $3  }
0x3c: {  	_ =	sdelay $0x1  }
0x3d: {  	[sflag:s3] =	ssyncset.done @!p0 $0x0  }
0x3e: {  	[sflag:s3] =	ssyncadd.s32 @!p0 $0xFFFF63C0  }
.LBB2_1:
0x3f: {  	s5 =	simm.s32 @!p0 $0x1C15;
	s3 =	rddreg [dreg:$0x4]  }
0x40: {  	[spmem:s7], [sflag:s5] =	dma.local @!p0 [hbm:s3], $0x9C40  }
0x41: {  	s5 =	simm.s32 @!p0 $0x15  }
0x42: {  	_ =	swait.ge @!p0 [sflag:s5], $0x9C40  }
0x43: {  	s9 =	simm.s32 $0x0;
	[sflag:s5] =	ssyncset.done @!p0 $0x0  }
0x44: {  	s18 =	simm.s32 $0x15;
	s10 =	rddreg [dreg:$0x5];
	[sflag:s5] =	ssyncadd.s32 @!p0 $0xFFFF63C0  }
0x45: {  	[tilespmem:s9], [sflag:$0x15] =	stream.linear.gather [hbm4b:s10+s9], $0x2800, $0x38;
	[tilespmem:$0x13A60] =	vst v63  }
0x46: {  	_ =	swait.ge [sflag:s18], $0x2800  }
0x47: {  	[sflag:s18] =	ssyncset.done $0x0  }
0x48: {  	s8 =	simm.s32 $0x2800;
	s20 =	rddreg [dreg:$0x6];
	[sflag:s18] =	ssyncadd.s32 $0xFFFFD800  }
0x49: {  	[tilespmem:s8], [sflag:$0x15] =	stream.linear.gather [hbm4b:s20+s9], $0x2800, $0x38;
	[tilespmem:$0x13A60] =	vst v63  }
0x4a: {  	_ =	swait.ge [sflag:s18], $0x2800  }
0x4b: {  	[sflag:s18] =	ssyncset.done $0x0  }
0x4c: {  	[sflag:s18] =	ssyncadd.s32 $0xFFFFD800  }
0x4d: {  	[bflag:$0x0] =	sbarrier.arrive $0xFFFF  }
0x4e: {  	[tilespmem:s13], [sflag:$0x1] =	stream.indirect.gather [hbm4b:s0+s12], $0x20, s9, s12, $0xb8;
	[tilespmem:$0x13A60] =	vst v63  }
0x4f: {  	s9 =	simm.s32 $0x80  }
0x50: {  	[tilespmem:s15], [sflag:$0x2] =	stream.indirect.gather [hbm4b:s0+s12], $0x20, s9, s12, $0xb8;
	[tilespmem:$0x13A60] =	vst v63  }
0x51: {  	s10 =	simm.s32 $0x100  }
0x52: {  	[tilespmem:s17], [sflag:$0x3] =	stream.indirect.gather [hbm4b:s0+s12], $0x20, s10, s12, $0xb8;
	[tilespmem:$0x13A60] =	vst v63  }
0x53: {  	s18 =	simm.s32 $0x180  }
0x54: {  	[tilespmem:s19], [sflag:$0x4] =	stream.indirect.gather [hbm4b:s0+s12], $0x20, s18, s12, $0xb8;
	[tilespmem:$0x13A60] =	vst v63  }
0x55: {  	s5 =	simm.s32 $0x0;
	s20 =	simm.s32 $0x200  }
0x56: {  	[tilespmem:s21], [sflag:$0x5] =	stream.indirect.gather [hbm4b:s0+s12], $0x20, s20, s12, $0xb8;
	[tilespmem:$0x13A60] =	vst v63  }
.LBB2_2:
0x57: {  	_ =	swait.ge [sflag:s22], $0xFA0  }
0x58: {  	s7 =	sshra.s32 s5, $0x2;
	[sflag:s22] =	ssyncset.done $0x0  }
0x59: {  	p1 =	seq.s32 s5, $0x0;
	s8 =	sadd.s32 $0x2800, s7;
	[sflag:s22] =	ssyncadd.s32 $0xFFFFF060  }
0x5a: {  	[spmem:s2] =	stream.indirect.scatter.add.f32 [tilespmem:s13], [sflag:$0xB], $0x20, s8, s12, $0xb8;
	[tilespmem:$0x13A60] =	vst v63  }
0x5b: {  	s8 =	simm.s32 @!p1 $0x10  }
0x5c: {  	_ =	swait.ge @!p1 [sflag:s8], $0xFA0  }
0x5d: {  	[sflag:s8] =	ssyncset.done @!p1 $0x0  }
0x5e: {  	s20 =	sadd.s32 $0x280, s7;
	[sflag:s8] =	ssyncadd.s32 @!p1 $0xFFFFF060  }
0x5f: {  	[tilespmem:s23], [sflag:$0x6] =	stream.indirect.gather [hbm4b:s0+s12], $0x20, s20, s12, $0xb8;
	[tilespmem:$0x13A60] =	vst v63  }
0x60: {  	_ =	swait.ge [sflag:s24], $0xFA0  }
0x61: {  	[sflag:s24] =	ssyncset.done $0x0  }
0x62: {  	s3 =	sadd.s32 $0x2880, s7;
	s8 =	simm.s32 @!p1 $0x11;
	[sflag:s24] =	ssyncadd.s32 $0xFFFFF060  }
0x63: {  	[spmem:s2] =	stream.indirect.scatter.add.f32 [tilespmem:s15], [sflag:$0xC], $0x20, s3, s12, $0xb8;
	[tilespmem:$0x13A60] =	vst v63  }
0x64: {  	_ =	swait.ge @!p1 [sflag:s8], $0xFA0  }
0x65: {  	[sflag:s8] =	ssyncset.done @!p1 $0x0  }
0x66: {  	s9 =	sadd.s32 $0x300, s7;
	[sflag:s8] =	ssyncadd.s32 @!p1 $0xFFFFF060  }
0x67: {  	[tilespmem:s25], [sflag:$0x7] =	stream.indirect.gather [hbm4b:s0+s12], $0x20, s9, s12, $0xb8;
	[tilespmem:$0x13A60] =	vst v63  }
0x68: {  	_ =	swait.ge [sflag:s26], $0xFA0  }
0x69: {  	[sflag:s26] =	ssyncset.done $0x0  }
0x6a: {  	s10 =	sadd.s32 $0x2900, s7;
	s8 =	simm.s32 @!p1 $0x12;
	[sflag:s26] =	ssyncadd.s32 $0xFFFFF060  }
0x6b: {  	[spmem:s2] =	stream.indirect.scatter.add.f32 [tilespmem:s17], [sflag:$0xD], $0x20, s10, s12, $0xb8;
	[tilespmem:$0x13A60] =	vst v63  }
0x6c: {  	_ =	swait.ge @!p1 [sflag:s8], $0xFA0  }
0x6d: {  	[sflag:s8] =	ssyncset.done @!p1 $0x0  }
0x6e: {  	s18 =	sadd.s32 $0x380, s7;
	[sflag:s8] =	ssyncadd.s32 @!p1 $0xFFFFF060  }
0x6f: {  	[tilespmem:s28], [sflag:$0x8] =	stream.indirect.gather [hbm4b:s0+s12], $0x20, s18, s12, $0xb8;
	[tilespmem:$0x13A60] =	vst v63  }
0x70: {  	_ =	swait.ge [sflag:s29], $0xFA0  }
0x71: {  	[sflag:s29] =	ssyncset.done $0x0  }
0x72: {  	s20 =	sadd.s32 $0x2980, s7;
	s8 =	simm.s32 @!p1 $0x13;
	[sflag:s29] =	ssyncadd.s32 $0xFFFFF060  }
0x73: {  	[spmem:s2] =	stream.indirect.scatter.add.f32 [tilespmem:s19], [sflag:$0xE], $0x20, s20, s12, $0xb8;
	[tilespmem:$0x13A60] =	vst v63  }
0x74: {  	_ =	swait.ge @!p1 [sflag:s8], $0xFA0  }
0x75: {  	[sflag:s8] =	ssyncset.done @!p1 $0x0  }
0x76: {  	s3 =	sadd.s32 $0x400, s7;
	[sflag:s8] =	ssyncadd.s32 @!p1 $0xFFFFF060  }
0x77: {  	[tilespmem:s30], [sflag:$0x9] =	stream.indirect.gather [hbm4b:s0+s12], $0x20, s3, s12, $0xb8;
	[tilespmem:$0x13A60] =	vst v63  }
0x78: {  	_ =	swait.ge [sflag:s31], $0xFA0  }
0x79: {  	[sflag:s31] =	ssyncset.done $0x0  }
0x7a: {  	s9 =	sadd.s32 $0x2A00, s7;
	s8 =	simm.s32 @!p1 $0x14;
	[sflag:s31] =	ssyncadd.s32 $0xFFFFF060  }
0x7b: {  	[spmem:s2] =	stream.indirect.scatter.add.f32 [tilespmem:s21], [sflag:$0xF], $0x20, s9, s12, $0xb8;
	[tilespmem:$0x13A60] =	vst v63  }
0x7c: {  	_ =	swait.ge @!p1 [sflag:s8], $0xFA0  }
0x7d: {  	[sflag:s8] =	ssyncset.done @!p1 $0x0  }
0x7e: {  	s10 =	sadd.s32 $0x480, s7;
	[sflag:s8] =	ssyncadd.s32 @!p1 $0xFFFFF060  }
0x7f: {  	[tilespmem:s1], [sflag:$0xA] =	stream.indirect.gather [hbm4b:s0+s12], $0x20, s10, s12, $0xb8;
	[tilespmem:$0x13A60] =	vst v63  }
0x80: {  	_ =	swait.ge [sflag:s11], $0xFA0  }
0x81: {  	p1 =	seq.s32 s5, $0x8C00;
	[sflag:s11] =	ssyncset.done $0x0  }
0x82: {  	s18 =	sadd.s32 $0x2A80, s7;
	s8 =	simm.s32 @p1 $0x7;
	[sflag:s11] =	ssyncadd.s32 $0xFFFFF060  }
0x83: {  	[spmem:s2] =	stream.indirect.scatter.add.f32 [tilespmem:s23], [sflag:$0x10], $0x20, s18, s12, $0xb8;
	[tilespmem:$0x13A60] =	vst v63  }
0x84: {  	_ =	swait.ge @p1 [sflag:s8], $0xFA0  }
0x85: {  	[sflag:s8] =	ssyncset.done @p1 $0x0  }
0x86: {  	[sflag:s8] =	ssyncadd.s32 @p1 $0xFFFFF060;
	s8 =	sshra.s32 @p1 s5, $0x2  }
0x87: {  	s20 =	simm.s32 @p1 $0xADC0;
	s18 =	simm.s32 @p1 $0x7D;
	s3 =	sadd.s32 @p1 $0x2B00, s8  }
0x88: {  	[spmem:s2] =	stream.indirect.scatter.add.f32 @p1 [tilespmem:s20], [sflag:$0x11], $0x20, s3, s18, $0xb8;
	[tilespmem:$0x13A60] =	vst v63  }
0x89: {  	s3 =	simm.s32 @!p1 $0xB  }
0x8a: {  	_ =	swait.ge @!p1 [sflag:s3], $0xFA0  }
0x8b: {  	[sflag:s3] =	ssyncset.done @!p1 $0x0  }
0x8c: {  	[sflag:s3] =	ssyncadd.s32 @!p1 $0xFFFFF060;
	s3 =	sshra.s32 @!p1 s5, $0x2  }
0x8d: {  	s9 =	simm.s32 @!p1 $0x7D;
	s10 =	simm.s32 @!p1 $0x5000;
	s20 =	sadd.s32 @!p1 $0x500, s3  }
0x8e: {  	[tilespmem:s10], [sflag:$0x1] =	stream.indirect.gather @!p1 [hbm4b:s0+s9], $0x20, s20, s9, $0xb8;
	[tilespmem:$0x13A60] =	vst v63  }
0x8f: {  	s10 =	simm.s32 @!p1 $0x7  }
0x90: {  	_ =	swait.ge @!p1 [sflag:s10], $0xFA0  }
0x91: {  	[sflag:s10] =	ssyncset.done @!p1 $0x0  }
0x92: {  	s20 =	simm.s32 @!p1 $0xADC0;
	[sflag:s10] =	ssyncadd.s32 @!p1 $0xFFFFF060;
	s10 =	sadd.s32 @!p1 $0x2B00, s3  }
0x93: {  	[spmem:s2] =	stream.indirect.scatter.add.f32 @!p1 [tilespmem:s20], [sflag:$0x11], $0x20, s10, s9, $0xb8;
	[tilespmem:$0x13A60] =	vst v63  }
0x94: {  	s10 =	simm.s32 @!p1 $0xC  }
0x95: {  	_ =	swait.ge @!p1 [sflag:s10], $0xFA0  }
0x96: {  	[sflag:s10] =	ssyncset.done @!p1 $0x0  }
0x97: {  	s20 =	simm.s32 @!p1 $0x5FA0;
	[sflag:s10] =	ssyncadd.s32 @!p1 $0xFFFFF060;
	s10 =	sadd.s32 @!p1 $0x580, s3  }
0x98: {  	[tilespmem:s20], [sflag:$0x2] =	stream.indirect.gather @!p1 [hbm4b:s0+s9], $0x20, s10, s9, $0xb8;
	[tilespmem:$0x13A60] =	vst v63  }
0x99: {  	_ =	swait.ge [sflag:s14], $0xFA0  }
0x9a: {  	[sflag:s14] =	ssyncset.done $0x0  }
0x9b: {  	s20 =	sadd.s32 $0x2B80, s7;
	s10 =	simm.s32 @p1 $0x9;
	[sflag:s14] =	ssyncadd.s32 $0xFFFFF060  }
0x9c: {  	[spmem:s2] =	stream.indirect.scatter.add.f32 [tilespmem:s28], [sflag:$0x12], $0x20, s20, s12, $0xb8;
	[tilespmem:$0x13A60] =	vst v63  }
0x9d: {  	_ =	swait.ge @p1 [sflag:s10], $0xFA0  }
0x9e: {  	[sflag:s10] =	ssyncset.done @p1 $0x0  }
0x9f: {  	s8 =	sadd.s32 @p1 $0x2C00, s8;
	[sflag:s10] =	ssyncadd.s32 @p1 $0xFFFFF060;
	s10 =	simm.s32 @p1 $0xCD00  }
0xa0: {  	[spmem:s2] =	stream.indirect.scatter.add.f32 @p1 [tilespmem:s10], [sflag:$0x13], $0x20, s8, s18, $0xb8;
	[tilespmem:$0x13A60] =	vst v63  }
0xa1: {  	s8 =	simm.s32 @!p1 $0xD  }
0xa2: {  	_ =	swait.ge @!p1 [sflag:s8], $0xFA0  }
0xa3: {  	[sflag:s8] =	ssyncset.done @!p1 $0x0  }
0xa4: {  	s10 =	simm.s32 @!p1 $0x6F40;
	[sflag:s8] =	ssyncadd.s32 @!p1 $0xFFFFF060;
	s8 =	sadd.s32 @!p1 $0x600, s3  }
0xa5: {  	[tilespmem:s10], [sflag:$0x3] =	stream.indirect.gather @!p1 [hbm4b:s0+s9], $0x20, s8, s9, $0xb8;
	[tilespmem:$0x13A60] =	vst v63  }
0xa6: {  	s8 =	simm.s32 @!p1 $0x9  }
0xa7: {  	_ =	swait.ge @!p1 [sflag:s8], $0xFA0  }
0xa8: {  	[sflag:s8] =	ssyncset.done @!p1 $0x0  }
0xa9: {  	s10 =	simm.s32 @!p1 $0xCD00;
	[sflag:s8] =	ssyncadd.s32 @!p1 $0xFFFFF060;
	s8 =	sadd.s32 @!p1 $0x2C00, s3  }
0xaa: {  	[spmem:s2] =	stream.indirect.scatter.add.f32 @!p1 [tilespmem:s10], [sflag:$0x13], $0x20, s8, s9, $0xb8;
	[tilespmem:$0x13A60] =	vst v63  }
0xab: {  	s8 =	simm.s32 @!p1 $0xE  }
0xac: {  	_ =	swait.ge @!p1 [sflag:s8], $0xFA0  }
0xad: {  	[sflag:s8] =	ssyncset.done @!p1 $0x0  }
0xae: {  	s3 =	sadd.s32 @!p1 $0x680, s3;
	[sflag:s8] =	ssyncadd.s32 @!p1 $0xFFFFF060;
	s8 =	simm.s32 @!p1 $0x7EE0  }
0xaf: {  	[tilespmem:s8], [sflag:$0x4] =	stream.indirect.gather @!p1 [hbm4b:s0+s9], $0x20, s3, s9, $0xb8;
	[tilespmem:$0x13A60] =	vst v63  }
.Ltmp2:
0xb0: {  	_ = 	snop;
	(pc) =	sbr.rel @p1 .LBB2_4-.Ltmp2, $4  }
0xb1: {  	_ =	swait.ge [sflag:s16], $0xFA0  }
0xb2: {  	[sflag:s16] =	ssyncset.done $0x0  }
0xb3: {  	s20 =	sadd.s32 $0x2C80, s7;
	[sflag:s16] =	ssyncadd.s32 $0xFFFFF060  }
0xb4: {  	[spmem:s2] =	stream.indirect.scatter.add.f32 [tilespmem:s1], [sflag:$0x14], $0x20, s20, s12, $0xb8;
	[tilespmem:$0x13A60] =	vst v63  }
.Ltmp3:
0xb5: {  	(pc) =	sbr.rel .LBB2_2-.Ltmp3, $4  }
0xb6: {  	_ =	swait.ge [sflag:s6], $0xFA0  }
0xb7: {  	[sflag:s6] =	ssyncset.done $0x0  }
0xb8: {  	s3 =	sadd.s32 $0x700, s7;
	s5 =	sadd.s32 $0x1400, s5;
	[sflag:s6] =	ssyncadd.s32 $0xFFFFF060  }
0xb9: {  	[tilespmem:s21], [sflag:$0x5] =	stream.indirect.gather [hbm4b:s0+s12], $0x20, s3, s12, $0xb8;
	[tilespmem:$0x13A60] =	vst v63  }
.LBB2_5:
0xba: {  	_ =	sfence.sel $0x180000  }
0xbb: {  	[bflag:$0x0] =	sbarrier.arrive $0xFFFF  }
0xbc: {  	_ =	strace $0x9000004D  }
0xbd: {  	[bflag:$0x2] =	sbarrier.arrive $0xFFFF  }
0xbe: {  	s0 =	rddreg [dreg:$0x3]  }
0xbf: {  	s0 =	sadd.s32 @!p0 $0x100000, s0  }
0xc0: {  	[sflag:s0] =	ssyncadd.tile.s32 @!p0 $0x1;
	_ =	shalt  }
.Lfunc_end2:
_tile_overlayer_lowered:
.L_overlay_start_2:
0xc1: {  	(tag) =	ssettag $0x2  }
0xc2: {  	s0 =	rddreg [dreg:$0x0];
	s2 =	stileid.u32  }
0xc3: {  	s1 =	rddreg [dreg:$0x1];
	p0 =	sne.s32 s2, $0x0  }
0xc4: {  	s3 =	rddreg [dreg:$0x2];
	[bflag:$0x3] =	sbarrier.arrive $0xFFFF;
	s2 =	simm.s32 @!p0 $0x1C15  }
0xc5: {  	[timem:s3], [sflag:s2] =	dma.local @!p0 [hbm:s0], s1  }
0xc6: {  	s0 =	simm.s32 @!p0 $0x15  }
0xc7: {  	_ =	swait.ge @!p0 [sflag:s0], s1  }
0xc8: {  	s1 =	ssub.s32 @!p0 $0x0, s1;
	[sflag:s0] =	ssyncset.done @!p0 $0x0  }
0xc9: {  	[sflag:s0] =	ssyncadd.s32 @!p0 s1  }
0xca: {  	[bflag:$0x3] =	sbarrier.arrive $0xFFFF  }
0xcb: {  	_ =	shalt  }

// kernel: kernel.8.cloned.1.call-start
scs
__scs_entry_jumppad:
0x0: {  	(pc) =	sbr.rel $0x88, $3  }
0x1: {  	(tag) =	ssettag $0x0;
	lr =	simm.s32 $0x1  }
0x2: {  	[smem:$0x3F99] =	sst lr;
	_ =	strace $0xD0000000  }
0x3: {  	_ = 	snop  }
0x4: {  	_ = 	snop  }
0x5: {  	_ = 	snop  }
0x6: {  	_ = 	snop  }
0x7: {  	_ = 	snop  }
__scs_overlays_trampoline_lowered:
0x8: {  	[smem:$0x3FA8] =	sst s0  }
0x9: {  	[smem:$0x3FA9] =	sst s1  }
0xa: {  	[smem:$0x3FAA] =	sst s2  }
0xb: {  	[smem:$0x3FAB] =	sst s3  }
0xc: {  	[smem:$0x3FAC] =	sst s4  }
0xd: {  	[smem:$0x3FAD] =	sst s5  }
0xe: {  	[smem:$0x3FAE] =	sst s6  }
0xf: {  	[smem:$0x3FAF] =	sst s7  }
0x10: {  	[smem:$0x3FB0] =	sst s8  }
0x11: {  	[smem:$0x3FB1] =	sst s9;
	s0 =	simm.s32 @!p0 $0x0  }
0x12: {  	s1 =	sld [smem:$0x3F97];
	s0 =	simm.s32 @p0 $0x1  }
0x13: {  	[smem:$0x3FB2] =	sst s0;
	s0 =	simm.s32 @!p1 $0x0  }
0x14: {  	s2 =	sld [smem:$0x3F96];
	s0 =	simm.s32 @p1 $0x1  }
0x15: {  	[smem:$0x3FB3] =	sst s0;
	s0 =	simm.s32 @!p2 $0x0  }
0x16: {  	s3 =	sld [smem:$0x3FDB];
	s0 =	simm.s32 @p2 $0x1  }
0x17: {  	s4 =	simm.s32 $0x1BF5;
	[smem:$0x3FB5] =	sst s0  }
0x18: {  	s0 =	sld [smem:$0x3F98];
	_ =	swait.ge [sflag:s4], $0x0  }
0x19: {  	s7 =	sld [smem:$0x3F99]  }
0x1a: {  	s8 =	sadd.s32 $0xFFFFE003, lr  }
0x1b: {  	s9 =	sadd.s32 $0xFFFFFEF7, lr;
	s5 =	simm.s32 $0xFFFFFFFF;
	p2 =	slt.u32 s8, $0xFFFFF086  }
0x1c: {  	p1 =	slt.u32 s9, $0xF7A;
	s5 =	simm.s32 @!p2 $0x0  }
0x1d: {  	s5 =	simm.s32 @p1 $0x1;
	p0 =	seq.s32 s7, s2  }
0x1e: {  	s7 =	smul.u32 @!p0 $0xF7A, s2;
	p2 =	seq.s32 @!p0 s5, $0x0  }
0x1f: {  	s9 =	smul.u32 $0xF7A, s1;
	s8 =	simm.s32 @!p0 $0x1BF5;
	p2 =	por !p2, p0  }
0x20: {  	[sflag:s8] =	ssyncset.s32 @!p0 $0xFFFFF086;
	s6 =	sadd.s32 @!p0 s3, s7;
	s7 =	simm.s32 @!p0 $0x108  }
0x21: {  	s3 =	sadd.s32 s3, s9;
	s6 =	sadd.s32 @!p0 $0x88, s6;
	s7 =	simm.s32 @p2 $0x1082  }
0x22: {  	[simem:s7], [sflag:s8] =	dma.local @!p0 [hbm:s6], $0xF7A  }
0x23: {  	s9 =	sor.u32 $0xD0000000, s2;
	s6 =	simm.s32 $0x108;
	_ =	swait.ge @!p0 [sflag:s8], $0x0  }
0x24: {  	s3 =	sadd.s32 $0x88, s3;
	s6 =	simm.s32 @!p1 $0x1082;
	[sflag:s4] =	ssyncset.s32 $0xFFFFF086  }
0x25: {  	[simem:s6], [sflag:s4] =	dma.local [hbm:s3], $0xF7A  }
0x26: {  	[smem:$0x3F99] =	sst s1;
	(tag) =	ssettag s2;
	_ =	strace s9  }
0x27: {  	s1 =	sld [smem:$0x3FA9]  }
0x28: {  	s2 =	sld [smem:$0x3FAA]  }
0x29: {  	s4 =	sld [smem:$0x3FAC]  }
0x2a: {  	p0 =	seq.s32 s5, $0x0;
	s5 =	sld [smem:$0x3FAD]  }
0x2b: {  	s6 =	sld [smem:$0x3FAE]  }
0x2c: {  	s7 =	sld [smem:$0x3FAF]  }
0x2d: {  	s3 =	simm.s32 $0x108;
	s8 =	sld [smem:$0x3FB0]  }
0x2e: {  	s3 =	simm.s32 @!p0 $0x1082;
	s9 =	sld [smem:$0x3FB1]  }
0x2f: {  	lr =	sadd.s32 s0, s3;
	s0 =	sld [smem:$0x3FA8]  }
0x30: {  	s3 =	sld [smem:$0x3FAB]  }
0x31: {  	[smem:$0x3FB4] =	sst s10  }
0x32: {  	s10 =	sld [smem:$0x3FB2];
	_ =	sdelay $0x3  }
0x33: {  	p0 =	seq.s32 s10, $0x1;
	s10 =	sld [smem:$0x3FB4];
	_ =	sdelay $0x3  }
0x34: {  	[smem:$0x3FB4] =	sst s10  }
0x35: {  	s10 =	sld [smem:$0x3FB3];
	_ =	sdelay $0x3  }
0x36: {  	p1 =	seq.s32 s10, $0x1;
	s10 =	sld [smem:$0x3FB4];
	_ =	sdelay $0x3  }
0x37: {  	[smem:$0x3FB4] =	sst s10  }
0x38: {  	s10 =	sld [smem:$0x3FB5]  }
0x39: {  	_ = 	snop;
	(pc) =	sbr.ind lr, $3  }
0x3a: {  	_ = 	snop  }
0x3b: {  	_ = 	snop  }
0x3c: {  	p2 =	seq.s32 s10, $0x1;
	s10 =	sld [smem:$0x3FB4]  }
0x3d: {  	_ =	shalt  }
0x3e: {  	_ =	shalt  }
0x3f: {  	_ =	shalt  }
0x40: {  	_ =	shalt  }
0x41: {  	_ =	shalt  }
0x42: {  	_ =	shalt  }
0x43: {  	_ =	shalt  }
0x44: {  	_ =	shalt  }
0x45: {  	_ =	shalt  }
0x46: {  	_ =	shalt  }
0x47: {  	_ =	shalt  }
0x48: {  	_ =	shalt  }
0x49: {  	_ =	shalt  }
0x4a: {  	_ =	shalt  }
0x4b: {  	_ =	shalt  }
0x4c: {  	_ =	shalt  }
0x4d: {  	_ =	shalt  }
0x4e: {  	_ =	shalt  }
0x4f: {  	_ =	shalt  }
0x50: {  	_ =	shalt  }
0x51: {  	_ =	shalt  }
0x52: {  	_ =	shalt  }
0x53: {  	_ =	shalt  }
0x54: {  	_ =	shalt  }
0x55: {  	_ =	shalt  }
0x56: {  	_ =	shalt  }
0x57: {  	_ =	shalt  }
0x58: {  	_ =	shalt  }
0x59: {  	_ =	shalt  }
0x5a: {  	_ =	shalt  }
0x5b: {  	_ =	shalt  }
0x5c: {  	_ =	shalt  }
0x5d: {  	_ =	shalt  }
0x5e: {  	_ =	shalt  }
0x5f: {  	_ =	shalt  }
0x60: {  	_ =	shalt  }
0x61: {  	_ =	shalt  }
0x62: {  	_ =	shalt  }
0x63: {  	_ =	shalt  }
0x64: {  	_ =	shalt  }
0x65: {  	_ =	shalt  }
0x66: {  	_ =	shalt  }
0x67: {  	_ =	shalt  }
0x68: {  	_ =	shalt  }
0x69: {  	_ =	shalt  }
0x6a: {  	_ =	shalt  }
0x6b: {  	_ =	shalt  }
0x6c: {  	_ =	shalt  }
0x6d: {  	_ =	shalt  }
0x6e: {  	_ =	shalt  }
0x6f: {  	_ =	shalt  }
0x70: {  	_ =	shalt  }
0x71: {  	_ =	shalt  }
0x72: {  	_ =	shalt  }
0x73: {  	_ =	shalt  }
0x74: {  	_ =	shalt  }
0x75: {  	_ =	shalt  }
0x76: {  	_ =	shalt  }
0x77: {  	_ =	shalt  }
0x78: {  	_ =	shalt  }
0x79: {  	_ =	shalt  }
0x7a: {  	_ =	shalt  }
0x7b: {  	_ =	shalt  }
0x7c: {  	_ =	shalt  }
0x7d: {  	_ =	shalt  }
0x7e: {  	_ =	shalt  }
0x7f: {  	_ =	shalt  }
0x80: {  	_ =	shalt  }
0x81: {  	_ =	shalt  }
0x82: {  	_ =	shalt  }
0x83: {  	_ =	shalt  }
0x84: {  	_ =	shalt  }
0x85: {  	_ =	shalt  }
0x86: {  	_ =	shalt  }
0x87: {  	_ =	shalt  }
.Lfunc_end0:
.L_simem_size_0:
called_computation_lowered:
.L_overlay_start_0:
0x88: {  	s2 =	sld [smem:$0x3FD9]  }
0x89: {  	s3 =	sld [smem:$0x3FFE];
	_ =	sdelay $0x1  }
0x8a: {  	s1 =	srdreg.scid  }
0x8b: {  	s0 =	sand.u32 $0x1, s1  }
0x8c: {  	s16 =	sshll.u32 s0, $0xA;
	s2 =	sadd.s32 s3, s2  }
0x8d: {  	s2 =	sadd.s32 s2, s16  }
0x8e: {  	[smem:$0x3FC0] =	sst s2  }
0x8f: {  	_ = 	snop  }
0x90: {  	(tm) =	ssettm $0x1  }
0x91: {  	s17 =	sld [smem:$0x3FFB];
	_ =	sdelay $0x3  }
0x92: {  	_ =	strace s17  }
0x93: {  	s2 =	sld [smem:$0x3FFC];
	_ =	sdelay $0x3  }
0x94: {  	_ =	strace s2  }
0x95: {  	s2 =	sld [smem:$0x3FFD];
	_ =	sdelay $0x3  }
0x96: {  	_ =	strace s2  }
0x97: {  	_ =	strace $0x8FFFFFFF  }
0x98: {  	s18 =	sld [smem:$0x3FDB];
	_ =	sdelay $0x1  }
0x99: {  	s19 =	simm.s32 $_scs_section_size  }
0x9a: {  	s4 =	simm.s32 $_size__tile_overlayer_lowered;
	s5 =	simm.s32 $_tile_overlayer_lowered  }
0x9b: {  	s22 =	simm.s32 $0x1BFF;
	s21 =	sshll.u32 s5, $0x1;
	s2 =	sadd.s32 s19, s18  }
0x9c: {  	s6 =	simm.s32 $0x0;
	s20 =	sshll.u32 s4, $0x1;
	s4 =	sadd.s32 s21, s2  }
0x9d: {  	[timem:s6], [sflag:s22] =	dma.local [hbm:s4], s20  }
0x9e: {  	_ =	swait.ge [sflag:s22], s20  }
0x9f: {  	s3 =	ssub.s32 $0x0, s20;
	[sflag:s22] =	ssyncset.done $0x0  }
0xa0: {  	[sflag:s22] =	ssyncadd.s32 s3;
	_ =	sdelay $0x1  }
0xa1: {  	s23 =	simm.s32 $0x1B8B  }
0xa2: {  	_ =	swait.ge [sflag:s23], $0x1  }
0xa3: {  	[sflag:s23] =	ssyncset.done $0x0  }
0xa4: {  	s25 =	simm.s32 $0x1B8E;
	s24 =	sld [smem:$0x3FFE];
	[sflag:s23] =	ssyncadd.s32 $0xFFFFFFFF  }
0xa5: {  	s26 =	simm.s32 $execute0_lowered;
	[smem:$0x3FD2] =	sst s25  }
0xa6: {  	s4 =	sshll.u32 s26, $0x1;
	_ =	strace $0x80000046;
	[dreg:$0x1] =	wrdreg $0xFFFFFFFF  }
0xa7: {  	s28 =	simm.s32 $_size_execute0_lowered;
	s2 =	sadd.s32 s2, s4;
	[dreg:$0x0] =	wrdreg $0x0  }
0xa8: {  	s4 =	sshll.u32 s28, $0x1;
	[dreg:$0x2] =	wrdreg s2  }
0xa9: {  	[dreg:$0x3] =	wrdreg s4  }
0xaa: {  	[dreg:$0x4] =	wrdreg $0xC0  }
0xab: {  	_ =	task [dreg:s6], $0x5FFFF  }
0xac: {  	[dreg:$0x1] =	wrdreg $0xFFFFFFFF  }
0xad: {  	[dreg:$0x0] =	wrdreg $0x60  }
0xae: {  	[dreg:$0x2] =	wrdreg s24  }
0xaf: {  	[dreg:$0x3] =	wrdreg $0x37A00  }
0xb0: {  	[dreg:$0x4] =	wrdreg $0x9  }
0xb1: {  	_ =	task.clear_ibuf [dreg:s6], $0x5FFFF;
	_ =	strace $0x90000046  }
0xb2: {  	s29 =	simm.s32 $0x9;
	_ =	strace $0x80000048  }
0xb3: {  	_ =	swait.ge [sflag:s29], $0x1  }
0xb4: {  	[sflag:s29] =	ssyncadd.s32 $0xFFFFFFFF  }
0xb5: {  	_ =	strace $0x90000048  }
0xb6: {  	_ =	sfence  }
0xb7: {  	s30 =	sld [smem:$0x0];
	_ =	sdelay $0x2  }
0xb8: {  	s31 =	sshll.u32 s1, $0xD;
	s1 =	sshrl.u32 s1, $0x2  }
0xb9: {  	s3 =	sand.u32 $0x4000, s31;
	s1 =	sadd.s32 s1, s30  }
0xba: {  	s0 =	sor.u32 s3, s0;
	s1 =	sshll.u32 s1, $0x11  }
0xbb: {  	s0 =	sor.u32 s1, s0  }
0xbc: {  	s0 =	sadd.s32 $0x8F2B, s0  }
0xbd: {  	[sflag:s0] =	ssyncadd.remote.s32 $0x1  }
0xbe: {  	_ =	sfence.sel $0xFFFF  }
0xbf: {  	[dreg:$0x0] =	wrdreg $0xFFFFFFFF;
	(pc) =	sbr.abs _section_cstart, $3  }
0xc0: {  	[dreg:$0x1] =	wrdreg $0xFFFFFFFF  }
0xc1: {  	_ =	task.clear_ibuf [dreg:s6], $0x2FFFF;
	_ =	strace $0x9FFFFFFF  }
0xc2: {  	(tm) =	ssettm $0x7FFFFFFF  }
0xc3: {  	_ =	shalt  }
tec
execute0_lowered:
.L_overlay_start_1:
0x0: {  	(tag) =	ssettag $0x1  }
0x1: {  	s0 =	srdreg.scid;
	s4 =	rddreg [dreg:$0x0]  }
0x2: {  	s6 =	stileid.u32;
	s1 =	rddreg [dreg:$0x1]  }
0x3: {  	s2 =	simm.s32 $0x0;
	s10 =	simm.s32 $0x2800;
	s11 =	simm.s32 $0x1  }
0x4: {  	s3 =	sand.u32 $0x1, s0;
	s31 =	sshll.u32 s6, $0x1;
	s0 =	rddreg [dreg:$0x2]  }
0x5: {  	[smem:$0x7FF] =	sst s2;
	p0 =	sne.s32 s6, $0x0;
	s5 =	sor.u32 s3, s31  }
0x6: {  	s7 =	smul.u32 $0x9C40, s3;
	s8 =	ssub.s32 $0x2, s3;
	_ =	strace $0x80000047  }
0x7: {  	s3 =	sadd.s32 $0xC000, s4;
	s5 =	smul.u32 $0x500, s5;
	s9 =	sshrl.u32 s8, $0x1  }
0x8: {  	s7 =	sadd.s32 s7, s4;
	s8 =	ssub.s32 s8, s9;
	s9 =	simm.s32 $0x7D  }
0x9: {  	s5 =	sadd.s32 s5, s4;
	s6 =	smax.u32 s8, $0x1;
	s8 =	simm.s32 $0x2  }
0xa: {  	v0 =	vimm.f32 $1.000000000e+00;
	s4 =	sadd.s32 $0x2000, s5;
	s5 =	sadd.s32 $0x15E00, s7;
	s7 =	sshrl.u32 @!p0 s1, $0x3  }
.LBB2_1:
0xb: {  	s12 =	simm.s32 @!p0 $0x1C02  }
0xc: {  	[spmem:s7], [sflag:s12] =	dma.local @!p0 [hbm:s3], $0x9C40  }
0xd: {  	s12 =	simm.s32 @!p0 $0x2  }
0xe: {  	_ =	swait.ge @!p0 [sflag:s12], $0x9C40  }
0xf: {  	[sflag:s12] =	ssyncset.done @!p0 $0x0  }
0x10: {  	s13 =	simm.s32 $0x0;
	[sflag:s12] =	ssyncadd.s32 @!p0 $0xFFFF63C0;
	s12 =	simm.s32 $0x80  }
.LBB2_2:
0x11: {  	p1 =	sne.s32 s12, $0x3E00;
	[tilespmem:s13+$0x2800] =	vst v0;
	s14 =	smov.u32 s12;
	s12 =	sadd.s32 $0x80, s12  }
.Ltmp0:
0x12: {  	[tilespmem:s13+$0x2810] =	vst v0;
	(pc) =	sbr.rel @p1 .LBB2_2-.Ltmp0, $2  }
0x13: {  	_ =	sdelay $0x2  }
0x14: {  	s13 =	sshra.s32 s14, $0x2  }
0x15: {  	[tilespmem:s13+$0x2800] =	vst v0  }
0x16: {  	[tilespmem:s13+$0x2810] =	vst v0;
	s12 =	simm.s32 $0x0  }
0x17: {  	[tilespmem:s12], [sflag:$0x2] =	stream.linear.gather [hbm4b:s4+s12], $0x2800, $0x38;
	[tilespmem:$0x85C0] =	vst v63  }
0x18: {  	_ =	swait.ge [sflag:s8], $0x2800  }
0x19: {  	[sflag:s8] =	ssyncset.done $0x0  }
0x1a: {  	p1 =	por $0x1, $0x1;
	[sflag:s8] =	ssyncadd.s32 $0xFFFFD800  }
0x1b: {  	s14 =	simm.s32 @!p1 $0x1;
	[bflag:$0x0] =	sbarrier.arrive $0xFFFF  }
0x1c: {  	[spmem:s1] =	stream.indirect.scatter.add.f32 [tilespmem:s10], [sflag:$0x1], $0x20, s12, s9, $0xb8;
	[tilespmem:$0x85C0] =	vst v63  }
0x1d: {  	_ =	swait.ge @!p1 [sflag:s14], $0xFA0  }
0x1e: {  	s13 =	simm.s32 $0x1;
	[sflag:s14] =	ssyncset.done @!p1 $0x0  }
.LBB2_4:
0x1f: {  	[sflag:s14] =	ssyncadd.s32 @!p1 $0xFFFFF060  }
0x20: {  	s12 =	sadd.s32 $0x80, s12;
	s14 =	smov.u32 s13;
	s13 =	sadd.s32 $0x1, s13  }
0x21: {  	p2 =	sne.s32 s13, $0x50  }
0x22: {  	[spmem:s1] =	stream.indirect.scatter.add.f32 [tilespmem:s10], [sflag:$0x1], $0x20, s12, s9, $0xb8;
	[tilespmem:$0x85C0] =	vst v63  }
.Ltmp1:
0x23: {  	_ = 	snop;
	(pc) =	sbr.rel @p2 .LBB2_4-.Ltmp1, $4  }
0x24: {  	p1 =	slt.u32 s14, $0xA  }
0x25: {  	s14 =	simm.s32 @!p1 $0x1  }
0x26: {  	_ =	swait.ge @!p1 [sflag:s14], $0xFA0  }
0x27: {  	[sflag:s14] =	ssyncset.done @!p1 $0x0  }
0x28: {  	[sflag:s14] =	ssyncadd.s32 @!p1 $0xFFFFF060  }
0x29: {  	_ =	swait.ge [sflag:s11], $0xFA0  }
0x2a: {  	[sflag:s11] =	ssyncset.done $0x0  }
0x2b: {  	[sflag:s11] =	ssyncadd.s32 $0xFFFFF060  }
0x2c: {  	_ =	swait.ge [sflag:s11], $0xFA0  }
0x2d: {  	[sflag:s11] =	ssyncset.done $0x0  }
0x2e: {  	[sflag:s11] =	ssyncadd.s32 $0xFFFFF060  }
0x2f: {  	_ =	swait.ge [sflag:s11], $0xFA0  }
0x30: {  	[sflag:s11] =	ssyncset.done $0x0  }
0x31: {  	[sflag:s11] =	ssyncadd.s32 $0xFFFFF060  }
0x32: {  	_ =	swait.ge [sflag:s11], $0xFA0  }
0x33: {  	[sflag:s11] =	ssyncset.done $0x0  }
0x34: {  	[sflag:s11] =	ssyncadd.s32 $0xFFFFF060  }
0x35: {  	_ =	swait.ge [sflag:s11], $0xFA0  }
0x36: {  	[sflag:s11] =	ssyncset.done $0x0  }
0x37: {  	[sflag:s11] =	ssyncadd.s32 $0xFFFFF060  }
0x38: {  	_ =	swait.ge [sflag:s11], $0xFA0  }
0x39: {  	[sflag:s11] =	ssyncset.done $0x0  }
0x3a: {  	[sflag:s11] =	ssyncadd.s32 $0xFFFFF060  }
0x3b: {  	_ =	swait.ge [sflag:s11], $0xFA0  }
0x3c: {  	[sflag:s11] =	ssyncset.done $0x0  }
0x3d: {  	[sflag:s11] =	ssyncadd.s32 $0xFFFFF060  }
0x3e: {  	_ =	swait.ge [sflag:s11], $0xFA0  }
0x3f: {  	[sflag:s11] =	ssyncset.done $0x0  }
0x40: {  	[sflag:s11] =	ssyncadd.s32 $0xFFFFF060  }
0x41: {  	_ =	swait.ge [sflag:s11], $0xFA0  }
0x42: {  	[sflag:s11] =	ssyncset.done $0x0  }
0x43: {  	[sflag:s11] =	ssyncadd.s32 $0xFFFFF060  }
0x44: {  	_ =	swait.ge [sflag:s11], $0xFA0  }
0x45: {  	[sflag:s11] =	ssyncset.done $0x0  }
0x46: {  	s2 =	sadd.s32 $0x1, s2;
	[sflag:s11] =	ssyncadd.s32 $0xFFFFF060  }
0x47: {  	s12 =	simm.s32 @!p0 $0x1C02;
	p1 =	sne.s32 s2, s6;
	[bflag:$0x0] =	sbarrier.arrive $0xFFFF  }
0x48: {  	[hbm:s5], [sflag:s12] =	dma.local @!p0 [spmem:s7], $0x9C40  }
.Ltmp2:
0x49: {  	_ = 	snop;
	(pc) =	sbr.rel @p1 .LBB2_1-.Ltmp2, $4  }
0x4a: {  	s12 =	simm.s32 @!p0 $0x2  }
0x4b: {  	_ =	swait.ge @!p0 [sflag:s12], $0x9C40  }
0x4c: {  	[sflag:s12] =	ssyncset.done @!p0 $0x0  }
0x4d: {  	[sflag:s12] =	ssyncadd.s32 @!p0 $0xFFFF63C0  }
0x4e: {  	_ =	sfence.sel $0x180000  }
0x4f: {  	[bflag:$0x0] =	sbarrier.arrive $0xFFFF  }
0x50: {  	_ =	strace $0x90000047  }
0x51: {  	s0 =	sadd.s32 @!p0 $0x100000, s0;
	[bflag:$0x2] =	sbarrier.arrive $0xFFFF  }
0x52: {  	[sflag:s0] =	ssyncadd.tile.s32 @!p0 $0x1;
	_ =	shalt  }
.Lfunc_end2:
_tile_overlayer_lowered:
.L_overlay_start_2:
0x53: {  	(tag) =	ssettag $0x2  }
0x54: {  	s0 =	rddreg [dreg:$0x0];
	s2 =	stileid.u32  }
0x55: {  	s1 =	rddreg [dreg:$0x1];
	p0 =	sne.s32 s2, $0x0  }
0x56: {  	s3 =	rddreg [dreg:$0x2];
	[bflag:$0x3] =	sbarrier.arrive $0xFFFF;
	s2 =	simm.s32 @!p0 $0x1C02  }
0x57: {  	[timem:s3], [sflag:s2] =	dma.local @!p0 [hbm:s0], s1  }
0x58: {  	s0 =	simm.s32 @!p0 $0x2  }
0x59: {  	_ =	swait.ge @!p0 [sflag:s0], s1  }
0x5a: {  	s1 =	ssub.s32 @!p0 $0x0, s1;
	[sflag:s0] =	ssyncset.done @!p0 $0x0  }
0x5b: {  	[sflag:s0] =	ssyncadd.s32 @!p0 s1  }
0x5c: {  	[bflag:$0x3] =	sbarrier.arrive $0xFFFF  }
0x5d: {  	_ =	shalt  }

</sc_bundles>
